<compile_context>
chip_gen: v7x
topology: tpu7x:2x2x1
jax: 0.10.2.dev20260603
libtpu: 0.0.44.dev20260713+nightly
codegen_flags: <defaults>
</compile_context>

<pallas_src>
import functools

import jax
import jax.numpy as jnp
from jax import lax
from jax.experimental import pallas as pl
from jax.experimental.pallas import tpu as pltpu
from jax.experimental.pallas import tpu_sc as plsc

V = 1_000_000
D = 64
B = 16384
N = 20
NC, NS, L = 2, 16, 16
NW = NC * NS
BPW = B // NW
C = 32
NCH = BPW // C
NPC = C * N
NIR = NPC // 128
TBLK = 8192
TG = (V + TBLK - 1) // TBLK
VPAD = TG * TBLK


def _tr_body(in_ref, out_ref):
    out_ref[:, :D] = in_ref[...].T


def _relayout(table):
    out = pl.pallas_call(
        _tr_body,
        grid=(TG,),
        in_specs=[pl.BlockSpec((D, TBLK), lambda g: (0, g))],
        out_specs=pl.BlockSpec((TBLK, 128), lambda g: (g, 0)),
        out_shape=jax.ShapeDtypeStruct((VPAD, 128), jnp.float32),
    )(table.T)
    return out.reshape(2 * VPAD, D)


def _sc_scores(target, context, negatives, in_embed, out_embed):
    tgt_r = (target * 2).reshape(NW, NCH, C)
    ctx_r = (context * 2).reshape(NW, NCH, C)
    neg_r = (negatives * 2).reshape(NW, NCH * NIR, 128)

    mesh = plsc.VectorSubcoreMesh(core_axis_name="c", subcore_axis_name="s")

    @functools.partial(
        pl.kernel,
        out_type=(
            jax.ShapeDtypeStruct((B,), jnp.float32),
            jax.ShapeDtypeStruct((B * N,), jnp.float32),
        ),
        mesh=mesh,
        compiler_params=pltpu.CompilerParams(
            needs_layout_passes=False, use_tc_tiling_on_sc=False,
            disable_bounds_checks=True),
        scratch_types=[
            pltpu.VMEM((NCH, C), jnp.int32),
            pltpu.VMEM((NCH, C), jnp.int32),
            pltpu.VMEM((NCH * NIR, 128), jnp.int32),
            pltpu.VMEM((2 * C, D), jnp.float32),
            pltpu.VMEM((2 * C, D), jnp.float32),
            pltpu.VMEM((2 * NPC, D), jnp.float32),
            pltpu.VMEM((BPW,), jnp.float32),
            pltpu.VMEM((BPW * N,), jnp.float32),
            pltpu.SemaphoreType.DMA,
            pltpu.SemaphoreType.DMA,
        ],
    )
    def score_kernel(tgt_hbm, ctx_hbm, neg_hbm, inemb, outemb,
                     pos_out, neg_out,
                     tgt_idx, ctx_idx, neg_idx,
                     tgt_rows, ctx_rows, neg_rows,
                     pos_buf, neg_buf, sem0, sem1):
        wid = lax.axis_index("s") * NC + lax.axis_index("c")
        pltpu.sync_copy(tgt_hbm.at[wid], tgt_idx)
        pltpu.sync_copy(ctx_hbm.at[wid], ctx_idx)
        pltpu.sync_copy(neg_hbm.at[wid], neg_idx)
        iota = lax.iota(jnp.int32, L)
        zero = jnp.zeros((L,), jnp.float32)

        def issue(c, p):
            sem = (sem0, sem1)
            for s in (0, 1):
                @pl.when(p == s)
                def _():
                    pltpu.async_copy(inemb.at[tgt_idx.at[c]],
                                     tgt_rows.at[pl.ds(s * C, C)], sem[s])
                    pltpu.async_copy(outemb.at[ctx_idx.at[c]],
                                     ctx_rows.at[pl.ds(s * C, C)], sem[s])
                    for k in range(NIR):
                        pltpu.async_copy(
                            outemb.at[neg_idx.at[c * NIR + k]],
                            neg_rows.at[pl.ds(s * NPC + k * 128, 128)],
                            sem[s])

        def drain(c, p):
            sem = (sem0, sem1)
            for s in (0, 1):
                @pl.when(p == s)
                def _():
                    pltpu.make_async_copy(
                        inemb.at[tgt_idx.at[c]],
                        tgt_rows.at[pl.ds(s * C, C)], sem[s]).wait()
                    pltpu.make_async_copy(
                        outemb.at[ctx_idx.at[c]],
                        ctx_rows.at[pl.ds(s * C, C)], sem[s]).wait()
                    for k in range(NIR):
                        pltpu.make_async_copy(
                            outemb.at[neg_idx.at[c * NIR + k]],
                            neg_rows.at[pl.ds(s * NPC + k * 128, 128)],
                            sem[s]).wait()

        issue(0, 0)

        def chunk_body(c, carry):
            p = lax.rem(c, 2)

            @pl.when(c + 1 < NCH)
            def _():
                issue(c + 1, 1 - p)

            drain(c, p)

            for g in range(C // L):
                local = iota + (g * L + p * C)
                nbase = (iota + g * L) * N + p * NPC
                off = c * C + g * L

                def dbody1(d, acc):
                    pacc, naccs = acc
                    col = jnp.full((L,), d, jnp.int32)
                    t = plsc.load_gather(tgt_rows, [local, col])
                    cx = plsc.load_gather(ctx_rows, [local, col])
                    pacc = pacc + t * cx
                    out = []
                    for j in range(N // 2):
                        nv = plsc.load_gather(neg_rows, [nbase + j, col])
                        out.append(naccs[j] + nv * t)
                    return (pacc, tuple(out))

                pacc, naccs = lax.fori_loop(
                    0, D, dbody1, (zero, (zero,) * (N // 2)), unroll=4)
                pos_buf[pl.ds(off, L)] = pacc
                for j in range(N // 2):
                    neg_buf[pl.ds(j * BPW + off, L)] = naccs[j]

                def dbody2(d, naccs):
                    col = jnp.full((L,), d, jnp.int32)
                    t = plsc.load_gather(tgt_rows, [local, col])
                    out = []
                    for j in range(N // 2, N):
                        nv = plsc.load_gather(neg_rows, [nbase + j, col])
                        out.append(naccs[j - N // 2] + nv * t)
                    return tuple(out)

                naccs = lax.fori_loop(
                    0, D, dbody2, (zero,) * (N // 2), unroll=4)
                for j in range(N // 2, N):
                    neg_buf[pl.ds(j * BPW + off, L)] = naccs[j - N // 2]
            return carry

        lax.fori_loop(0, NCH, chunk_body, 0)
        pltpu.sync_copy(pos_buf, pos_out.at[pl.ds(wid * BPW, BPW)])
        pltpu.sync_copy(neg_buf, neg_out.at[pl.ds(wid * BPW * N, BPW * N)])

    return score_kernel(tgt_r, ctx_r, neg_r,
                        _relayout(in_embed), _relayout(out_embed))


def _loss_body(pos_ref, neg_ref, out_ref):
    s = (jnp.sum(jax.nn.log_sigmoid(pos_ref[...]))
         + jnp.sum(jax.nn.log_sigmoid(-neg_ref[...])))
    out_ref[0, 0] = -s / B


def _loss_tc(pos, neg):
    out = pl.pallas_call(
        _loss_body,
        out_shape=jax.ShapeDtypeStruct((1, 1), jnp.float32),
        out_specs=pl.BlockSpec(memory_space=pltpu.SMEM),
    )(pos.reshape(B // 128, 128), neg.reshape(B * N // 128, 128))
    return out[0, 0]


def kernel(target, context, negatives, in_embed, out_embed):
    pos, neg = _sc_scores(target, context, negatives, in_embed, out_embed)
    return _loss_tc(pos, neg)

# --- scband reference (transcript-rebuilt; emitter-appended) ---
"""Pipeline reference for scband-skip-gram-model-34488587387549 (READ-ONLY COPY).

The authoritative reference and input builder live on the scoring server;
editing this copy changes nothing except your own understanding.
"""

import jax, jax.numpy as jnp
import numpy as np

VOCAB = 1000000
DIM = 64
BATCH = 16384
N_NEG = 20

def setup_inputs(seed: int = 0) -> dict:
    key = jax.random.key(seed)
    k1, k2, k3, k4, k5 = jax.random.split(key, 5)
    target = jax.random.randint(k1, (BATCH,), 0, VOCAB, dtype=jnp.int64) if jax.config.jax_enable_x64 else jax.random.randint(k1, (BATCH,), 0, VOCAB).astype(jnp.int32)
    context = jax.random.randint(k2, (BATCH,), 0, VOCAB).astype(jnp.int32)
    negatives = jax.random.randint(k3, (BATCH, N_NEG), 0, VOCAB).astype(jnp.int32)
    target = target.astype(jnp.int32)
    in_embed = jax.random.normal(k4, (VOCAB, DIM), dtype=jnp.float32)
    out_embed = jax.random.normal(k5, (VOCAB, DIM), dtype=jnp.float32)
    return {"target": target, "context": context, "negatives": negatives, "in_embed": in_embed, "out_embed": out_embed}

def reference(target, context, negatives, in_embed, out_embed):
    v_target = jnp.take(in_embed, target, axis=0)              # [B, D]
    v_context = jnp.take(out_embed, context, axis=0)           # [B, D]
    v_negatives = jnp.take(out_embed, negatives, axis=0)       # [B, N, D]
    pos_score = jnp.sum(v_target * v_context, axis=1)          # [B]
    pos_loss = -jax.nn.log_sigmoid(pos_score)                  # [B]
    neg_score = jnp.einsum('bnd,bd->bn', v_negatives, v_target)  # [B, N]
    neg_loss = -jnp.sum(jax.nn.log_sigmoid(-neg_score), axis=1)  # [B]
    return jnp.mean(pos_loss + neg_loss)

if __name__ == "__main__":
    import jax
    _d = setup_inputs()
    print(jax.jit(kernel)(*tuple(_d.values())))

</pallas_src>

<mosaic_0001>
#map = affine_map<(d0, d1) -> (0, 0, 0)>
#map1 = affine_map<(d0, d1) -> (0, 0)>
#map2 = affine_map<(d0, d1) -> (0)>
module attributes {stable_mosaic.version = 14 : i64} {
  func.func @score_kernel(%arg0: i32, %arg1: i32, %arg2: memref<32x16x32xi32, #tpu.memory_space<hbm>>, %arg3: memref<32x16x32xi32, #tpu.memory_space<hbm>>, %arg4: memref<32x80x128xi32, #tpu.memory_space<hbm>>, %arg5: memref<2015232x64xf32, #tpu.memory_space<hbm>>, %arg6: memref<2015232x64xf32, #tpu.memory_space<hbm>>, %arg7: memref<16384xf32, #tpu.memory_space<hbm>>, %arg8: memref<327680xf32, #tpu.memory_space<hbm>>, %arg9: memref<16x32xi32, #tpu.memory_space<vmem>>, %arg10: memref<16x32xi32, #tpu.memory_space<vmem>>, %arg11: memref<80x128xi32, #tpu.memory_space<vmem>>, %arg12: memref<64x64xf32, #tpu.memory_space<vmem>>, %arg13: memref<64x64xf32, #tpu.memory_space<vmem>>, %arg14: memref<1280x64xf32, #tpu.memory_space<vmem>>, %arg15: memref<512xf32, #tpu.memory_space<vmem>>, %arg16: memref<10240xf32, #tpu.memory_space<vmem>>, %arg17: memref<!tpu.dma_semaphore, #tpu.memory_space<semaphore_mem>>, %arg18: memref<!tpu.dma_semaphore, #tpu.memory_space<semaphore_mem>>) attributes {dimension_semantics = [#tpu.dimension_semantics<core_parallel>, #tpu.dimension_semantics<subcore_parallel>], iteration_bounds = array<i64: 2, 16>, scalar_prefetch = 0 : i64, scratch_operands = 10 : i64, tpu.core_type = #tpu.core_type<sc_vector_subcore>, window_params = [{transform_indices = #map}, {transform_indices = #map}, {transform_indices = #map}, {transform_indices = #map1}, {transform_indices = #map1}, {transform_indices = #map2}, {transform_indices = #map2}]} {
    %mul3A = arith.constant 2 : i32
    %mul3A_0 = arith.muli %arg1, %mul3A : i32
    %add3A = arith.addi %mul3A_0, %arg0 : i32
    "tpu.region"() ({
      %run_scoped3A = tpu.sem_alloc : memref<!tpu.dma_semaphore, #tpu.memory_space<semaphore_mem>>
      %dma_start3A_82 = arith.constant 0 : i32
      %dma_start3A_83 = arith.constant 0 : i32
      %dma_start3A_84 = tpu.memref_slice %arg2[%add3A, %dma_start3A_82, %dma_start3A_83] : memref<32x16x32xi32, #tpu.memory_space<hbm>> -> memref<1x16x32xi32, #tpu.memory_space<hbm>>
      %dma_start3A_85 = tpu.memref_squeeze %dma_start3A_84 : memref<1x16x32xi32, #tpu.memory_space<hbm>> -> memref<16x32xi32, #tpu.memory_space<hbm>>
      %dma_start3A_86 = arith.constant 0 : i32
      %dma_start3A_87 = arith.constant 0 : i32
      %dma_start3A_88 = tpu.memref_slice %arg2[%add3A, %dma_start3A_86, %dma_start3A_87] : memref<32x16x32xi32, #tpu.memory_space<hbm>> -> memref<1x16x32xi32, #tpu.memory_space<hbm>>
      %dma_start3A_89 = tpu.memref_squeeze %dma_start3A_88 : memref<1x16x32xi32, #tpu.memory_space<hbm>> -> memref<16x32xi32, #tpu.memory_space<hbm>>
      tpu.enqueue_dma source(%dma_start3A_89 : memref<16x32xi32, #tpu.memory_space<hbm>>) target(%arg9 : memref<16x32xi32, #tpu.memory_space<vmem>>) target_semaphore(%run_scoped3A : memref<!tpu.dma_semaphore, #tpu.memory_space<semaphore_mem>>)
      %dma_wait3A = arith.constant 0 : i32
      %dma_wait3A_90 = arith.constant 0 : i32
      %dma_wait3A_91 = tpu.memref_slice %arg2[%add3A, %dma_wait3A, %dma_wait3A_90] : memref<32x16x32xi32, #tpu.memory_space<hbm>> -> memref<1x16x32xi32, #tpu.memory_space<hbm>>
      %dma_wait3A_92 = tpu.memref_squeeze %dma_wait3A_91 : memref<1x16x32xi32, #tpu.memory_space<hbm>> -> memref<16x32xi32, #tpu.memory_space<hbm>>
      %dma_wait3A_93 = arith.constant 0 : i32
      %dma_wait3A_94 = arith.constant 0 : i32
      %dma_wait3A_95 = tpu.memref_slice %arg2[%add3A, %dma_wait3A_93, %dma_wait3A_94] : memref<32x16x32xi32, #tpu.memory_space<hbm>> -> memref<1x16x32xi32, #tpu.memory_space<hbm>>
      %dma_wait3A_96 = tpu.memref_squeeze %dma_wait3A_95 : memref<1x16x32xi32, #tpu.memory_space<hbm>> -> memref<16x32xi32, #tpu.memory_space<hbm>>
      tpu.wait_dma2 semaphore(%run_scoped3A : memref<!tpu.dma_semaphore, #tpu.memory_space<semaphore_mem>>) src(%dma_wait3A_96 : memref<16x32xi32, #tpu.memory_space<hbm>>) dst(%arg9 : memref<16x32xi32, #tpu.memory_space<vmem>>)
      tpu.yield
    }) : () -> ()
    "tpu.region"() ({
      %run_scoped3A = tpu.sem_alloc : memref<!tpu.dma_semaphore, #tpu.memory_space<semaphore_mem>>
      %dma_start3A_82 = arith.constant 0 : i32
      %dma_start3A_83 = arith.constant 0 : i32
      %dma_start3A_84 = tpu.memref_slice %arg3[%add3A, %dma_start3A_82, %dma_start3A_83] : memref<32x16x32xi32, #tpu.memory_space<hbm>> -> memref<1x16x32xi32, #tpu.memory_space<hbm>>
      %dma_start3A_85 = tpu.memref_squeeze %dma_start3A_84 : memref<1x16x32xi32, #tpu.memory_space<hbm>> -> memref<16x32xi32, #tpu.memory_space<hbm>>
      %dma_start3A_86 = arith.constant 0 : i32
      %dma_start3A_87 = arith.constant 0 : i32
      %dma_start3A_88 = tpu.memref_slice %arg3[%add3A, %dma_start3A_86, %dma_start3A_87] : memref<32x16x32xi32, #tpu.memory_space<hbm>> -> memref<1x16x32xi32, #tpu.memory_space<hbm>>
      %dma_start3A_89 = tpu.memref_squeeze %dma_start3A_88 : memref<1x16x32xi32, #tpu.memory_space<hbm>> -> memref<16x32xi32, #tpu.memory_space<hbm>>
      tpu.enqueue_dma source(%dma_start3A_89 : memref<16x32xi32, #tpu.memory_space<hbm>>) target(%arg10 : memref<16x32xi32, #tpu.memory_space<vmem>>) target_semaphore(%run_scoped3A : memref<!tpu.dma_semaphore, #tpu.memory_space<semaphore_mem>>)
      %dma_wait3A = arith.constant 0 : i32
      %dma_wait3A_90 = arith.constant 0 : i32
      %dma_wait3A_91 = tpu.memref_slice %arg3[%add3A, %dma_wait3A, %dma_wait3A_90] : memref<32x16x32xi32, #tpu.memory_space<hbm>> -> memref<1x16x32xi32, #tpu.memory_space<hbm>>
      %dma_wait3A_92 = tpu.memref_squeeze %dma_wait3A_91 : memref<1x16x32xi32, #tpu.memory_space<hbm>> -> memref<16x32xi32, #tpu.memory_space<hbm>>
      %dma_wait3A_93 = arith.constant 0 : i32
      %dma_wait3A_94 = arith.constant 0 : i32
      %dma_wait3A_95 = tpu.memref_slice %arg3[%add3A, %dma_wait3A_93, %dma_wait3A_94] : memref<32x16x32xi32, #tpu.memory_space<hbm>> -> memref<1x16x32xi32, #tpu.memory_space<hbm>>
      %dma_wait3A_96 = tpu.memref_squeeze %dma_wait3A_95 : memref<1x16x32xi32, #tpu.memory_space<hbm>> -> memref<16x32xi32, #tpu.memory_space<hbm>>
      tpu.wait_dma2 semaphore(%run_scoped3A : memref<!tpu.dma_semaphore, #tpu.memory_space<semaphore_mem>>) src(%dma_wait3A_96 : memref<16x32xi32, #tpu.memory_space<hbm>>) dst(%arg10 : memref<16x32xi32, #tpu.memory_space<vmem>>)
      tpu.yield
    }) : () -> ()
    "tpu.region"() ({
      %run_scoped3A = tpu.sem_alloc : memref<!tpu.dma_semaphore, #tpu.memory_space<semaphore_mem>>
      %dma_start3A_82 = arith.constant 0 : i32
      %dma_start3A_83 = arith.constant 0 : i32
      %dma_start3A_84 = tpu.memref_slice %arg4[%add3A, %dma_start3A_82, %dma_start3A_83] : memref<32x80x128xi32, #tpu.memory_space<hbm>> -> memref<1x80x128xi32, #tpu.memory_space<hbm>>
      %dma_start3A_85 = tpu.memref_squeeze %dma_start3A_84 : memref<1x80x128xi32, #tpu.memory_space<hbm>> -> memref<80x128xi32, #tpu.memory_space<hbm>>
      %dma_start3A_86 = arith.constant 0 : i32
      %dma_start3A_87 = arith.constant 0 : i32
      %dma_start3A_88 = tpu.memref_slice %arg4[%add3A, %dma_start3A_86, %dma_start3A_87] : memref<32x80x128xi32, #tpu.memory_space<hbm>> -> memref<1x80x128xi32, #tpu.memory_space<hbm>>
      %dma_start3A_89 = tpu.memref_squeeze %dma_start3A_88 : memref<1x80x128xi32, #tpu.memory_space<hbm>> -> memref<80x128xi32, #tpu.memory_space<hbm>>
      tpu.enqueue_dma source(%dma_start3A_89 : memref<80x128xi32, #tpu.memory_space<hbm>>) target(%arg11 : memref<80x128xi32, #tpu.memory_space<vmem>>) target_semaphore(%run_scoped3A : memref<!tpu.dma_semaphore, #tpu.memory_space<semaphore_mem>>)
      %dma_wait3A = arith.constant 0 : i32
      %dma_wait3A_90 = arith.constant 0 : i32
      %dma_wait3A_91 = tpu.memref_slice %arg4[%add3A, %dma_wait3A, %dma_wait3A_90] : memref<32x80x128xi32, #tpu.memory_space<hbm>> -> memref<1x80x128xi32, #tpu.memory_space<hbm>>
      %dma_wait3A_92 = tpu.memref_squeeze %dma_wait3A_91 : memref<1x80x128xi32, #tpu.memory_space<hbm>> -> memref<80x128xi32, #tpu.memory_space<hbm>>
      %dma_wait3A_93 = arith.constant 0 : i32
      %dma_wait3A_94 = arith.constant 0 : i32
      %dma_wait3A_95 = tpu.memref_slice %arg4[%add3A, %dma_wait3A_93, %dma_wait3A_94] : memref<32x80x128xi32, #tpu.memory_space<hbm>> -> memref<1x80x128xi32, #tpu.memory_space<hbm>>
      %dma_wait3A_96 = tpu.memref_squeeze %dma_wait3A_95 : memref<1x80x128xi32, #tpu.memory_space<hbm>> -> memref<80x128xi32, #tpu.memory_space<hbm>>
      tpu.wait_dma2 semaphore(%run_scoped3A : memref<!tpu.dma_semaphore, #tpu.memory_space<semaphore_mem>>) src(%dma_wait3A_96 : memref<80x128xi32, #tpu.memory_space<hbm>>) dst(%arg11 : memref<80x128xi32, #tpu.memory_space<vmem>>)
      tpu.yield
    }) : () -> ()
    %iota3A = tpu.iota {dimensions = array<i32: 0>} : vector<16xi32>
    %broadcast_in_dim3A = arith.constant 0.000000e+00 : f32
    %broadcast_in_dim3A_1 = vector.broadcast %broadcast_in_dim3A : f32 to vector<16xf32>
    %dma_start3A = arith.constant 0 : i32
    %dma_start3A_2 = arith.constant 0 : i32
    %dma_start3A_3 = arith.constant 0 : i32
    %dma_start3A_4 = tpu.memref_slice %arg12[%dma_start3A_2, %dma_start3A_3] : memref<64x64xf32, #tpu.memory_space<vmem>> -> memref<32x64xf32, #tpu.memory_space<vmem>>
    %dma_start3A_5 = arith.constant 0 : i32
    %dma_start3A_6 = tpu.memref_slice %arg9[%dma_start3A, %dma_start3A_5] : memref<16x32xi32, #tpu.memory_space<vmem>> -> memref<1x32xi32, #tpu.memory_space<vmem>>
    %dma_start3A_7 = tpu.memref_squeeze %dma_start3A_6 : memref<1x32xi32, #tpu.memory_space<vmem>> -> memref<32xi32, #tpu.memory_space<vmem>>
    %dma_start3A_8 = arith.constant 0 : i32
    %dma_start3A_9 = arith.constant 0 : i32
    %dma_start3A_10 = tpu.memref_slice %arg5[%dma_start3A_8, %dma_start3A_9] : memref<2015232x64xf32, #tpu.memory_space<hbm>> -> memref<2015232x64xf32, #tpu.memory_space<hbm>>
    tpu.enqueue_indirect_dma source(%dma_start3A_10 : memref<2015232x64xf32, #tpu.memory_space<hbm>>) target(%dma_start3A_4 : memref<32x64xf32, #tpu.memory_space<vmem>>) offsets(%dma_start3A_7 : memref<32xi32, #tpu.memory_space<vmem>>) semaphore(%arg17 : memref<!tpu.dma_semaphore, #tpu.memory_space<semaphore_mem>>)
    %dma_start3A_11 = arith.constant 0 : i32
    %dma_start3A_12 = arith.constant 0 : i32
    %dma_start3A_13 = arith.constant 0 : i32
    %dma_start3A_14 = tpu.memref_slice %arg13[%dma_start3A_12, %dma_start3A_13] : memref<64x64xf32, #tpu.memory_space<vmem>> -> memref<32x64xf32, #tpu.memory_space<vmem>>
    %dma_start3A_15 = arith.constant 0 : i32
    %dma_start3A_16 = tpu.memref_slice %arg10[%dma_start3A_11, %dma_start3A_15] : memref<16x32xi32, #tpu.memory_space<vmem>> -> memref<1x32xi32, #tpu.memory_space<vmem>>
    %dma_start3A_17 = tpu.memref_squeeze %dma_start3A_16 : memref<1x32xi32, #tpu.memory_space<vmem>> -> memref<32xi32, #tpu.memory_space<vmem>>
    %dma_start3A_18 = arith.constant 0 : i32
    %dma_start3A_19 = arith.constant 0 : i32
    %dma_start3A_20 = tpu.memref_slice %arg6[%dma_start3A_18, %dma_start3A_19] : memref<2015232x64xf32, #tpu.memory_space<hbm>> -> memref<2015232x64xf32, #tpu.memory_space<hbm>>
    tpu.enqueue_indirect_dma source(%dma_start3A_20 : memref<2015232x64xf32, #tpu.memory_space<hbm>>) target(%dma_start3A_14 : memref<32x64xf32, #tpu.memory_space<vmem>>) offsets(%dma_start3A_17 : memref<32xi32, #tpu.memory_space<vmem>>) semaphore(%arg17 : memref<!tpu.dma_semaphore, #tpu.memory_space<semaphore_mem>>)
    %dma_start3A_21 = arith.constant 0 : i32
    %dma_start3A_22 = arith.constant 0 : i32
    %dma_start3A_23 = arith.constant 0 : i32
    %dma_start3A_24 = tpu.memref_slice %arg14[%dma_start3A_22, %dma_start3A_23] : memref<1280x64xf32, #tpu.memory_space<vmem>> -> memref<128x64xf32, #tpu.memory_space<vmem>>
    %dma_start3A_25 = arith.constant 0 : i32
    %dma_start3A_26 = tpu.memref_slice %arg11[%dma_start3A_21, %dma_start3A_25] : memref<80x128xi32, #tpu.memory_space<vmem>> -> memref<1x128xi32, #tpu.memory_space<vmem>>
    %dma_start3A_27 = tpu.memref_squeeze %dma_start3A_26 : memref<1x128xi32, #tpu.memory_space<vmem>> -> memref<128xi32, #tpu.memory_space<vmem>>
    %dma_start3A_28 = arith.constant 0 : i32
    %dma_start3A_29 = arith.constant 0 : i32
    %dma_start3A_30 = tpu.memref_slice %arg6[%dma_start3A_28, %dma_start3A_29] : memref<2015232x64xf32, #tpu.memory_space<hbm>> -> memref<2015232x64xf32, #tpu.memory_space<hbm>>
    tpu.enqueue_indirect_dma source(%dma_start3A_30 : memref<2015232x64xf32, #tpu.memory_space<hbm>>) target(%dma_start3A_24 : memref<128x64xf32, #tpu.memory_space<vmem>>) offsets(%dma_start3A_27 : memref<128xi32, #tpu.memory_space<vmem>>) semaphore(%arg17 : memref<!tpu.dma_semaphore, #tpu.memory_space<semaphore_mem>>)
    %dma_start3A_31 = arith.constant 1 : i32
    %dma_start3A_32 = arith.constant 128 : i32
    %dma_start3A_33 = arith.constant 0 : i32
    %dma_start3A_34 = tpu.memref_slice %arg14[%dma_start3A_32, %dma_start3A_33] : memref<1280x64xf32, #tpu.memory_space<vmem>> -> memref<128x64xf32, #tpu.memory_space<vmem>>
    %dma_start3A_35 = arith.constant 0 : i32
    %dma_start3A_36 = tpu.memref_slice %arg11[%dma_start3A_31, %dma_start3A_35] : memref<80x128xi32, #tpu.memory_space<vmem>> -> memref<1x128xi32, #tpu.memory_space<vmem>>
    %dma_start3A_37 = tpu.memref_squeeze %dma_start3A_36 : memref<1x128xi32, #tpu.memory_space<vmem>> -> memref<128xi32, #tpu.memory_space<vmem>>
    %dma_start3A_38 = arith.constant 0 : i32
    %dma_start3A_39 = arith.constant 0 : i32
    %dma_start3A_40 = tpu.memref_slice %arg6[%dma_start3A_38, %dma_start3A_39] : memref<2015232x64xf32, #tpu.memory_space<hbm>> -> memref<2015232x64xf32, #tpu.memory_space<hbm>>
    tpu.enqueue_indirect_dma source(%dma_start3A_40 : memref<2015232x64xf32, #tpu.memory_space<hbm>>) target(%dma_start3A_34 : memref<128x64xf32, #tpu.memory_space<vmem>>) offsets(%dma_start3A_37 : memref<128xi32, #tpu.memory_space<vmem>>) semaphore(%arg17 : memref<!tpu.dma_semaphore, #tpu.memory_space<semaphore_mem>>)
    %dma_start3A_41 = arith.constant 2 : i32
    %dma_start3A_42 = arith.constant 256 : i32
    %dma_start3A_43 = arith.constant 0 : i32
    %dma_start3A_44 = tpu.memref_slice %arg14[%dma_start3A_42, %dma_start3A_43] : memref<1280x64xf32, #tpu.memory_space<vmem>> -> memref<128x64xf32, #tpu.memory_space<vmem>>
    %dma_start3A_45 = arith.constant 0 : i32
    %dma_start3A_46 = tpu.memref_slice %arg11[%dma_start3A_41, %dma_start3A_45] : memref<80x128xi32, #tpu.memory_space<vmem>> -> memref<1x128xi32, #tpu.memory_space<vmem>>
    %dma_start3A_47 = tpu.memref_squeeze %dma_start3A_46 : memref<1x128xi32, #tpu.memory_space<vmem>> -> memref<128xi32, #tpu.memory_space<vmem>>
    %dma_start3A_48 = arith.constant 0 : i32
    %dma_start3A_49 = arith.constant 0 : i32
    %dma_start3A_50 = tpu.memref_slice %arg6[%dma_start3A_48, %dma_start3A_49] : memref<2015232x64xf32, #tpu.memory_space<hbm>> -> memref<2015232x64xf32, #tpu.memory_space<hbm>>
    tpu.enqueue_indirect_dma source(%dma_start3A_50 : memref<2015232x64xf32, #tpu.memory_space<hbm>>) target(%dma_start3A_44 : memref<128x64xf32, #tpu.memory_space<vmem>>) offsets(%dma_start3A_47 : memref<128xi32, #tpu.memory_space<vmem>>) semaphore(%arg17 : memref<!tpu.dma_semaphore, #tpu.memory_space<semaphore_mem>>)
    %dma_start3A_51 = arith.constant 3 : i32
    %dma_start3A_52 = arith.constant 384 : i32
    %dma_start3A_53 = arith.constant 0 : i32
    %dma_start3A_54 = tpu.memref_slice %arg14[%dma_start3A_52, %dma_start3A_53] : memref<1280x64xf32, #tpu.memory_space<vmem>> -> memref<128x64xf32, #tpu.memory_space<vmem>>
    %dma_start3A_55 = arith.constant 0 : i32
    %dma_start3A_56 = tpu.memref_slice %arg11[%dma_start3A_51, %dma_start3A_55] : memref<80x128xi32, #tpu.memory_space<vmem>> -> memref<1x128xi32, #tpu.memory_space<vmem>>
    %dma_start3A_57 = tpu.memref_squeeze %dma_start3A_56 : memref<1x128xi32, #tpu.memory_space<vmem>> -> memref<128xi32, #tpu.memory_space<vmem>>
    %dma_start3A_58 = arith.constant 0 : i32
    %dma_start3A_59 = arith.constant 0 : i32
    %dma_start3A_60 = tpu.memref_slice %arg6[%dma_start3A_58, %dma_start3A_59] : memref<2015232x64xf32, #tpu.memory_space<hbm>> -> memref<2015232x64xf32, #tpu.memory_space<hbm>>
    tpu.enqueue_indirect_dma source(%dma_start3A_60 : memref<2015232x64xf32, #tpu.memory_space<hbm>>) target(%dma_start3A_54 : memref<128x64xf32, #tpu.memory_space<vmem>>) offsets(%dma_start3A_57 : memref<128xi32, #tpu.memory_space<vmem>>) semaphore(%arg17 : memref<!tpu.dma_semaphore, #tpu.memory_space<semaphore_mem>>)
    %dma_start3A_61 = arith.constant 4 : i32
    %dma_start3A_62 = arith.constant 512 : i32
    %dma_start3A_63 = arith.constant 0 : i32
    %dma_start3A_64 = tpu.memref_slice %arg14[%dma_start3A_62, %dma_start3A_63] : memref<1280x64xf32, #tpu.memory_space<vmem>> -> memref<128x64xf32, #tpu.memory_space<vmem>>
    %dma_start3A_65 = arith.constant 0 : i32
    %dma_start3A_66 = tpu.memref_slice %arg11[%dma_start3A_61, %dma_start3A_65] : memref<80x128xi32, #tpu.memory_space<vmem>> -> memref<1x128xi32, #tpu.memory_space<vmem>>
    %dma_start3A_67 = tpu.memref_squeeze %dma_start3A_66 : memref<1x128xi32, #tpu.memory_space<vmem>> -> memref<128xi32, #tpu.memory_space<vmem>>
    %dma_start3A_68 = arith.constant 0 : i32
    %dma_start3A_69 = arith.constant 0 : i32
    %dma_start3A_70 = tpu.memref_slice %arg6[%dma_start3A_68, %dma_start3A_69] : memref<2015232x64xf32, #tpu.memory_space<hbm>> -> memref<2015232x64xf32, #tpu.memory_space<hbm>>
    tpu.enqueue_indirect_dma source(%dma_start3A_70 : memref<2015232x64xf32, #tpu.memory_space<hbm>>) target(%dma_start3A_64 : memref<128x64xf32, #tpu.memory_space<vmem>>) offsets(%dma_start3A_67 : memref<128xi32, #tpu.memory_space<vmem>>) semaphore(%arg17 : memref<!tpu.dma_semaphore, #tpu.memory_space<semaphore_mem>>)
    %scan3A = arith.constant 0 : i32
    %scan3A_71 = arith.constant 0 : i32
    %scan3A_72 = arith.constant 16 : i32
    %scan3A_73 = arith.addi %scan3A_71, %scan3A_72 : i32
    %scan3A_74 = arith.constant 1 : i32
    scf.for %scan3A_82 = %scan3A_71 to %scan3A_73 step %scan3A_74  : i32 {
      %rem3A = arith.constant 2 : i32
      %rem3A_83 = arith.remsi %scan3A_82, %rem3A : i32
      %add3A_84 = arith.constant 1 : i32
      %add3A_85 = arith.addi %scan3A_82, %add3A_84 : i32
      %lt3A = arith.constant 16 : i32
      %lt3A_86 = arith.cmpi slt, %add3A_85, %lt3A : i32
      %convert_element_type3A = arith.extui %lt3A_86 : i1 to i32
      %cond3A = arith.constant 0 : i32
      %cond3A_87 = arith.cmpi ne, %convert_element_type3A, %cond3A : i32
      scf.if %cond3A_87 {
        %add3A_324 = arith.constant 1 : i32
        %add3A_325 = arith.addi %scan3A_82, %add3A_324 : i32
        %sub3A = arith.constant 1 : i32
        %sub3A_326 = arith.subi %sub3A, %rem3A_83 : i32
        %eq3A_327 = arith.constant 0 : i32
        %eq3A_328 = arith.cmpi eq, %sub3A_326, %eq3A_327 : i32
        %convert_element_type3A_329 = arith.extui %eq3A_328 : i1 to i32
        %cond3A_330 = arith.constant 0 : i32
        %cond3A_331 = arith.cmpi ne, %convert_element_type3A_329, %cond3A_330 : i32
        scf.if %cond3A_331 {
          %dma_start3A_337 = arith.constant 0 : i32
          %dma_start3A_338 = arith.constant 0 : i32
          %dma_start3A_339 = tpu.memref_slice %arg12[%dma_start3A_337, %dma_start3A_338] : memref<64x64xf32, #tpu.memory_space<vmem>> -> memref<32x64xf32, #tpu.memory_space<vmem>>
          %dma_start3A_340 = arith.constant 0 : i32
          %dma_start3A_341 = tpu.memref_slice %arg9[%add3A_325, %dma_start3A_340] : memref<16x32xi32, #tpu.memory_space<vmem>> -> memref<1x32xi32, #tpu.memory_space<vmem>>
          %dma_start3A_342 = tpu.memref_squeeze %dma_start3A_341 : memref<1x32xi32, #tpu.memory_space<vmem>> -> memref<32xi32, #tpu.memory_space<vmem>>
          %dma_start3A_343 = arith.constant 0 : i32
          %dma_start3A_344 = arith.constant 0 : i32
          %dma_start3A_345 = tpu.memref_slice %arg5[%dma_start3A_343, %dma_start3A_344] : memref<2015232x64xf32, #tpu.memory_space<hbm>> -> memref<2015232x64xf32, #tpu.memory_space<hbm>>
          tpu.enqueue_indirect_dma source(%dma_start3A_345 : memref<2015232x64xf32, #tpu.memory_space<hbm>>) target(%dma_start3A_339 : memref<32x64xf32, #tpu.memory_space<vmem>>) offsets(%dma_start3A_342 : memref<32xi32, #tpu.memory_space<vmem>>) semaphore(%arg17 : memref<!tpu.dma_semaphore, #tpu.memory_space<semaphore_mem>>)
          %dma_start3A_346 = arith.constant 0 : i32
          %dma_start3A_347 = arith.constant 0 : i32
          %dma_start3A_348 = tpu.memref_slice %arg13[%dma_start3A_346, %dma_start3A_347] : memref<64x64xf32, #tpu.memory_space<vmem>> -> memref<32x64xf32, #tpu.memory_space<vmem>>
          %dma_start3A_349 = arith.constant 0 : i32
          %dma_start3A_350 = tpu.memref_slice %arg10[%add3A_325, %dma_start3A_349] : memref<16x32xi32, #tpu.memory_space<vmem>> -> memref<1x32xi32, #tpu.memory_space<vmem>>
          %dma_start3A_351 = tpu.memref_squeeze %dma_start3A_350 : memref<1x32xi32, #tpu.memory_space<vmem>> -> memref<32xi32, #tpu.memory_space<vmem>>
          %dma_start3A_352 = arith.constant 0 : i32
          %dma_start3A_353 = arith.constant 0 : i32
          %dma_start3A_354 = tpu.memref_slice %arg6[%dma_start3A_352, %dma_start3A_353] : memref<2015232x64xf32, #tpu.memory_space<hbm>> -> memref<2015232x64xf32, #tpu.memory_space<hbm>>
          tpu.enqueue_indirect_dma source(%dma_start3A_354 : memref<2015232x64xf32, #tpu.memory_space<hbm>>) target(%dma_start3A_348 : memref<32x64xf32, #tpu.memory_space<vmem>>) offsets(%dma_start3A_351 : memref<32xi32, #tpu.memory_space<vmem>>) semaphore(%arg17 : memref<!tpu.dma_semaphore, #tpu.memory_space<semaphore_mem>>)
          %mul3A_355 = arith.constant 5 : i32
          %mul3A_356 = arith.muli %add3A_325, %mul3A_355 : i32
          %add3A_357 = arith.constant 0 : i32
          %add3A_358 = arith.addi %mul3A_356, %add3A_357 : i32
          %dma_start3A_359 = arith.constant 0 : i32
          %dma_start3A_360 = arith.constant 0 : i32
          %dma_start3A_361 = tpu.memref_slice %arg14[%dma_start3A_359, %dma_start3A_360] : memref<1280x64xf32, #tpu.memory_space<vmem>> -> memref<128x64xf32, #tpu.memory_space<vmem>>
          %dma_start3A_362 = arith.constant 0 : i32
          %dma_start3A_363 = tpu.memref_slice %arg11[%add3A_358, %dma_start3A_362] : memref<80x128xi32, #tpu.memory_space<vmem>> -> memref<1x128xi32, #tpu.memory_space<vmem>>
          %dma_start3A_364 = tpu.memref_squeeze %dma_start3A_363 : memref<1x128xi32, #tpu.memory_space<vmem>> -> memref<128xi32, #tpu.memory_space<vmem>>
          %dma_start3A_365 = arith.constant 0 : i32
          %dma_start3A_366 = arith.constant 0 : i32
          %dma_start3A_367 = tpu.memref_slice %arg6[%dma_start3A_365, %dma_start3A_366] : memref<2015232x64xf32, #tpu.memory_space<hbm>> -> memref<2015232x64xf32, #tpu.memory_space<hbm>>
          tpu.enqueue_indirect_dma source(%dma_start3A_367 : memref<2015232x64xf32, #tpu.memory_space<hbm>>) target(%dma_start3A_361 : memref<128x64xf32, #tpu.memory_space<vmem>>) offsets(%dma_start3A_364 : memref<128xi32, #tpu.memory_space<vmem>>) semaphore(%arg17 : memref<!tpu.dma_semaphore, #tpu.memory_space<semaphore_mem>>)
          %mul3A_368 = arith.constant 5 : i32
          %mul3A_369 = arith.muli %add3A_325, %mul3A_368 : i32
          %add3A_370 = arith.constant 1 : i32
          %add3A_371 = arith.addi %mul3A_369, %add3A_370 : i32
          %dma_start3A_372 = arith.constant 128 : i32
          %dma_start3A_373 = arith.constant 0 : i32
          %dma_start3A_374 = tpu.memref_slice %arg14[%dma_start3A_372, %dma_start3A_373] : memref<1280x64xf32, #tpu.memory_space<vmem>> -> memref<128x64xf32, #tpu.memory_space<vmem>>
          %dma_start3A_375 = arith.constant 0 : i32
          %dma_start3A_376 = tpu.memref_slice %arg11[%add3A_371, %dma_start3A_375] : memref<80x128xi32, #tpu.memory_space<vmem>> -> memref<1x128xi32, #tpu.memory_space<vmem>>
          %dma_start3A_377 = tpu.memref_squeeze %dma_start3A_376 : memref<1x128xi32, #tpu.memory_space<vmem>> -> memref<128xi32, #tpu.memory_space<vmem>>
          %dma_start3A_378 = arith.constant 0 : i32
          %dma_start3A_379 = arith.constant 0 : i32
          %dma_start3A_380 = tpu.memref_slice %arg6[%dma_start3A_378, %dma_start3A_379] : memref<2015232x64xf32, #tpu.memory_space<hbm>> -> memref<2015232x64xf32, #tpu.memory_space<hbm>>
          tpu.enqueue_indirect_dma source(%dma_start3A_380 : memref<2015232x64xf32, #tpu.memory_space<hbm>>) target(%dma_start3A_374 : memref<128x64xf32, #tpu.memory_space<vmem>>) offsets(%dma_start3A_377 : memref<128xi32, #tpu.memory_space<vmem>>) semaphore(%arg17 : memref<!tpu.dma_semaphore, #tpu.memory_space<semaphore_mem>>)
          %mul3A_381 = arith.constant 5 : i32
          %mul3A_382 = arith.muli %add3A_325, %mul3A_381 : i32
          %add3A_383 = arith.constant 2 : i32
          %add3A_384 = arith.addi %mul3A_382, %add3A_383 : i32
          %dma_start3A_385 = arith.constant 256 : i32
          %dma_start3A_386 = arith.constant 0 : i32
          %dma_start3A_387 = tpu.memref_slice %arg14[%dma_start3A_385, %dma_start3A_386] : memref<1280x64xf32, #tpu.memory_space<vmem>> -> memref<128x64xf32, #tpu.memory_space<vmem>>
          %dma_start3A_388 = arith.constant 0 : i32
          %dma_start3A_389 = tpu.memref_slice %arg11[%add3A_384, %dma_start3A_388] : memref<80x128xi32, #tpu.memory_space<vmem>> -> memref<1x128xi32, #tpu.memory_space<vmem>>
          %dma_start3A_390 = tpu.memref_squeeze %dma_start3A_389 : memref<1x128xi32, #tpu.memory_space<vmem>> -> memref<128xi32, #tpu.memory_space<vmem>>
          %dma_start3A_391 = arith.constant 0 : i32
          %dma_start3A_392 = arith.constant 0 : i32
          %dma_start3A_393 = tpu.memref_slice %arg6[%dma_start3A_391, %dma_start3A_392] : memref<2015232x64xf32, #tpu.memory_space<hbm>> -> memref<2015232x64xf32, #tpu.memory_space<hbm>>
          tpu.enqueue_indirect_dma source(%dma_start3A_393 : memref<2015232x64xf32, #tpu.memory_space<hbm>>) target(%dma_start3A_387 : memref<128x64xf32, #tpu.memory_space<vmem>>) offsets(%dma_start3A_390 : memref<128xi32, #tpu.memory_space<vmem>>) semaphore(%arg17 : memref<!tpu.dma_semaphore, #tpu.memory_space<semaphore_mem>>)
          %mul3A_394 = arith.constant 5 : i32
          %mul3A_395 = arith.muli %add3A_325, %mul3A_394 : i32
          %add3A_396 = arith.constant 3 : i32
          %add3A_397 = arith.addi %mul3A_395, %add3A_396 : i32
          %dma_start3A_398 = arith.constant 384 : i32
          %dma_start3A_399 = arith.constant 0 : i32
          %dma_start3A_400 = tpu.memref_slice %arg14[%dma_start3A_398, %dma_start3A_399] : memref<1280x64xf32, #tpu.memory_space<vmem>> -> memref<128x64xf32, #tpu.memory_space<vmem>>
          %dma_start3A_401 = arith.constant 0 : i32
          %dma_start3A_402 = tpu.memref_slice %arg11[%add3A_397, %dma_start3A_401] : memref<80x128xi32, #tpu.memory_space<vmem>> -> memref<1x128xi32, #tpu.memory_space<vmem>>
          %dma_start3A_403 = tpu.memref_squeeze %dma_start3A_402 : memref<1x128xi32, #tpu.memory_space<vmem>> -> memref<128xi32, #tpu.memory_space<vmem>>
          %dma_start3A_404 = arith.constant 0 : i32
          %dma_start3A_405 = arith.constant 0 : i32
          %dma_start3A_406 = tpu.memref_slice %arg6[%dma_start3A_404, %dma_start3A_405] : memref<2015232x64xf32, #tpu.memory_space<hbm>> -> memref<2015232x64xf32, #tpu.memory_space<hbm>>
          tpu.enqueue_indirect_dma source(%dma_start3A_406 : memref<2015232x64xf32, #tpu.memory_space<hbm>>) target(%dma_start3A_400 : memref<128x64xf32, #tpu.memory_space<vmem>>) offsets(%dma_start3A_403 : memref<128xi32, #tpu.memory_space<vmem>>) semaphore(%arg17 : memref<!tpu.dma_semaphore, #tpu.memory_space<semaphore_mem>>)
          %mul3A_407 = arith.constant 5 : i32
          %mul3A_408 = arith.muli %add3A_325, %mul3A_407 : i32
          %add3A_409 = arith.constant 4 : i32
          %add3A_410 = arith.addi %mul3A_408, %add3A_409 : i32
          %dma_start3A_411 = arith.constant 512 : i32
          %dma_start3A_412 = arith.constant 0 : i32
          %dma_start3A_413 = tpu.memref_slice %arg14[%dma_start3A_411, %dma_start3A_412] : memref<1280x64xf32, #tpu.memory_space<vmem>> -> memref<128x64xf32, #tpu.memory_space<vmem>>
          %dma_start3A_414 = arith.constant 0 : i32
          %dma_start3A_415 = tpu.memref_slice %arg11[%add3A_410, %dma_start3A_414] : memref<80x128xi32, #tpu.memory_space<vmem>> -> memref<1x128xi32, #tpu.memory_space<vmem>>
          %dma_start3A_416 = tpu.memref_squeeze %dma_start3A_415 : memref<1x128xi32, #tpu.memory_space<vmem>> -> memref<128xi32, #tpu.memory_space<vmem>>
          %dma_start3A_417 = arith.constant 0 : i32
          %dma_start3A_418 = arith.constant 0 : i32
          %dma_start3A_419 = tpu.memref_slice %arg6[%dma_start3A_417, %dma_start3A_418] : memref<2015232x64xf32, #tpu.memory_space<hbm>> -> memref<2015232x64xf32, #tpu.memory_space<hbm>>
          tpu.enqueue_indirect_dma source(%dma_start3A_419 : memref<2015232x64xf32, #tpu.memory_space<hbm>>) target(%dma_start3A_413 : memref<128x64xf32, #tpu.memory_space<vmem>>) offsets(%dma_start3A_416 : memref<128xi32, #tpu.memory_space<vmem>>) semaphore(%arg17 : memref<!tpu.dma_semaphore, #tpu.memory_space<semaphore_mem>>)
        } else {
        }
        %eq3A_332 = arith.constant 1 : i32
        %eq3A_333 = arith.cmpi eq, %sub3A_326, %eq3A_332 : i32
        %convert_element_type3A_334 = arith.extui %eq3A_333 : i1 to i32
        %cond3A_335 = arith.constant 0 : i32
        %cond3A_336 = arith.cmpi ne, %convert_element_type3A_334, %cond3A_335 : i32
        scf.if %cond3A_336 {
          %dma_start3A_337 = arith.constant 32 : i32
          %dma_start3A_338 = arith.constant 0 : i32
          %dma_start3A_339 = tpu.memref_slice %arg12[%dma_start3A_337, %dma_start3A_338] : memref<64x64xf32, #tpu.memory_space<vmem>> -> memref<32x64xf32, #tpu.memory_space<vmem>>
          %dma_start3A_340 = arith.constant 0 : i32
          %dma_start3A_341 = tpu.memref_slice %arg9[%add3A_325, %dma_start3A_340] : memref<16x32xi32, #tpu.memory_space<vmem>> -> memref<1x32xi32, #tpu.memory_space<vmem>>
          %dma_start3A_342 = tpu.memref_squeeze %dma_start3A_341 : memref<1x32xi32, #tpu.memory_space<vmem>> -> memref<32xi32, #tpu.memory_space<vmem>>
          %dma_start3A_343 = arith.constant 0 : i32
          %dma_start3A_344 = arith.constant 0 : i32
          %dma_start3A_345 = tpu.memref_slice %arg5[%dma_start3A_343, %dma_start3A_344] : memref<2015232x64xf32, #tpu.memory_space<hbm>> -> memref<2015232x64xf32, #tpu.memory_space<hbm>>
          tpu.enqueue_indirect_dma source(%dma_start3A_345 : memref<2015232x64xf32, #tpu.memory_space<hbm>>) target(%dma_start3A_339 : memref<32x64xf32, #tpu.memory_space<vmem>>) offsets(%dma_start3A_342 : memref<32xi32, #tpu.memory_space<vmem>>) semaphore(%arg18 : memref<!tpu.dma_semaphore, #tpu.memory_space<semaphore_mem>>)
          %dma_start3A_346 = arith.constant 32 : i32
          %dma_start3A_347 = arith.constant 0 : i32
          %dma_start3A_348 = tpu.memref_slice %arg13[%dma_start3A_346, %dma_start3A_347] : memref<64x64xf32, #tpu.memory_space<vmem>> -> memref<32x64xf32, #tpu.memory_space<vmem>>
          %dma_start3A_349 = arith.constant 0 : i32
          %dma_start3A_350 = tpu.memref_slice %arg10[%add3A_325, %dma_start3A_349] : memref<16x32xi32, #tpu.memory_space<vmem>> -> memref<1x32xi32, #tpu.memory_space<vmem>>
          %dma_start3A_351 = tpu.memref_squeeze %dma_start3A_350 : memref<1x32xi32, #tpu.memory_space<vmem>> -> memref<32xi32, #tpu.memory_space<vmem>>
          %dma_start3A_352 = arith.constant 0 : i32
          %dma_start3A_353 = arith.constant 0 : i32
          %dma_start3A_354 = tpu.memref_slice %arg6[%dma_start3A_352, %dma_start3A_353] : memref<2015232x64xf32, #tpu.memory_space<hbm>> -> memref<2015232x64xf32, #tpu.memory_space<hbm>>
          tpu.enqueue_indirect_dma source(%dma_start3A_354 : memref<2015232x64xf32, #tpu.memory_space<hbm>>) target(%dma_start3A_348 : memref<32x64xf32, #tpu.memory_space<vmem>>) offsets(%dma_start3A_351 : memref<32xi32, #tpu.memory_space<vmem>>) semaphore(%arg18 : memref<!tpu.dma_semaphore, #tpu.memory_space<semaphore_mem>>)
          %mul3A_355 = arith.constant 5 : i32
          %mul3A_356 = arith.muli %add3A_325, %mul3A_355 : i32
          %add3A_357 = arith.constant 0 : i32
          %add3A_358 = arith.addi %mul3A_356, %add3A_357 : i32
          %dma_start3A_359 = arith.constant 640 : i32
          %dma_start3A_360 = arith.constant 0 : i32
          %dma_start3A_361 = tpu.memref_slice %arg14[%dma_start3A_359, %dma_start3A_360] : memref<1280x64xf32, #tpu.memory_space<vmem>> -> memref<128x64xf32, #tpu.memory_space<vmem>>
          %dma_start3A_362 = arith.constant 0 : i32
          %dma_start3A_363 = tpu.memref_slice %arg11[%add3A_358, %dma_start3A_362] : memref<80x128xi32, #tpu.memory_space<vmem>> -> memref<1x128xi32, #tpu.memory_space<vmem>>
          %dma_start3A_364 = tpu.memref_squeeze %dma_start3A_363 : memref<1x128xi32, #tpu.memory_space<vmem>> -> memref<128xi32, #tpu.memory_space<vmem>>
          %dma_start3A_365 = arith.constant 0 : i32
          %dma_start3A_366 = arith.constant 0 : i32
          %dma_start3A_367 = tpu.memref_slice %arg6[%dma_start3A_365, %dma_start3A_366] : memref<2015232x64xf32, #tpu.memory_space<hbm>> -> memref<2015232x64xf32, #tpu.memory_space<hbm>>
          tpu.enqueue_indirect_dma source(%dma_start3A_367 : memref<2015232x64xf32, #tpu.memory_space<hbm>>) target(%dma_start3A_361 : memref<128x64xf32, #tpu.memory_space<vmem>>) offsets(%dma_start3A_364 : memref<128xi32, #tpu.memory_space<vmem>>) semaphore(%arg18 : memref<!tpu.dma_semaphore, #tpu.memory_space<semaphore_mem>>)
          %mul3A_368 = arith.constant 5 : i32
          %mul3A_369 = arith.muli %add3A_325, %mul3A_368 : i32
          %add3A_370 = arith.constant 1 : i32
          %add3A_371 = arith.addi %mul3A_369, %add3A_370 : i32
          %dma_start3A_372 = arith.constant 768 : i32
          %dma_start3A_373 = arith.constant 0 : i32
          %dma_start3A_374 = tpu.memref_slice %arg14[%dma_start3A_372, %dma_start3A_373] : memref<1280x64xf32, #tpu.memory_space<vmem>> -> memref<128x64xf32, #tpu.memory_space<vmem>>
          %dma_start3A_375 = arith.constant 0 : i32
          %dma_start3A_376 = tpu.memref_slice %arg11[%add3A_371, %dma_start3A_375] : memref<80x128xi32, #tpu.memory_space<vmem>> -> memref<1x128xi32, #tpu.memory_space<vmem>>
          %dma_start3A_377 = tpu.memref_squeeze %dma_start3A_376 : memref<1x128xi32, #tpu.memory_space<vmem>> -> memref<128xi32, #tpu.memory_space<vmem>>
          %dma_start3A_378 = arith.constant 0 : i32
          %dma_start3A_379 = arith.constant 0 : i32
          %dma_start3A_380 = tpu.memref_slice %arg6[%dma_start3A_378, %dma_start3A_379] : memref<2015232x64xf32, #tpu.memory_space<hbm>> -> memref<2015232x64xf32, #tpu.memory_space<hbm>>
          tpu.enqueue_indirect_dma source(%dma_start3A_380 : memref<2015232x64xf32, #tpu.memory_space<hbm>>) target(%dma_start3A_374 : memref<128x64xf32, #tpu.memory_space<vmem>>) offsets(%dma_start3A_377 : memref<128xi32, #tpu.memory_space<vmem>>) semaphore(%arg18 : memref<!tpu.dma_semaphore, #tpu.memory_space<semaphore_mem>>)
          %mul3A_381 = arith.constant 5 : i32
          %mul3A_382 = arith.muli %add3A_325, %mul3A_381 : i32
          %add3A_383 = arith.constant 2 : i32
          %add3A_384 = arith.addi %mul3A_382, %add3A_383 : i32
          %dma_start3A_385 = arith.constant 896 : i32
          %dma_start3A_386 = arith.constant 0 : i32
          %dma_start3A_387 = tpu.memref_slice %arg14[%dma_start3A_385, %dma_start3A_386] : memref<1280x64xf32, #tpu.memory_space<vmem>> -> memref<128x64xf32, #tpu.memory_space<vmem>>
          %dma_start3A_388 = arith.constant 0 : i32
          %dma_start3A_389 = tpu.memref_slice %arg11[%add3A_384, %dma_start3A_388] : memref<80x128xi32, #tpu.memory_space<vmem>> -> memref<1x128xi32, #tpu.memory_space<vmem>>
          %dma_start3A_390 = tpu.memref_squeeze %dma_start3A_389 : memref<1x128xi32, #tpu.memory_space<vmem>> -> memref<128xi32, #tpu.memory_space<vmem>>
          %dma_start3A_391 = arith.constant 0 : i32
          %dma_start3A_392 = arith.constant 0 : i32
          %dma_start3A_393 = tpu.memref_slice %arg6[%dma_start3A_391, %dma_start3A_392] : memref<2015232x64xf32, #tpu.memory_space<hbm>> -> memref<2015232x64xf32, #tpu.memory_space<hbm>>
          tpu.enqueue_indirect_dma source(%dma_start3A_393 : memref<2015232x64xf32, #tpu.memory_space<hbm>>) target(%dma_start3A_387 : memref<128x64xf32, #tpu.memory_space<vmem>>) offsets(%dma_start3A_390 : memref<128xi32, #tpu.memory_space<vmem>>) semaphore(%arg18 : memref<!tpu.dma_semaphore, #tpu.memory_space<semaphore_mem>>)
          %mul3A_394 = arith.constant 5 : i32
          %mul3A_395 = arith.muli %add3A_325, %mul3A_394 : i32
          %add3A_396 = arith.constant 3 : i32
          %add3A_397 = arith.addi %mul3A_395, %add3A_396 : i32
          %dma_start3A_398 = arith.constant 1024 : i32
          %dma_start3A_399 = arith.constant 0 : i32
          %dma_start3A_400 = tpu.memref_slice %arg14[%dma_start3A_398, %dma_start3A_399] : memref<1280x64xf32, #tpu.memory_space<vmem>> -> memref<128x64xf32, #tpu.memory_space<vmem>>
          %dma_start3A_401 = arith.constant 0 : i32
          %dma_start3A_402 = tpu.memref_slice %arg11[%add3A_397, %dma_start3A_401] : memref<80x128xi32, #tpu.memory_space<vmem>> -> memref<1x128xi32, #tpu.memory_space<vmem>>
          %dma_start3A_403 = tpu.memref_squeeze %dma_start3A_402 : memref<1x128xi32, #tpu.memory_space<vmem>> -> memref<128xi32, #tpu.memory_space<vmem>>
          %dma_start3A_404 = arith.constant 0 : i32
          %dma_start3A_405 = arith.constant 0 : i32
          %dma_start3A_406 = tpu.memref_slice %arg6[%dma_start3A_404, %dma_start3A_405] : memref<2015232x64xf32, #tpu.memory_space<hbm>> -> memref<2015232x64xf32, #tpu.memory_space<hbm>>
          tpu.enqueue_indirect_dma source(%dma_start3A_406 : memref<2015232x64xf32, #tpu.memory_space<hbm>>) target(%dma_start3A_400 : memref<128x64xf32, #tpu.memory_space<vmem>>) offsets(%dma_start3A_403 : memref<128xi32, #tpu.memory_space<vmem>>) semaphore(%arg18 : memref<!tpu.dma_semaphore, #tpu.memory_space<semaphore_mem>>)
          %mul3A_407 = arith.constant 5 : i32
          %mul3A_408 = arith.muli %add3A_325, %mul3A_407 : i32
          %add3A_409 = arith.constant 4 : i32
          %add3A_410 = arith.addi %mul3A_408, %add3A_409 : i32
          %dma_start3A_411 = arith.constant 1152 : i32
          %dma_start3A_412 = arith.constant 0 : i32
          %dma_start3A_413 = tpu.memref_slice %arg14[%dma_start3A_411, %dma_start3A_412] : memref<1280x64xf32, #tpu.memory_space<vmem>> -> memref<128x64xf32, #tpu.memory_space<vmem>>
          %dma_start3A_414 = arith.constant 0 : i32
          %dma_start3A_415 = tpu.memref_slice %arg11[%add3A_410, %dma_start3A_414] : memref<80x128xi32, #tpu.memory_space<vmem>> -> memref<1x128xi32, #tpu.memory_space<vmem>>
          %dma_start3A_416 = tpu.memref_squeeze %dma_start3A_415 : memref<1x128xi32, #tpu.memory_space<vmem>> -> memref<128xi32, #tpu.memory_space<vmem>>
          %dma_start3A_417 = arith.constant 0 : i32
          %dma_start3A_418 = arith.constant 0 : i32
          %dma_start3A_419 = tpu.memref_slice %arg6[%dma_start3A_417, %dma_start3A_418] : memref<2015232x64xf32, #tpu.memory_space<hbm>> -> memref<2015232x64xf32, #tpu.memory_space<hbm>>
          tpu.enqueue_indirect_dma source(%dma_start3A_419 : memref<2015232x64xf32, #tpu.memory_space<hbm>>) target(%dma_start3A_413 : memref<128x64xf32, #tpu.memory_space<vmem>>) offsets(%dma_start3A_416 : memref<128xi32, #tpu.memory_space<vmem>>) semaphore(%arg18 : memref<!tpu.dma_semaphore, #tpu.memory_space<semaphore_mem>>)
        } else {
        }
      } else {
      }
      %eq3A = arith.constant 0 : i32
      %eq3A_88 = arith.cmpi eq, %rem3A_83, %eq3A : i32
      %convert_element_type3A_89 = arith.extui %eq3A_88 : i1 to i32
      %cond3A_90 = arith.constant 0 : i32
      %cond3A_91 = arith.cmpi ne, %convert_element_type3A_89, %cond3A_90 : i32
      scf.if %cond3A_91 {
        %dma_wait3A = arith.constant 0 : i32
        %dma_wait3A_324 = arith.constant 0 : i32
        %dma_wait3A_325 = tpu.memref_slice %arg12[%dma_wait3A, %dma_wait3A_324] : memref<64x64xf32, #tpu.memory_space<vmem>> -> memref<32x64xf32, #tpu.memory_space<vmem>>
        %dma_wait3A_326 = arith.constant 0 : i32
        %dma_wait3A_327 = tpu.memref_slice %arg9[%scan3A_82, %dma_wait3A_326] : memref<16x32xi32, #tpu.memory_space<vmem>> -> memref<1x32xi32, #tpu.memory_space<vmem>>
        %dma_wait3A_328 = tpu.memref_squeeze %dma_wait3A_327 : memref<1x32xi32, #tpu.memory_space<vmem>> -> memref<32xi32, #tpu.memory_space<vmem>>
        %dma_wait3A_329 = arith.constant 0 : i32
        %dma_wait3A_330 = arith.constant 0 : i32
        %dma_wait3A_331 = tpu.memref_slice %arg5[%dma_wait3A_329, %dma_wait3A_330] : memref<2015232x64xf32, #tpu.memory_space<hbm>> -> memref<2015232x64xf32, #tpu.memory_space<hbm>>
        tpu.wait_indirect_dma semaphore(%arg17 : memref<!tpu.dma_semaphore, #tpu.memory_space<semaphore_mem>>) src(%dma_wait3A_331 : memref<2015232x64xf32, #tpu.memory_space<hbm>>) dst(%dma_wait3A_325 : memref<32x64xf32, #tpu.memory_space<vmem>>)
        %dma_wait3A_332 = arith.constant 0 : i32
        %dma_wait3A_333 = arith.constant 0 : i32
        %dma_wait3A_334 = tpu.memref_slice %arg13[%dma_wait3A_332, %dma_wait3A_333] : memref<64x64xf32, #tpu.memory_space<vmem>> -> memref<32x64xf32, #tpu.memory_space<vmem>>
        %dma_wait3A_335 = arith.constant 0 : i32
        %dma_wait3A_336 = tpu.memref_slice %arg10[%scan3A_82, %dma_wait3A_335] : memref<16x32xi32, #tpu.memory_space<vmem>> -> memref<1x32xi32, #tpu.memory_space<vmem>>
        %dma_wait3A_337 = tpu.memref_squeeze %dma_wait3A_336 : memref<1x32xi32, #tpu.memory_space<vmem>> -> memref<32xi32, #tpu.memory_space<vmem>>
        %dma_wait3A_338 = arith.constant 0 : i32
        %dma_wait3A_339 = arith.constant 0 : i32
        %dma_wait3A_340 = tpu.memref_slice %arg6[%dma_wait3A_338, %dma_wait3A_339] : memref<2015232x64xf32, #tpu.memory_space<hbm>> -> memref<2015232x64xf32, #tpu.memory_space<hbm>>
        tpu.wait_indirect_dma semaphore(%arg17 : memref<!tpu.dma_semaphore, #tpu.memory_space<semaphore_mem>>) src(%dma_wait3A_340 : memref<2015232x64xf32, #tpu.memory_space<hbm>>) dst(%dma_wait3A_334 : memref<32x64xf32, #tpu.memory_space<vmem>>)
        %mul3A_341 = arith.constant 5 : i32
        %mul3A_342 = arith.muli %scan3A_82, %mul3A_341 : i32
        %add3A_343 = arith.constant 0 : i32
        %add3A_344 = arith.addi %mul3A_342, %add3A_343 : i32
        %dma_wait3A_345 = arith.constant 0 : i32
        %dma_wait3A_346 = arith.constant 0 : i32
        %dma_wait3A_347 = tpu.memref_slice %arg14[%dma_wait3A_345, %dma_wait3A_346] : memref<1280x64xf32, #tpu.memory_space<vmem>> -> memref<128x64xf32, #tpu.memory_space<vmem>>
        %dma_wait3A_348 = arith.constant 0 : i32
        %dma_wait3A_349 = tpu.memref_slice %arg11[%add3A_344, %dma_wait3A_348] : memref<80x128xi32, #tpu.memory_space<vmem>> -> memref<1x128xi32, #tpu.memory_space<vmem>>
        %dma_wait3A_350 = tpu.memref_squeeze %dma_wait3A_349 : memref<1x128xi32, #tpu.memory_space<vmem>> -> memref<128xi32, #tpu.memory_space<vmem>>
        %dma_wait3A_351 = arith.constant 0 : i32
        %dma_wait3A_352 = arith.constant 0 : i32
        %dma_wait3A_353 = tpu.memref_slice %arg6[%dma_wait3A_351, %dma_wait3A_352] : memref<2015232x64xf32, #tpu.memory_space<hbm>> -> memref<2015232x64xf32, #tpu.memory_space<hbm>>
        tpu.wait_indirect_dma semaphore(%arg17 : memref<!tpu.dma_semaphore, #tpu.memory_space<semaphore_mem>>) src(%dma_wait3A_353 : memref<2015232x64xf32, #tpu.memory_space<hbm>>) dst(%dma_wait3A_347 : memref<128x64xf32, #tpu.memory_space<vmem>>)
        %mul3A_354 = arith.constant 5 : i32
        %mul3A_355 = arith.muli %scan3A_82, %mul3A_354 : i32
        %add3A_356 = arith.constant 1 : i32
        %add3A_357 = arith.addi %mul3A_355, %add3A_356 : i32
        %dma_wait3A_358 = arith.constant 128 : i32
        %dma_wait3A_359 = arith.constant 0 : i32
        %dma_wait3A_360 = tpu.memref_slice %arg14[%dma_wait3A_358, %dma_wait3A_359] : memref<1280x64xf32, #tpu.memory_space<vmem>> -> memref<128x64xf32, #tpu.memory_space<vmem>>
        %dma_wait3A_361 = arith.constant 0 : i32
        %dma_wait3A_362 = tpu.memref_slice %arg11[%add3A_357, %dma_wait3A_361] : memref<80x128xi32, #tpu.memory_space<vmem>> -> memref<1x128xi32, #tpu.memory_space<vmem>>
        %dma_wait3A_363 = tpu.memref_squeeze %dma_wait3A_362 : memref<1x128xi32, #tpu.memory_space<vmem>> -> memref<128xi32, #tpu.memory_space<vmem>>
        %dma_wait3A_364 = arith.constant 0 : i32
        %dma_wait3A_365 = arith.constant 0 : i32
        %dma_wait3A_366 = tpu.memref_slice %arg6[%dma_wait3A_364, %dma_wait3A_365] : memref<2015232x64xf32, #tpu.memory_space<hbm>> -> memref<2015232x64xf32, #tpu.memory_space<hbm>>
        tpu.wait_indirect_dma semaphore(%arg17 : memref<!tpu.dma_semaphore, #tpu.memory_space<semaphore_mem>>) src(%dma_wait3A_366 : memref<2015232x64xf32, #tpu.memory_space<hbm>>) dst(%dma_wait3A_360 : memref<128x64xf32, #tpu.memory_space<vmem>>)
        %mul3A_367 = arith.constant 5 : i32
        %mul3A_368 = arith.muli %scan3A_82, %mul3A_367 : i32
        %add3A_369 = arith.constant 2 : i32
        %add3A_370 = arith.addi %mul3A_368, %add3A_369 : i32
        %dma_wait3A_371 = arith.constant 256 : i32
        %dma_wait3A_372 = arith.constant 0 : i32
        %dma_wait3A_373 = tpu.memref_slice %arg14[%dma_wait3A_371, %dma_wait3A_372] : memref<1280x64xf32, #tpu.memory_space<vmem>> -> memref<128x64xf32, #tpu.memory_space<vmem>>
        %dma_wait3A_374 = arith.constant 0 : i32
        %dma_wait3A_375 = tpu.memref_slice %arg11[%add3A_370, %dma_wait3A_374] : memref<80x128xi32, #tpu.memory_space<vmem>> -> memref<1x128xi32, #tpu.memory_space<vmem>>
        %dma_wait3A_376 = tpu.memref_squeeze %dma_wait3A_375 : memref<1x128xi32, #tpu.memory_space<vmem>> -> memref<128xi32, #tpu.memory_space<vmem>>
        %dma_wait3A_377 = arith.constant 0 : i32
        %dma_wait3A_378 = arith.constant 0 : i32
        %dma_wait3A_379 = tpu.memref_slice %arg6[%dma_wait3A_377, %dma_wait3A_378] : memref<2015232x64xf32, #tpu.memory_space<hbm>> -> memref<2015232x64xf32, #tpu.memory_space<hbm>>
        tpu.wait_indirect_dma semaphore(%arg17 : memref<!tpu.dma_semaphore, #tpu.memory_space<semaphore_mem>>) src(%dma_wait3A_379 : memref<2015232x64xf32, #tpu.memory_space<hbm>>) dst(%dma_wait3A_373 : memref<128x64xf32, #tpu.memory_space<vmem>>)
        %mul3A_380 = arith.constant 5 : i32
        %mul3A_381 = arith.muli %scan3A_82, %mul3A_380 : i32
        %add3A_382 = arith.constant 3 : i32
        %add3A_383 = arith.addi %mul3A_381, %add3A_382 : i32
        %dma_wait3A_384 = arith.constant 384 : i32
        %dma_wait3A_385 = arith.constant 0 : i32
        %dma_wait3A_386 = tpu.memref_slice %arg14[%dma_wait3A_384, %dma_wait3A_385] : memref<1280x64xf32, #tpu.memory_space<vmem>> -> memref<128x64xf32, #tpu.memory_space<vmem>>
        %dma_wait3A_387 = arith.constant 0 : i32
        %dma_wait3A_388 = tpu.memref_slice %arg11[%add3A_383, %dma_wait3A_387] : memref<80x128xi32, #tpu.memory_space<vmem>> -> memref<1x128xi32, #tpu.memory_space<vmem>>
        %dma_wait3A_389 = tpu.memref_squeeze %dma_wait3A_388 : memref<1x128xi32, #tpu.memory_space<vmem>> -> memref<128xi32, #tpu.memory_space<vmem>>
        %dma_wait3A_390 = arith.constant 0 : i32
        %dma_wait3A_391 = arith.constant 0 : i32
        %dma_wait3A_392 = tpu.memref_slice %arg6[%dma_wait3A_390, %dma_wait3A_391] : memref<2015232x64xf32, #tpu.memory_space<hbm>> -> memref<2015232x64xf32, #tpu.memory_space<hbm>>
        tpu.wait_indirect_dma semaphore(%arg17 : memref<!tpu.dma_semaphore, #tpu.memory_space<semaphore_mem>>) src(%dma_wait3A_392 : memref<2015232x64xf32, #tpu.memory_space<hbm>>) dst(%dma_wait3A_386 : memref<128x64xf32, #tpu.memory_space<vmem>>)
        %mul3A_393 = arith.constant 5 : i32
        %mul3A_394 = arith.muli %scan3A_82, %mul3A_393 : i32
        %add3A_395 = arith.constant 4 : i32
        %add3A_396 = arith.addi %mul3A_394, %add3A_395 : i32
        %dma_wait3A_397 = arith.constant 512 : i32
        %dma_wait3A_398 = arith.constant 0 : i32
        %dma_wait3A_399 = tpu.memref_slice %arg14[%dma_wait3A_397, %dma_wait3A_398] : memref<1280x64xf32, #tpu.memory_space<vmem>> -> memref<128x64xf32, #tpu.memory_space<vmem>>
        %dma_wait3A_400 = arith.constant 0 : i32
        %dma_wait3A_401 = tpu.memref_slice %arg11[%add3A_396, %dma_wait3A_400] : memref<80x128xi32, #tpu.memory_space<vmem>> -> memref<1x128xi32, #tpu.memory_space<vmem>>
        %dma_wait3A_402 = tpu.memref_squeeze %dma_wait3A_401 : memref<1x128xi32, #tpu.memory_space<vmem>> -> memref<128xi32, #tpu.memory_space<vmem>>
        %dma_wait3A_403 = arith.constant 0 : i32
        %dma_wait3A_404 = arith.constant 0 : i32
        %dma_wait3A_405 = tpu.memref_slice %arg6[%dma_wait3A_403, %dma_wait3A_404] : memref<2015232x64xf32, #tpu.memory_space<hbm>> -> memref<2015232x64xf32, #tpu.memory_space<hbm>>
        tpu.wait_indirect_dma semaphore(%arg17 : memref<!tpu.dma_semaphore, #tpu.memory_space<semaphore_mem>>) src(%dma_wait3A_405 : memref<2015232x64xf32, #tpu.memory_space<hbm>>) dst(%dma_wait3A_399 : memref<128x64xf32, #tpu.memory_space<vmem>>)
      } else {
      }
      %eq3A_92 = arith.constant 1 : i32
      %eq3A_93 = arith.cmpi eq, %rem3A_83, %eq3A_92 : i32
      %convert_element_type3A_94 = arith.extui %eq3A_93 : i1 to i32
      %cond3A_95 = arith.constant 0 : i32
      %cond3A_96 = arith.cmpi ne, %convert_element_type3A_94, %cond3A_95 : i32
      scf.if %cond3A_96 {
        %dma_wait3A = arith.constant 32 : i32
        %dma_wait3A_324 = arith.constant 0 : i32
        %dma_wait3A_325 = tpu.memref_slice %arg12[%dma_wait3A, %dma_wait3A_324] : memref<64x64xf32, #tpu.memory_space<vmem>> -> memref<32x64xf32, #tpu.memory_space<vmem>>
        %dma_wait3A_326 = arith.constant 0 : i32
        %dma_wait3A_327 = tpu.memref_slice %arg9[%scan3A_82, %dma_wait3A_326] : memref<16x32xi32, #tpu.memory_space<vmem>> -> memref<1x32xi32, #tpu.memory_space<vmem>>
        %dma_wait3A_328 = tpu.memref_squeeze %dma_wait3A_327 : memref<1x32xi32, #tpu.memory_space<vmem>> -> memref<32xi32, #tpu.memory_space<vmem>>
        %dma_wait3A_329 = arith.constant 0 : i32
        %dma_wait3A_330 = arith.constant 0 : i32
        %dma_wait3A_331 = tpu.memref_slice %arg5[%dma_wait3A_329, %dma_wait3A_330] : memref<2015232x64xf32, #tpu.memory_space<hbm>> -> memref<2015232x64xf32, #tpu.memory_space<hbm>>
        tpu.wait_indirect_dma semaphore(%arg18 : memref<!tpu.dma_semaphore, #tpu.memory_space<semaphore_mem>>) src(%dma_wait3A_331 : memref<2015232x64xf32, #tpu.memory_space<hbm>>) dst(%dma_wait3A_325 : memref<32x64xf32, #tpu.memory_space<vmem>>)
        %dma_wait3A_332 = arith.constant 32 : i32
        %dma_wait3A_333 = arith.constant 0 : i32
        %dma_wait3A_334 = tpu.memref_slice %arg13[%dma_wait3A_332, %dma_wait3A_333] : memref<64x64xf32, #tpu.memory_space<vmem>> -> memref<32x64xf32, #tpu.memory_space<vmem>>
        %dma_wait3A_335 = arith.constant 0 : i32
        %dma_wait3A_336 = tpu.memref_slice %arg10[%scan3A_82, %dma_wait3A_335] : memref<16x32xi32, #tpu.memory_space<vmem>> -> memref<1x32xi32, #tpu.memory_space<vmem>>
        %dma_wait3A_337 = tpu.memref_squeeze %dma_wait3A_336 : memref<1x32xi32, #tpu.memory_space<vmem>> -> memref<32xi32, #tpu.memory_space<vmem>>
        %dma_wait3A_338 = arith.constant 0 : i32
        %dma_wait3A_339 = arith.constant 0 : i32
        %dma_wait3A_340 = tpu.memref_slice %arg6[%dma_wait3A_338, %dma_wait3A_339] : memref<2015232x64xf32, #tpu.memory_space<hbm>> -> memref<2015232x64xf32, #tpu.memory_space<hbm>>
        tpu.wait_indirect_dma semaphore(%arg18 : memref<!tpu.dma_semaphore, #tpu.memory_space<semaphore_mem>>) src(%dma_wait3A_340 : memref<2015232x64xf32, #tpu.memory_space<hbm>>) dst(%dma_wait3A_334 : memref<32x64xf32, #tpu.memory_space<vmem>>)
        %mul3A_341 = arith.constant 5 : i32
        %mul3A_342 = arith.muli %scan3A_82, %mul3A_341 : i32
        %add3A_343 = arith.constant 0 : i32
        %add3A_344 = arith.addi %mul3A_342, %add3A_343 : i32
        %dma_wait3A_345 = arith.constant 640 : i32
        %dma_wait3A_346 = arith.constant 0 : i32
        %dma_wait3A_347 = tpu.memref_slice %arg14[%dma_wait3A_345, %dma_wait3A_346] : memref<1280x64xf32, #tpu.memory_space<vmem>> -> memref<128x64xf32, #tpu.memory_space<vmem>>
        %dma_wait3A_348 = arith.constant 0 : i32
        %dma_wait3A_349 = tpu.memref_slice %arg11[%add3A_344, %dma_wait3A_348] : memref<80x128xi32, #tpu.memory_space<vmem>> -> memref<1x128xi32, #tpu.memory_space<vmem>>
        %dma_wait3A_350 = tpu.memref_squeeze %dma_wait3A_349 : memref<1x128xi32, #tpu.memory_space<vmem>> -> memref<128xi32, #tpu.memory_space<vmem>>
        %dma_wait3A_351 = arith.constant 0 : i32
        %dma_wait3A_352 = arith.constant 0 : i32
        %dma_wait3A_353 = tpu.memref_slice %arg6[%dma_wait3A_351, %dma_wait3A_352] : memref<2015232x64xf32, #tpu.memory_space<hbm>> -> memref<2015232x64xf32, #tpu.memory_space<hbm>>
        tpu.wait_indirect_dma semaphore(%arg18 : memref<!tpu.dma_semaphore, #tpu.memory_space<semaphore_mem>>) src(%dma_wait3A_353 : memref<2015232x64xf32, #tpu.memory_space<hbm>>) dst(%dma_wait3A_347 : memref<128x64xf32, #tpu.memory_space<vmem>>)
        %mul3A_354 = arith.constant 5 : i32
        %mul3A_355 = arith.muli %scan3A_82, %mul3A_354 : i32
        %add3A_356 = arith.constant 1 : i32
        %add3A_357 = arith.addi %mul3A_355, %add3A_356 : i32
        %dma_wait3A_358 = arith.constant 768 : i32
        %dma_wait3A_359 = arith.constant 0 : i32
        %dma_wait3A_360 = tpu.memref_slice %arg14[%dma_wait3A_358, %dma_wait3A_359] : memref<1280x64xf32, #tpu.memory_space<vmem>> -> memref<128x64xf32, #tpu.memory_space<vmem>>
        %dma_wait3A_361 = arith.constant 0 : i32
        %dma_wait3A_362 = tpu.memref_slice %arg11[%add3A_357, %dma_wait3A_361] : memref<80x128xi32, #tpu.memory_space<vmem>> -> memref<1x128xi32, #tpu.memory_space<vmem>>
        %dma_wait3A_363 = tpu.memref_squeeze %dma_wait3A_362 : memref<1x128xi32, #tpu.memory_space<vmem>> -> memref<128xi32, #tpu.memory_space<vmem>>
        %dma_wait3A_364 = arith.constant 0 : i32
        %dma_wait3A_365 = arith.constant 0 : i32
        %dma_wait3A_366 = tpu.memref_slice %arg6[%dma_wait3A_364, %dma_wait3A_365] : memref<2015232x64xf32, #tpu.memory_space<hbm>> -> memref<2015232x64xf32, #tpu.memory_space<hbm>>
        tpu.wait_indirect_dma semaphore(%arg18 : memref<!tpu.dma_semaphore, #tpu.memory_space<semaphore_mem>>) src(%dma_wait3A_366 : memref<2015232x64xf32, #tpu.memory_space<hbm>>) dst(%dma_wait3A_360 : memref<128x64xf32, #tpu.memory_space<vmem>>)
        %mul3A_367 = arith.constant 5 : i32
        %mul3A_368 = arith.muli %scan3A_82, %mul3A_367 : i32
        %add3A_369 = arith.constant 2 : i32
        %add3A_370 = arith.addi %mul3A_368, %add3A_369 : i32
        %dma_wait3A_371 = arith.constant 896 : i32
        %dma_wait3A_372 = arith.constant 0 : i32
        %dma_wait3A_373 = tpu.memref_slice %arg14[%dma_wait3A_371, %dma_wait3A_372] : memref<1280x64xf32, #tpu.memory_space<vmem>> -> memref<128x64xf32, #tpu.memory_space<vmem>>
        %dma_wait3A_374 = arith.constant 0 : i32
        %dma_wait3A_375 = tpu.memref_slice %arg11[%add3A_370, %dma_wait3A_374] : memref<80x128xi32, #tpu.memory_space<vmem>> -> memref<1x128xi32, #tpu.memory_space<vmem>>
        %dma_wait3A_376 = tpu.memref_squeeze %dma_wait3A_375 : memref<1x128xi32, #tpu.memory_space<vmem>> -> memref<128xi32, #tpu.memory_space<vmem>>
        %dma_wait3A_377 = arith.constant 0 : i32
        %dma_wait3A_378 = arith.constant 0 : i32
        %dma_wait3A_379 = tpu.memref_slice %arg6[%dma_wait3A_377, %dma_wait3A_378] : memref<2015232x64xf32, #tpu.memory_space<hbm>> -> memref<2015232x64xf32, #tpu.memory_space<hbm>>
        tpu.wait_indirect_dma semaphore(%arg18 : memref<!tpu.dma_semaphore, #tpu.memory_space<semaphore_mem>>) src(%dma_wait3A_379 : memref<2015232x64xf32, #tpu.memory_space<hbm>>) dst(%dma_wait3A_373 : memref<128x64xf32, #tpu.memory_space<vmem>>)
        %mul3A_380 = arith.constant 5 : i32
        %mul3A_381 = arith.muli %scan3A_82, %mul3A_380 : i32
        %add3A_382 = arith.constant 3 : i32
        %add3A_383 = arith.addi %mul3A_381, %add3A_382 : i32
        %dma_wait3A_384 = arith.constant 1024 : i32
        %dma_wait3A_385 = arith.constant 0 : i32
        %dma_wait3A_386 = tpu.memref_slice %arg14[%dma_wait3A_384, %dma_wait3A_385] : memref<1280x64xf32, #tpu.memory_space<vmem>> -> memref<128x64xf32, #tpu.memory_space<vmem>>
        %dma_wait3A_387 = arith.constant 0 : i32
        %dma_wait3A_388 = tpu.memref_slice %arg11[%add3A_383, %dma_wait3A_387] : memref<80x128xi32, #tpu.memory_space<vmem>> -> memref<1x128xi32, #tpu.memory_space<vmem>>
        %dma_wait3A_389 = tpu.memref_squeeze %dma_wait3A_388 : memref<1x128xi32, #tpu.memory_space<vmem>> -> memref<128xi32, #tpu.memory_space<vmem>>
        %dma_wait3A_390 = arith.constant 0 : i32
        %dma_wait3A_391 = arith.constant 0 : i32
        %dma_wait3A_392 = tpu.memref_slice %arg6[%dma_wait3A_390, %dma_wait3A_391] : memref<2015232x64xf32, #tpu.memory_space<hbm>> -> memref<2015232x64xf32, #tpu.memory_space<hbm>>
        tpu.wait_indirect_dma semaphore(%arg18 : memref<!tpu.dma_semaphore, #tpu.memory_space<semaphore_mem>>) src(%dma_wait3A_392 : memref<2015232x64xf32, #tpu.memory_space<hbm>>) dst(%dma_wait3A_386 : memref<128x64xf32, #tpu.memory_space<vmem>>)
        %mul3A_393 = arith.constant 5 : i32
        %mul3A_394 = arith.muli %scan3A_82, %mul3A_393 : i32
        %add3A_395 = arith.constant 4 : i32
        %add3A_396 = arith.addi %mul3A_394, %add3A_395 : i32
        %dma_wait3A_397 = arith.constant 1152 : i32
        %dma_wait3A_398 = arith.constant 0 : i32
        %dma_wait3A_399 = tpu.memref_slice %arg14[%dma_wait3A_397, %dma_wait3A_398] : memref<1280x64xf32, #tpu.memory_space<vmem>> -> memref<128x64xf32, #tpu.memory_space<vmem>>
        %dma_wait3A_400 = arith.constant 0 : i32
        %dma_wait3A_401 = tpu.memref_slice %arg11[%add3A_396, %dma_wait3A_400] : memref<80x128xi32, #tpu.memory_space<vmem>> -> memref<1x128xi32, #tpu.memory_space<vmem>>
        %dma_wait3A_402 = tpu.memref_squeeze %dma_wait3A_401 : memref<1x128xi32, #tpu.memory_space<vmem>> -> memref<128xi32, #tpu.memory_space<vmem>>
        %dma_wait3A_403 = arith.constant 0 : i32
        %dma_wait3A_404 = arith.constant 0 : i32
        %dma_wait3A_405 = tpu.memref_slice %arg6[%dma_wait3A_403, %dma_wait3A_404] : memref<2015232x64xf32, #tpu.memory_space<hbm>> -> memref<2015232x64xf32, #tpu.memory_space<hbm>>
        tpu.wait_indirect_dma semaphore(%arg18 : memref<!tpu.dma_semaphore, #tpu.memory_space<semaphore_mem>>) src(%dma_wait3A_405 : memref<2015232x64xf32, #tpu.memory_space<hbm>>) dst(%dma_wait3A_399 : memref<128x64xf32, #tpu.memory_space<vmem>>)
      } else {
      }
      %mul3A_97 = arith.constant 32 : i32
      %mul3A_98 = arith.muli %rem3A_83, %mul3A_97 : i32
      %add3A_99 = arith.constant 0 : i32
      %add3A_100 = arith.addi %add3A_99, %mul3A_98 : i32
      %add3A_101 = vector.broadcast %add3A_100 : i32 to vector<16xi32>
      %add3A_102 = arith.addi %iota3A, %add3A_101 : vector<16xi32>
      %add3A_103 = arith.constant 0 : i32
      %add3A_104 = vector.broadcast %add3A_103 : i32 to vector<16xi32>
      %add3A_105 = arith.addi %iota3A, %add3A_104 : vector<16xi32>
      %mul3A_106 = arith.constant 20 : i32
      %mul3A_107 = vector.broadcast %mul3A_106 : i32 to vector<16xi32>
      %mul3A_108 = arith.muli %add3A_105, %mul3A_107 : vector<16xi32>
      %mul3A_109 = arith.constant 640 : i32
      %mul3A_110 = arith.muli %rem3A_83, %mul3A_109 : i32
      %add3A_111 = vector.broadcast %mul3A_110 : i32 to vector<16xi32>
      %add3A_112 = arith.addi %mul3A_108, %add3A_111 : vector<16xi32>
      %mul3A_113 = arith.constant 32 : i32
      %mul3A_114 = arith.muli %scan3A_82, %mul3A_113 : i32
      %add3A_115 = arith.constant 0 : i32
      %add3A_116 = arith.addi %mul3A_114, %add3A_115 : i32
      %scan3A_117 = arith.constant 0 : i32
      %scan3A_118 = arith.constant 64 : i32
      %scan3A_119 = arith.addi %scan3A_117, %scan3A_118 : i32
      %scan3A_120 = arith.constant 4 : i32
      %scan3A_121:11 = scf.for %scan3A_324 = %scan3A_117 to %scan3A_119 step %scan3A_120 iter_args(%scan3A_325 = %broadcast_in_dim3A_1, %scan3A_326 = %broadcast_in_dim3A_1, %scan3A_327 = %broadcast_in_dim3A_1, %scan3A_328 = %broadcast_in_dim3A_1, %scan3A_329 = %broadcast_in_dim3A_1, %scan3A_330 = %broadcast_in_dim3A_1, %scan3A_331 = %broadcast_in_dim3A_1, %scan3A_332 = %broadcast_in_dim3A_1, %scan3A_333 = %broadcast_in_dim3A_1, %scan3A_334 = %broadcast_in_dim3A_1, %scan3A_335 = %broadcast_in_dim3A_1) -> (vector<16xf32>, vector<16xf32>, vector<16xf32>, vector<16xf32>, vector<16xf32>, vector<16xf32>, vector<16xf32>, vector<16xf32>, vector<16xf32>, vector<16xf32>, vector<16xf32>)  : i32 {
        %broadcast_in_dim3A_336 = vector.broadcast %scan3A_324 : i32 to vector<16xi32>
        %gather3A = tpu.vector_load_idx %arg12[%add3A_102, %broadcast_in_dim3A_336] : memref<64x64xf32, #tpu.memory_space<vmem>>[vector<16xi32>, vector<16xi32>], vector<16xf32>,
        %gather3A_337 = tpu.vector_load_idx %arg13[%add3A_102, %broadcast_in_dim3A_336] : memref<64x64xf32, #tpu.memory_space<vmem>>[vector<16xi32>, vector<16xi32>], vector<16xf32>,
        %mul3A_338 = arith.mulf %gather3A, %gather3A_337 : vector<16xf32>
        %add3A_339 = arith.addf %scan3A_325, %mul3A_338 : vector<16xf32>
        %add3A_340 = arith.constant 0 : i32
        %add3A_341 = vector.broadcast %add3A_340 : i32 to vector<16xi32>
        %add3A_342 = arith.addi %add3A_112, %add3A_341 : vector<16xi32>
        %gather3A_343 = tpu.vector_load_idx %arg14[%add3A_342, %broadcast_in_dim3A_336] : memref<1280x64xf32, #tpu.memory_space<vmem>>[vector<16xi32>, vector<16xi32>], vector<16xf32>,
        %mul3A_344 = arith.mulf %gather3A_343, %gather3A : vector<16xf32>
        %add3A_345 = arith.addf %scan3A_326, %mul3A_344 : vector<16xf32>
        %add3A_346 = arith.constant 1 : i32
        %add3A_347 = vector.broadcast %add3A_346 : i32 to vector<16xi32>
        %add3A_348 = arith.addi %add3A_112, %add3A_347 : vector<16xi32>
        %gather3A_349 = tpu.vector_load_idx %arg14[%add3A_348, %broadcast_in_dim3A_336] : memref<1280x64xf32, #tpu.memory_space<vmem>>[vector<16xi32>, vector<16xi32>], vector<16xf32>,
        %mul3A_350 = arith.mulf %gather3A_349, %gather3A : vector<16xf32>
        %add3A_351 = arith.addf %scan3A_327, %mul3A_350 : vector<16xf32>
        %add3A_352 = arith.constant 2 : i32
        %add3A_353 = vector.broadcast %add3A_352 : i32 to vector<16xi32>
        %add3A_354 = arith.addi %add3A_112, %add3A_353 : vector<16xi32>
        %gather3A_355 = tpu.vector_load_idx %arg14[%add3A_354, %broadcast_in_dim3A_336] : memref<1280x64xf32, #tpu.memory_space<vmem>>[vector<16xi32>, vector<16xi32>], vector<16xf32>,
        %mul3A_356 = arith.mulf %gather3A_355, %gather3A : vector<16xf32>
        %add3A_357 = arith.addf %scan3A_328, %mul3A_356 : vector<16xf32>
        %add3A_358 = arith.constant 3 : i32
        %add3A_359 = vector.broadcast %add3A_358 : i32 to vector<16xi32>
        %add3A_360 = arith.addi %add3A_112, %add3A_359 : vector<16xi32>
        %gather3A_361 = tpu.vector_load_idx %arg14[%add3A_360, %broadcast_in_dim3A_336] : memref<1280x64xf32, #tpu.memory_space<vmem>>[vector<16xi32>, vector<16xi32>], vector<16xf32>,
        %mul3A_362 = arith.mulf %gather3A_361, %gather3A : vector<16xf32>
        %add3A_363 = arith.addf %scan3A_329, %mul3A_362 : vector<16xf32>
        %add3A_364 = arith.constant 4 : i32
        %add3A_365 = vector.broadcast %add3A_364 : i32 to vector<16xi32>
        %add3A_366 = arith.addi %add3A_112, %add3A_365 : vector<16xi32>
        %gather3A_367 = tpu.vector_load_idx %arg14[%add3A_366, %broadcast_in_dim3A_336] : memref<1280x64xf32, #tpu.memory_space<vmem>>[vector<16xi32>, vector<16xi32>], vector<16xf32>,
        %mul3A_368 = arith.mulf %gather3A_367, %gather3A : vector<16xf32>
        %add3A_369 = arith.addf %scan3A_330, %mul3A_368 : vector<16xf32>
        %add3A_370 = arith.constant 5 : i32
        %add3A_371 = vector.broadcast %add3A_370 : i32 to vector<16xi32>
        %add3A_372 = arith.addi %add3A_112, %add3A_371 : vector<16xi32>
        %gather3A_373 = tpu.vector_load_idx %arg14[%add3A_372, %broadcast_in_dim3A_336] : memref<1280x64xf32, #tpu.memory_space<vmem>>[vector<16xi32>, vector<16xi32>], vector<16xf32>,
        %mul3A_374 = arith.mulf %gather3A_373, %gather3A : vector<16xf32>
        %add3A_375 = arith.addf %scan3A_331, %mul3A_374 : vector<16xf32>
        %add3A_376 = arith.constant 6 : i32
        %add3A_377 = vector.broadcast %add3A_376 : i32 to vector<16xi32>
        %add3A_378 = arith.addi %add3A_112, %add3A_377 : vector<16xi32>
        %gather3A_379 = tpu.vector_load_idx %arg14[%add3A_378, %broadcast_in_dim3A_336] : memref<1280x64xf32, #tpu.memory_space<vmem>>[vector<16xi32>, vector<16xi32>], vector<16xf32>,
        %mul3A_380 = arith.mulf %gather3A_379, %gather3A : vector<16xf32>
        %add3A_381 = arith.addf %scan3A_332, %mul3A_380 : vector<16xf32>
        %add3A_382 = arith.constant 7 : i32
        %add3A_383 = vector.broadcast %add3A_382 : i32 to vector<16xi32>
        %add3A_384 = arith.addi %add3A_112, %add3A_383 : vector<16xi32>
        %gather3A_385 = tpu.vector_load_idx %arg14[%add3A_384, %broadcast_in_dim3A_336] : memref<1280x64xf32, #tpu.memory_space<vmem>>[vector<16xi32>, vector<16xi32>], vector<16xf32>,
        %mul3A_386 = arith.mulf %gather3A_385, %gather3A : vector<16xf32>
        %add3A_387 = arith.addf %scan3A_333, %mul3A_386 : vector<16xf32>
        %add3A_388 = arith.constant 8 : i32
        %add3A_389 = vector.broadcast %add3A_388 : i32 to vector<16xi32>
        %add3A_390 = arith.addi %add3A_112, %add3A_389 : vector<16xi32>
        %gather3A_391 = tpu.vector_load_idx %arg14[%add3A_390, %broadcast_in_dim3A_336] : memref<1280x64xf32, #tpu.memory_space<vmem>>[vector<16xi32>, vector<16xi32>], vector<16xf32>,
        %mul3A_392 = arith.mulf %gather3A_391, %gather3A : vector<16xf32>
        %add3A_393 = arith.addf %scan3A_334, %mul3A_392 : vector<16xf32>
        %add3A_394 = arith.constant 9 : i32
        %add3A_395 = vector.broadcast %add3A_394 : i32 to vector<16xi32>
        %add3A_396 = arith.addi %add3A_112, %add3A_395 : vector<16xi32>
        %gather3A_397 = tpu.vector_load_idx %arg14[%add3A_396, %broadcast_in_dim3A_336] : memref<1280x64xf32, #tpu.memory_space<vmem>>[vector<16xi32>, vector<16xi32>], vector<16xf32>,
        %mul3A_398 = arith.mulf %gather3A_397, %gather3A : vector<16xf32>
        %add3A_399 = arith.addf %scan3A_335, %mul3A_398 : vector<16xf32>
        %scan3A_400 = arith.constant 1 : i32
        %scan3A_401 = arith.addi %scan3A_324, %scan3A_400 : i32
        %broadcast_in_dim3A_402 = vector.broadcast %scan3A_401 : i32 to vector<16xi32>
        %gather3A_403 = tpu.vector_load_idx %arg12[%add3A_102, %broadcast_in_dim3A_402] : memref<64x64xf32, #tpu.memory_space<vmem>>[vector<16xi32>, vector<16xi32>], vector<16xf32>,
        %gather3A_404 = tpu.vector_load_idx %arg13[%add3A_102, %broadcast_in_dim3A_402] : memref<64x64xf32, #tpu.memory_space<vmem>>[vector<16xi32>, vector<16xi32>], vector<16xf32>,
        %mul3A_405 = arith.mulf %gather3A_403, %gather3A_404 : vector<16xf32>
        %add3A_406 = arith.addf %add3A_339, %mul3A_405 : vector<16xf32>
        %add3A_407 = arith.constant 0 : i32
        %add3A_408 = vector.broadcast %add3A_407 : i32 to vector<16xi32>
        %add3A_409 = arith.addi %add3A_112, %add3A_408 : vector<16xi32>
        %gather3A_410 = tpu.vector_load_idx %arg14[%add3A_409, %broadcast_in_dim3A_402] : memref<1280x64xf32, #tpu.memory_space<vmem>>[vector<16xi32>, vector<16xi32>], vector<16xf32>,
        %mul3A_411 = arith.mulf %gather3A_410, %gather3A_403 : vector<16xf32>
        %add3A_412 = arith.addf %add3A_345, %mul3A_411 : vector<16xf32>
        %add3A_413 = arith.constant 1 : i32
        %add3A_414 = vector.broadcast %add3A_413 : i32 to vector<16xi32>
        %add3A_415 = arith.addi %add3A_112, %add3A_414 : vector<16xi32>
        %gather3A_416 = tpu.vector_load_idx %arg14[%add3A_415, %broadcast_in_dim3A_402] : memref<1280x64xf32, #tpu.memory_space<vmem>>[vector<16xi32>, vector<16xi32>], vector<16xf32>,
        %mul3A_417 = arith.mulf %gather3A_416, %gather3A_403 : vector<16xf32>
        %add3A_418 = arith.addf %add3A_351, %mul3A_417 : vector<16xf32>
        %add3A_419 = arith.constant 2 : i32
        %add3A_420 = vector.broadcast %add3A_419 : i32 to vector<16xi32>
        %add3A_421 = arith.addi %add3A_112, %add3A_420 : vector<16xi32>
        %gather3A_422 = tpu.vector_load_idx %arg14[%add3A_421, %broadcast_in_dim3A_402] : memref<1280x64xf32, #tpu.memory_space<vmem>>[vector<16xi32>, vector<16xi32>], vector<16xf32>,
        %mul3A_423 = arith.mulf %gather3A_422, %gather3A_403 : vector<16xf32>
        %add3A_424 = arith.addf %add3A_357, %mul3A_423 : vector<16xf32>
        %add3A_425 = arith.constant 3 : i32
        %add3A_426 = vector.broadcast %add3A_425 : i32 to vector<16xi32>
        %add3A_427 = arith.addi %add3A_112, %add3A_426 : vector<16xi32>
        %gather3A_428 = tpu.vector_load_idx %arg14[%add3A_427, %broadcast_in_dim3A_402] : memref<1280x64xf32, #tpu.memory_space<vmem>>[vector<16xi32>, vector<16xi32>], vector<16xf32>,
        %mul3A_429 = arith.mulf %gather3A_428, %gather3A_403 : vector<16xf32>
        %add3A_430 = arith.addf %add3A_363, %mul3A_429 : vector<16xf32>
        %add3A_431 = arith.constant 4 : i32
        %add3A_432 = vector.broadcast %add3A_431 : i32 to vector<16xi32>
        %add3A_433 = arith.addi %add3A_112, %add3A_432 : vector<16xi32>
        %gather3A_434 = tpu.vector_load_idx %arg14[%add3A_433, %broadcast_in_dim3A_402] : memref<1280x64xf32, #tpu.memory_space<vmem>>[vector<16xi32>, vector<16xi32>], vector<16xf32>,
        %mul3A_435 = arith.mulf %gather3A_434, %gather3A_403 : vector<16xf32>
        %add3A_436 = arith.addf %add3A_369, %mul3A_435 : vector<16xf32>
        %add3A_437 = arith.constant 5 : i32
        %add3A_438 = vector.broadcast %add3A_437 : i32 to vector<16xi32>
        %add3A_439 = arith.addi %add3A_112, %add3A_438 : vector<16xi32>
        %gather3A_440 = tpu.vector_load_idx %arg14[%add3A_439, %broadcast_in_dim3A_402] : memref<1280x64xf32, #tpu.memory_space<vmem>>[vector<16xi32>, vector<16xi32>], vector<16xf32>,
        %mul3A_441 = arith.mulf %gather3A_440, %gather3A_403 : vector<16xf32>
        %add3A_442 = arith.addf %add3A_375, %mul3A_441 : vector<16xf32>
        %add3A_443 = arith.constant 6 : i32
        %add3A_444 = vector.broadcast %add3A_443 : i32 to vector<16xi32>
        %add3A_445 = arith.addi %add3A_112, %add3A_444 : vector<16xi32>
        %gather3A_446 = tpu.vector_load_idx %arg14[%add3A_445, %broadcast_in_dim3A_402] : memref<1280x64xf32, #tpu.memory_space<vmem>>[vector<16xi32>, vector<16xi32>], vector<16xf32>,
        %mul3A_447 = arith.mulf %gather3A_446, %gather3A_403 : vector<16xf32>
        %add3A_448 = arith.addf %add3A_381, %mul3A_447 : vector<16xf32>
        %add3A_449 = arith.constant 7 : i32
        %add3A_450 = vector.broadcast %add3A_449 : i32 to vector<16xi32>
        %add3A_451 = arith.addi %add3A_112, %add3A_450 : vector<16xi32>
        %gather3A_452 = tpu.vector_load_idx %arg14[%add3A_451, %broadcast_in_dim3A_402] : memref<1280x64xf32, #tpu.memory_space<vmem>>[vector<16xi32>, vector<16xi32>], vector<16xf32>,
        %mul3A_453 = arith.mulf %gather3A_452, %gather3A_403 : vector<16xf32>
        %add3A_454 = arith.addf %add3A_387, %mul3A_453 : vector<16xf32>
        %add3A_455 = arith.constant 8 : i32
        %add3A_456 = vector.broadcast %add3A_455 : i32 to vector<16xi32>
        %add3A_457 = arith.addi %add3A_112, %add3A_456 : vector<16xi32>
        %gather3A_458 = tpu.vector_load_idx %arg14[%add3A_457, %broadcast_in_dim3A_402] : memref<1280x64xf32, #tpu.memory_space<vmem>>[vector<16xi32>, vector<16xi32>], vector<16xf32>,
        %mul3A_459 = arith.mulf %gather3A_458, %gather3A_403 : vector<16xf32>
        %add3A_460 = arith.addf %add3A_393, %mul3A_459 : vector<16xf32>
        %add3A_461 = arith.constant 9 : i32
        %add3A_462 = vector.broadcast %add3A_461 : i32 to vector<16xi32>
        %add3A_463 = arith.addi %add3A_112, %add3A_462 : vector<16xi32>
        %gather3A_464 = tpu.vector_load_idx %arg14[%add3A_463, %broadcast_in_dim3A_402] : memref<1280x64xf32, #tpu.memory_space<vmem>>[vector<16xi32>, vector<16xi32>], vector<16xf32>,
        %mul3A_465 = arith.mulf %gather3A_464, %gather3A_403 : vector<16xf32>
        %add3A_466 = arith.addf %add3A_399, %mul3A_465 : vector<16xf32>
        %scan3A_467 = arith.constant 2 : i32
        %scan3A_468 = arith.addi %scan3A_324, %scan3A_467 : i32
        %broadcast_in_dim3A_469 = vector.broadcast %scan3A_468 : i32 to vector<16xi32>
        %gather3A_470 = tpu.vector_load_idx %arg12[%add3A_102, %broadcast_in_dim3A_469] : memref<64x64xf32, #tpu.memory_space<vmem>>[vector<16xi32>, vector<16xi32>], vector<16xf32>,
        %gather3A_471 = tpu.vector_load_idx %arg13[%add3A_102, %broadcast_in_dim3A_469] : memref<64x64xf32, #tpu.memory_space<vmem>>[vector<16xi32>, vector<16xi32>], vector<16xf32>,
        %mul3A_472 = arith.mulf %gather3A_470, %gather3A_471 : vector<16xf32>
        %add3A_473 = arith.addf %add3A_406, %mul3A_472 : vector<16xf32>
        %add3A_474 = arith.constant 0 : i32
        %add3A_475 = vector.broadcast %add3A_474 : i32 to vector<16xi32>
        %add3A_476 = arith.addi %add3A_112, %add3A_475 : vector<16xi32>
        %gather3A_477 = tpu.vector_load_idx %arg14[%add3A_476, %broadcast_in_dim3A_469] : memref<1280x64xf32, #tpu.memory_space<vmem>>[vector<16xi32>, vector<16xi32>], vector<16xf32>,
        %mul3A_478 = arith.mulf %gather3A_477, %gather3A_470 : vector<16xf32>
        %add3A_479 = arith.addf %add3A_412, %mul3A_478 : vector<16xf32>
        %add3A_480 = arith.constant 1 : i32
        %add3A_481 = vector.broadcast %add3A_480 : i32 to vector<16xi32>
        %add3A_482 = arith.addi %add3A_112, %add3A_481 : vector<16xi32>
        %gather3A_483 = tpu.vector_load_idx %arg14[%add3A_482, %broadcast_in_dim3A_469] : memref<1280x64xf32, #tpu.memory_space<vmem>>[vector<16xi32>, vector<16xi32>], vector<16xf32>,
        %mul3A_484 = arith.mulf %gather3A_483, %gather3A_470 : vector<16xf32>
        %add3A_485 = arith.addf %add3A_418, %mul3A_484 : vector<16xf32>
        %add3A_486 = arith.constant 2 : i32
        %add3A_487 = vector.broadcast %add3A_486 : i32 to vector<16xi32>
        %add3A_488 = arith.addi %add3A_112, %add3A_487 : vector<16xi32>
        %gather3A_489 = tpu.vector_load_idx %arg14[%add3A_488, %broadcast_in_dim3A_469] : memref<1280x64xf32, #tpu.memory_space<vmem>>[vector<16xi32>, vector<16xi32>], vector<16xf32>,
        %mul3A_490 = arith.mulf %gather3A_489, %gather3A_470 : vector<16xf32>
        %add3A_491 = arith.addf %add3A_424, %mul3A_490 : vector<16xf32>
        %add3A_492 = arith.constant 3 : i32
        %add3A_493 = vector.broadcast %add3A_492 : i32 to vector<16xi32>
        %add3A_494 = arith.addi %add3A_112, %add3A_493 : vector<16xi32>
        %gather3A_495 = tpu.vector_load_idx %arg14[%add3A_494, %broadcast_in_dim3A_469] : memref<1280x64xf32, #tpu.memory_space<vmem>>[vector<16xi32>, vector<16xi32>], vector<16xf32>,
        %mul3A_496 = arith.mulf %gather3A_495, %gather3A_470 : vector<16xf32>
        %add3A_497 = arith.addf %add3A_430, %mul3A_496 : vector<16xf32>
        %add3A_498 = arith.constant 4 : i32
        %add3A_499 = vector.broadcast %add3A_498 : i32 to vector<16xi32>
        %add3A_500 = arith.addi %add3A_112, %add3A_499 : vector<16xi32>
        %gather3A_501 = tpu.vector_load_idx %arg14[%add3A_500, %broadcast_in_dim3A_469] : memref<1280x64xf32, #tpu.memory_space<vmem>>[vector<16xi32>, vector<16xi32>], vector<16xf32>,
        %mul3A_502 = arith.mulf %gather3A_501, %gather3A_470 : vector<16xf32>
        %add3A_503 = arith.addf %add3A_436, %mul3A_502 : vector<16xf32>
        %add3A_504 = arith.constant 5 : i32
        %add3A_505 = vector.broadcast %add3A_504 : i32 to vector<16xi32>
        %add3A_506 = arith.addi %add3A_112, %add3A_505 : vector<16xi32>
        %gather3A_507 = tpu.vector_load_idx %arg14[%add3A_506, %broadcast_in_dim3A_469] : memref<1280x64xf32, #tpu.memory_space<vmem>>[vector<16xi32>, vector<16xi32>], vector<16xf32>,
        %mul3A_508 = arith.mulf %gather3A_507, %gather3A_470 : vector<16xf32>
        %add3A_509 = arith.addf %add3A_442, %mul3A_508 : vector<16xf32>
        %add3A_510 = arith.constant 6 : i32
        %add3A_511 = vector.broadcast %add3A_510 : i32 to vector<16xi32>
        %add3A_512 = arith.addi %add3A_112, %add3A_511 : vector<16xi32>
        %gather3A_513 = tpu.vector_load_idx %arg14[%add3A_512, %broadcast_in_dim3A_469] : memref<1280x64xf32, #tpu.memory_space<vmem>>[vector<16xi32>, vector<16xi32>], vector<16xf32>,
        %mul3A_514 = arith.mulf %gather3A_513, %gather3A_470 : vector<16xf32>
        %add3A_515 = arith.addf %add3A_448, %mul3A_514 : vector<16xf32>
        %add3A_516 = arith.constant 7 : i32
        %add3A_517 = vector.broadcast %add3A_516 : i32 to vector<16xi32>
        %add3A_518 = arith.addi %add3A_112, %add3A_517 : vector<16xi32>
        %gather3A_519 = tpu.vector_load_idx %arg14[%add3A_518, %broadcast_in_dim3A_469] : memref<1280x64xf32, #tpu.memory_space<vmem>>[vector<16xi32>, vector<16xi32>], vector<16xf32>,
        %mul3A_520 = arith.mulf %gather3A_519, %gather3A_470 : vector<16xf32>
        %add3A_521 = arith.addf %add3A_454, %mul3A_520 : vector<16xf32>
        %add3A_522 = arith.constant 8 : i32
        %add3A_523 = vector.broadcast %add3A_522 : i32 to vector<16xi32>
        %add3A_524 = arith.addi %add3A_112, %add3A_523 : vector<16xi32>
        %gather3A_525 = tpu.vector_load_idx %arg14[%add3A_524, %broadcast_in_dim3A_469] : memref<1280x64xf32, #tpu.memory_space<vmem>>[vector<16xi32>, vector<16xi32>], vector<16xf32>,
        %mul3A_526 = arith.mulf %gather3A_525, %gather3A_470 : vector<16xf32>
        %add3A_527 = arith.addf %add3A_460, %mul3A_526 : vector<16xf32>
        %add3A_528 = arith.constant 9 : i32
        %add3A_529 = vector.broadcast %add3A_528 : i32 to vector<16xi32>
        %add3A_530 = arith.addi %add3A_112, %add3A_529 : vector<16xi32>
        %gather3A_531 = tpu.vector_load_idx %arg14[%add3A_530, %broadcast_in_dim3A_469] : memref<1280x64xf32, #tpu.memory_space<vmem>>[vector<16xi32>, vector<16xi32>], vector<16xf32>,
        %mul3A_532 = arith.mulf %gather3A_531, %gather3A_470 : vector<16xf32>
        %add3A_533 = arith.addf %add3A_466, %mul3A_532 : vector<16xf32>
        %scan3A_534 = arith.constant 3 : i32
        %scan3A_535 = arith.addi %scan3A_324, %scan3A_534 : i32
        %broadcast_in_dim3A_536 = vector.broadcast %scan3A_535 : i32 to vector<16xi32>
        %gather3A_537 = tpu.vector_load_idx %arg12[%add3A_102, %broadcast_in_dim3A_536] : memref<64x64xf32, #tpu.memory_space<vmem>>[vector<16xi32>, vector<16xi32>], vector<16xf32>,
        %gather3A_538 = tpu.vector_load_idx %arg13[%add3A_102, %broadcast_in_dim3A_536] : memref<64x64xf32, #tpu.memory_space<vmem>>[vector<16xi32>, vector<16xi32>], vector<16xf32>,
        %mul3A_539 = arith.mulf %gather3A_537, %gather3A_538 : vector<16xf32>
        %add3A_540 = arith.addf %add3A_473, %mul3A_539 : vector<16xf32>
        %add3A_541 = arith.constant 0 : i32
        %add3A_542 = vector.broadcast %add3A_541 : i32 to vector<16xi32>
        %add3A_543 = arith.addi %add3A_112, %add3A_542 : vector<16xi32>
        %gather3A_544 = tpu.vector_load_idx %arg14[%add3A_543, %broadcast_in_dim3A_536] : memref<1280x64xf32, #tpu.memory_space<vmem>>[vector<16xi32>, vector<16xi32>], vector<16xf32>,
        %mul3A_545 = arith.mulf %gather3A_544, %gather3A_537 : vector<16xf32>
        %add3A_546 = arith.addf %add3A_479, %mul3A_545 : vector<16xf32>
        %add3A_547 = arith.constant 1 : i32
        %add3A_548 = vector.broadcast %add3A_547 : i32 to vector<16xi32>
        %add3A_549 = arith.addi %add3A_112, %add3A_548 : vector<16xi32>
        %gather3A_550 = tpu.vector_load_idx %arg14[%add3A_549, %broadcast_in_dim3A_536] : memref<1280x64xf32, #tpu.memory_space<vmem>>[vector<16xi32>, vector<16xi32>], vector<16xf32>,
        %mul3A_551 = arith.mulf %gather3A_550, %gather3A_537 : vector<16xf32>
        %add3A_552 = arith.addf %add3A_485, %mul3A_551 : vector<16xf32>
        %add3A_553 = arith.constant 2 : i32
        %add3A_554 = vector.broadcast %add3A_553 : i32 to vector<16xi32>
        %add3A_555 = arith.addi %add3A_112, %add3A_554 : vector<16xi32>
        %gather3A_556 = tpu.vector_load_idx %arg14[%add3A_555, %broadcast_in_dim3A_536] : memref<1280x64xf32, #tpu.memory_space<vmem>>[vector<16xi32>, vector<16xi32>], vector<16xf32>,
        %mul3A_557 = arith.mulf %gather3A_556, %gather3A_537 : vector<16xf32>
        %add3A_558 = arith.addf %add3A_491, %mul3A_557 : vector<16xf32>
        %add3A_559 = arith.constant 3 : i32
        %add3A_560 = vector.broadcast %add3A_559 : i32 to vector<16xi32>
        %add3A_561 = arith.addi %add3A_112, %add3A_560 : vector<16xi32>
        %gather3A_562 = tpu.vector_load_idx %arg14[%add3A_561, %broadcast_in_dim3A_536] : memref<1280x64xf32, #tpu.memory_space<vmem>>[vector<16xi32>, vector<16xi32>], vector<16xf32>,
        %mul3A_563 = arith.mulf %gather3A_562, %gather3A_537 : vector<16xf32>
        %add3A_564 = arith.addf %add3A_497, %mul3A_563 : vector<16xf32>
        %add3A_565 = arith.constant 4 : i32
        %add3A_566 = vector.broadcast %add3A_565 : i32 to vector<16xi32>
        %add3A_567 = arith.addi %add3A_112, %add3A_566 : vector<16xi32>
        %gather3A_568 = tpu.vector_load_idx %arg14[%add3A_567, %broadcast_in_dim3A_536] : memref<1280x64xf32, #tpu.memory_space<vmem>>[vector<16xi32>, vector<16xi32>], vector<16xf32>,
        %mul3A_569 = arith.mulf %gather3A_568, %gather3A_537 : vector<16xf32>
        %add3A_570 = arith.addf %add3A_503, %mul3A_569 : vector<16xf32>
        %add3A_571 = arith.constant 5 : i32
        %add3A_572 = vector.broadcast %add3A_571 : i32 to vector<16xi32>
        %add3A_573 = arith.addi %add3A_112, %add3A_572 : vector<16xi32>
        %gather3A_574 = tpu.vector_load_idx %arg14[%add3A_573, %broadcast_in_dim3A_536] : memref<1280x64xf32, #tpu.memory_space<vmem>>[vector<16xi32>, vector<16xi32>], vector<16xf32>,
        %mul3A_575 = arith.mulf %gather3A_574, %gather3A_537 : vector<16xf32>
        %add3A_576 = arith.addf %add3A_509, %mul3A_575 : vector<16xf32>
        %add3A_577 = arith.constant 6 : i32
        %add3A_578 = vector.broadcast %add3A_577 : i32 to vector<16xi32>
        %add3A_579 = arith.addi %add3A_112, %add3A_578 : vector<16xi32>
        %gather3A_580 = tpu.vector_load_idx %arg14[%add3A_579, %broadcast_in_dim3A_536] : memref<1280x64xf32, #tpu.memory_space<vmem>>[vector<16xi32>, vector<16xi32>], vector<16xf32>,
        %mul3A_581 = arith.mulf %gather3A_580, %gather3A_537 : vector<16xf32>
        %add3A_582 = arith.addf %add3A_515, %mul3A_581 : vector<16xf32>
        %add3A_583 = arith.constant 7 : i32
        %add3A_584 = vector.broadcast %add3A_583 : i32 to vector<16xi32>
        %add3A_585 = arith.addi %add3A_112, %add3A_584 : vector<16xi32>
        %gather3A_586 = tpu.vector_load_idx %arg14[%add3A_585, %broadcast_in_dim3A_536] : memref<1280x64xf32, #tpu.memory_space<vmem>>[vector<16xi32>, vector<16xi32>], vector<16xf32>,
        %mul3A_587 = arith.mulf %gather3A_586, %gather3A_537 : vector<16xf32>
        %add3A_588 = arith.addf %add3A_521, %mul3A_587 : vector<16xf32>
        %add3A_589 = arith.constant 8 : i32
        %add3A_590 = vector.broadcast %add3A_589 : i32 to vector<16xi32>
        %add3A_591 = arith.addi %add3A_112, %add3A_590 : vector<16xi32>
        %gather3A_592 = tpu.vector_load_idx %arg14[%add3A_591, %broadcast_in_dim3A_536] : memref<1280x64xf32, #tpu.memory_space<vmem>>[vector<16xi32>, vector<16xi32>], vector<16xf32>,
        %mul3A_593 = arith.mulf %gather3A_592, %gather3A_537 : vector<16xf32>
        %add3A_594 = arith.addf %add3A_527, %mul3A_593 : vector<16xf32>
        %add3A_595 = arith.constant 9 : i32
        %add3A_596 = vector.broadcast %add3A_595 : i32 to vector<16xi32>
        %add3A_597 = arith.addi %add3A_112, %add3A_596 : vector<16xi32>
        %gather3A_598 = tpu.vector_load_idx %arg14[%add3A_597, %broadcast_in_dim3A_536] : memref<1280x64xf32, #tpu.memory_space<vmem>>[vector<16xi32>, vector<16xi32>], vector<16xf32>,
        %mul3A_599 = arith.mulf %gather3A_598, %gather3A_537 : vector<16xf32>
        %add3A_600 = arith.addf %add3A_533, %mul3A_599 : vector<16xf32>
        scf.yield %add3A_540, %add3A_546, %add3A_552, %add3A_558, %add3A_564, %add3A_570, %add3A_576, %add3A_582, %add3A_588, %add3A_594, %add3A_600 : vector<16xf32>, vector<16xf32>, vector<16xf32>, vector<16xf32>, vector<16xf32>, vector<16xf32>, vector<16xf32>, vector<16xf32>, vector<16xf32>, vector<16xf32>, vector<16xf32>
      }
      %scan3A_122 = arith.constant 64 : i32
      %swap3A = arith.index_cast %add3A_116 : i32 to index
      %swap3A_123 = tpu.vector_load %arg15[%swap3A] {strides = array<i32>} : memref<512xf32, #tpu.memory_space<vmem>>, vector<16xf32>,
      tpu.vector_store %arg15[%swap3A], %scan3A_121#0 {strides = array<i32>} : memref<512xf32, #tpu.memory_space<vmem>>, vector<16xf32>,
      %add3A_124 = arith.constant 0 : i32
      %add3A_125 = arith.addi %add3A_124, %add3A_116 : i32
      %swap3A_126 = arith.index_cast %add3A_125 : i32 to index
      %swap3A_127 = tpu.vector_load %arg16[%swap3A_126] {strides = array<i32>} : memref<10240xf32, #tpu.memory_space<vmem>>, vector<16xf32>,
      tpu.vector_store %arg16[%swap3A_126], %scan3A_121#1 {strides = array<i32>} : memref<10240xf32, #tpu.memory_space<vmem>>, vector<16xf32>,
      %add3A_128 = arith.constant 512 : i32
      %add3A_129 = arith.addi %add3A_128, %add3A_116 : i32
      %swap3A_130 = arith.index_cast %add3A_129 : i32 to index
      %swap3A_131 = tpu.vector_load %arg16[%swap3A_130] {strides = array<i32>} : memref<10240xf32, #tpu.memory_space<vmem>>, vector<16xf32>,
      tpu.vector_store %arg16[%swap3A_130], %scan3A_121#2 {strides = array<i32>} : memref<10240xf32, #tpu.memory_space<vmem>>, vector<16xf32>,
      %add3A_132 = arith.constant 1024 : i32
      %add3A_133 = arith.addi %add3A_132, %add3A_116 : i32
      %swap3A_134 = arith.index_cast %add3A_133 : i32 to index
      %swap3A_135 = tpu.vector_load %arg16[%swap3A_134] {strides = array<i32>} : memref<10240xf32, #tpu.memory_space<vmem>>, vector<16xf32>,
      tpu.vector_store %arg16[%swap3A_134], %scan3A_121#3 {strides = array<i32>} : memref<10240xf32, #tpu.memory_space<vmem>>, vector<16xf32>,
      %add3A_136 = arith.constant 1536 : i32
      %add3A_137 = arith.addi %add3A_136, %add3A_116 : i32
      %swap3A_138 = arith.index_cast %add3A_137 : i32 to index
      %swap3A_139 = tpu.vector_load %arg16[%swap3A_138] {strides = array<i32>} : memref<10240xf32, #tpu.memory_space<vmem>>, vector<16xf32>,
      tpu.vector_store %arg16[%swap3A_138], %scan3A_121#4 {strides = array<i32>} : memref<10240xf32, #tpu.memory_space<vmem>>, vector<16xf32>,
      %add3A_140 = arith.constant 2048 : i32
      %add3A_141 = arith.addi %add3A_140, %add3A_116 : i32
      %swap3A_142 = arith.index_cast %add3A_141 : i32 to index
      %swap3A_143 = tpu.vector_load %arg16[%swap3A_142] {strides = array<i32>} : memref<10240xf32, #tpu.memory_space<vmem>>, vector<16xf32>,
      tpu.vector_store %arg16[%swap3A_142], %scan3A_121#5 {strides = array<i32>} : memref<10240xf32, #tpu.memory_space<vmem>>, vector<16xf32>,
      %add3A_144 = arith.constant 2560 : i32
      %add3A_145 = arith.addi %add3A_144, %add3A_116 : i32
      %swap3A_146 = arith.index_cast %add3A_145 : i32 to index
      %swap3A_147 = tpu.vector_load %arg16[%swap3A_146] {strides = array<i32>} : memref<10240xf32, #tpu.memory_space<vmem>>, vector<16xf32>,
      tpu.vector_store %arg16[%swap3A_146], %scan3A_121#6 {strides = array<i32>} : memref<10240xf32, #tpu.memory_space<vmem>>, vector<16xf32>,
      %add3A_148 = arith.constant 3072 : i32
      %add3A_149 = arith.addi %add3A_148, %add3A_116 : i32
      %swap3A_150 = arith.index_cast %add3A_149 : i32 to index
      %swap3A_151 = tpu.vector_load %arg16[%swap3A_150] {strides = array<i32>} : memref<10240xf32, #tpu.memory_space<vmem>>, vector<16xf32>,
      tpu.vector_store %arg16[%swap3A_150], %scan3A_121#7 {strides = array<i32>} : memref<10240xf32, #tpu.memory_space<vmem>>, vector<16xf32>,
      %add3A_152 = arith.constant 3584 : i32
      %add3A_153 = arith.addi %add3A_152, %add3A_116 : i32
      %swap3A_154 = arith.index_cast %add3A_153 : i32 to index
      %swap3A_155 = tpu.vector_load %arg16[%swap3A_154] {strides = array<i32>} : memref<10240xf32, #tpu.memory_space<vmem>>, vector<16xf32>,
      tpu.vector_store %arg16[%swap3A_154], %scan3A_121#8 {strides = array<i32>} : memref<10240xf32, #tpu.memory_space<vmem>>, vector<16xf32>,
      %add3A_156 = arith.constant 4096 : i32
      %add3A_157 = arith.addi %add3A_156, %add3A_116 : i32
      %swap3A_158 = arith.index_cast %add3A_157 : i32 to index
      %swap3A_159 = tpu.vector_load %arg16[%swap3A_158] {strides = array<i32>} : memref<10240xf32, #tpu.memory_space<vmem>>, vector<16xf32>,
      tpu.vector_store %arg16[%swap3A_158], %scan3A_121#9 {strides = array<i32>} : memref<10240xf32, #tpu.memory_space<vmem>>, vector<16xf32>,
      %add3A_160 = arith.constant 4608 : i32
      %add3A_161 = arith.addi %add3A_160, %add3A_116 : i32
      %swap3A_162 = arith.index_cast %add3A_161 : i32 to index
      %swap3A_163 = tpu.vector_load %arg16[%swap3A_162] {strides = array<i32>} : memref<10240xf32, #tpu.memory_space<vmem>>, vector<16xf32>,
      tpu.vector_store %arg16[%swap3A_162], %scan3A_121#10 {strides = array<i32>} : memref<10240xf32, #tpu.memory_space<vmem>>, vector<16xf32>,
      %scan3A_164 = arith.constant 0 : i32
      %scan3A_165 = arith.constant 64 : i32
      %scan3A_166 = arith.addi %scan3A_164, %scan3A_165 : i32
      %scan3A_167 = arith.constant 4 : i32
      %scan3A_168:10 = scf.for %scan3A_324 = %scan3A_164 to %scan3A_166 step %scan3A_167 iter_args(%scan3A_325 = %broadcast_in_dim3A_1, %scan3A_326 = %broadcast_in_dim3A_1, %scan3A_327 = %broadcast_in_dim3A_1, %scan3A_328 = %broadcast_in_dim3A_1, %scan3A_329 = %broadcast_in_dim3A_1, %scan3A_330 = %broadcast_in_dim3A_1, %scan3A_331 = %broadcast_in_dim3A_1, %scan3A_332 = %broadcast_in_dim3A_1, %scan3A_333 = %broadcast_in_dim3A_1, %scan3A_334 = %broadcast_in_dim3A_1) -> (vector<16xf32>, vector<16xf32>, vector<16xf32>, vector<16xf32>, vector<16xf32>, vector<16xf32>, vector<16xf32>, vector<16xf32>, vector<16xf32>, vector<16xf32>)  : i32 {
        %broadcast_in_dim3A_335 = vector.broadcast %scan3A_324 : i32 to vector<16xi32>
        %gather3A = tpu.vector_load_idx %arg12[%add3A_102, %broadcast_in_dim3A_335] : memref<64x64xf32, #tpu.memory_space<vmem>>[vector<16xi32>, vector<16xi32>], vector<16xf32>,
        %add3A_336 = arith.constant 10 : i32
        %add3A_337 = vector.broadcast %add3A_336 : i32 to vector<16xi32>
        %add3A_338 = arith.addi %add3A_112, %add3A_337 : vector<16xi32>
        %gather3A_339 = tpu.vector_load_idx %arg14[%add3A_338, %broadcast_in_dim3A_335] : memref<1280x64xf32, #tpu.memory_space<vmem>>[vector<16xi32>, vector<16xi32>], vector<16xf32>,
        %mul3A_340 = arith.mulf %gather3A_339, %gather3A : vector<16xf32>
        %add3A_341 = arith.addf %scan3A_325, %mul3A_340 : vector<16xf32>
        %add3A_342 = arith.constant 11 : i32
        %add3A_343 = vector.broadcast %add3A_342 : i32 to vector<16xi32>
        %add3A_344 = arith.addi %add3A_112, %add3A_343 : vector<16xi32>
        %gather3A_345 = tpu.vector_load_idx %arg14[%add3A_344, %broadcast_in_dim3A_335] : memref<1280x64xf32, #tpu.memory_space<vmem>>[vector<16xi32>, vector<16xi32>], vector<16xf32>,
        %mul3A_346 = arith.mulf %gather3A_345, %gather3A : vector<16xf32>
        %add3A_347 = arith.addf %scan3A_326, %mul3A_346 : vector<16xf32>
        %add3A_348 = arith.constant 12 : i32
        %add3A_349 = vector.broadcast %add3A_348 : i32 to vector<16xi32>
        %add3A_350 = arith.addi %add3A_112, %add3A_349 : vector<16xi32>
        %gather3A_351 = tpu.vector_load_idx %arg14[%add3A_350, %broadcast_in_dim3A_335] : memref<1280x64xf32, #tpu.memory_space<vmem>>[vector<16xi32>, vector<16xi32>], vector<16xf32>,
        %mul3A_352 = arith.mulf %gather3A_351, %gather3A : vector<16xf32>
        %add3A_353 = arith.addf %scan3A_327, %mul3A_352 : vector<16xf32>
        %add3A_354 = arith.constant 13 : i32
        %add3A_355 = vector.broadcast %add3A_354 : i32 to vector<16xi32>
        %add3A_356 = arith.addi %add3A_112, %add3A_355 : vector<16xi32>
        %gather3A_357 = tpu.vector_load_idx %arg14[%add3A_356, %broadcast_in_dim3A_335] : memref<1280x64xf32, #tpu.memory_space<vmem>>[vector<16xi32>, vector<16xi32>], vector<16xf32>,
        %mul3A_358 = arith.mulf %gather3A_357, %gather3A : vector<16xf32>
        %add3A_359 = arith.addf %scan3A_328, %mul3A_358 : vector<16xf32>
        %add3A_360 = arith.constant 14 : i32
        %add3A_361 = vector.broadcast %add3A_360 : i32 to vector<16xi32>
        %add3A_362 = arith.addi %add3A_112, %add3A_361 : vector<16xi32>
        %gather3A_363 = tpu.vector_load_idx %arg14[%add3A_362, %broadcast_in_dim3A_335] : memref<1280x64xf32, #tpu.memory_space<vmem>>[vector<16xi32>, vector<16xi32>], vector<16xf32>,
        %mul3A_364 = arith.mulf %gather3A_363, %gather3A : vector<16xf32>
        %add3A_365 = arith.addf %scan3A_329, %mul3A_364 : vector<16xf32>
        %add3A_366 = arith.constant 15 : i32
        %add3A_367 = vector.broadcast %add3A_366 : i32 to vector<16xi32>
        %add3A_368 = arith.addi %add3A_112, %add3A_367 : vector<16xi32>
        %gather3A_369 = tpu.vector_load_idx %arg14[%add3A_368, %broadcast_in_dim3A_335] : memref<1280x64xf32, #tpu.memory_space<vmem>>[vector<16xi32>, vector<16xi32>], vector<16xf32>,
        %mul3A_370 = arith.mulf %gather3A_369, %gather3A : vector<16xf32>
        %add3A_371 = arith.addf %scan3A_330, %mul3A_370 : vector<16xf32>
        %add3A_372 = arith.constant 16 : i32
        %add3A_373 = vector.broadcast %add3A_372 : i32 to vector<16xi32>
        %add3A_374 = arith.addi %add3A_112, %add3A_373 : vector<16xi32>
        %gather3A_375 = tpu.vector_load_idx %arg14[%add3A_374, %broadcast_in_dim3A_335] : memref<1280x64xf32, #tpu.memory_space<vmem>>[vector<16xi32>, vector<16xi32>], vector<16xf32>,
        %mul3A_376 = arith.mulf %gather3A_375, %gather3A : vector<16xf32>
        %add3A_377 = arith.addf %scan3A_331, %mul3A_376 : vector<16xf32>
        %add3A_378 = arith.constant 17 : i32
        %add3A_379 = vector.broadcast %add3A_378 : i32 to vector<16xi32>
        %add3A_380 = arith.addi %add3A_112, %add3A_379 : vector<16xi32>
        %gather3A_381 = tpu.vector_load_idx %arg14[%add3A_380, %broadcast_in_dim3A_335] : memref<1280x64xf32, #tpu.memory_space<vmem>>[vector<16xi32>, vector<16xi32>], vector<16xf32>,
        %mul3A_382 = arith.mulf %gather3A_381, %gather3A : vector<16xf32>
        %add3A_383 = arith.addf %scan3A_332, %mul3A_382 : vector<16xf32>
        %add3A_384 = arith.constant 18 : i32
        %add3A_385 = vector.broadcast %add3A_384 : i32 to vector<16xi32>
        %add3A_386 = arith.addi %add3A_112, %add3A_385 : vector<16xi32>
        %gather3A_387 = tpu.vector_load_idx %arg14[%add3A_386, %broadcast_in_dim3A_335] : memref<1280x64xf32, #tpu.memory_space<vmem>>[vector<16xi32>, vector<16xi32>], vector<16xf32>,
        %mul3A_388 = arith.mulf %gather3A_387, %gather3A : vector<16xf32>
        %add3A_389 = arith.addf %scan3A_333, %mul3A_388 : vector<16xf32>
        %add3A_390 = arith.constant 19 : i32
        %add3A_391 = vector.broadcast %add3A_390 : i32 to vector<16xi32>
        %add3A_392 = arith.addi %add3A_112, %add3A_391 : vector<16xi32>
        %gather3A_393 = tpu.vector_load_idx %arg14[%add3A_392, %broadcast_in_dim3A_335] : memref<1280x64xf32, #tpu.memory_space<vmem>>[vector<16xi32>, vector<16xi32>], vector<16xf32>,
        %mul3A_394 = arith.mulf %gather3A_393, %gather3A : vector<16xf32>
        %add3A_395 = arith.addf %scan3A_334, %mul3A_394 : vector<16xf32>
        %scan3A_396 = arith.constant 1 : i32
        %scan3A_397 = arith.addi %scan3A_324, %scan3A_396 : i32
        %broadcast_in_dim3A_398 = vector.broadcast %scan3A_397 : i32 to vector<16xi32>
        %gather3A_399 = tpu.vector_load_idx %arg12[%add3A_102, %broadcast_in_dim3A_398] : memref<64x64xf32, #tpu.memory_space<vmem>>[vector<16xi32>, vector<16xi32>], vector<16xf32>,
        %add3A_400 = arith.constant 10 : i32
        %add3A_401 = vector.broadcast %add3A_400 : i32 to vector<16xi32>
        %add3A_402 = arith.addi %add3A_112, %add3A_401 : vector<16xi32>
        %gather3A_403 = tpu.vector_load_idx %arg14[%add3A_402, %broadcast_in_dim3A_398] : memref<1280x64xf32, #tpu.memory_space<vmem>>[vector<16xi32>, vector<16xi32>], vector<16xf32>,
        %mul3A_404 = arith.mulf %gather3A_403, %gather3A_399 : vector<16xf32>
        %add3A_405 = arith.addf %add3A_341, %mul3A_404 : vector<16xf32>
        %add3A_406 = arith.constant 11 : i32
        %add3A_407 = vector.broadcast %add3A_406 : i32 to vector<16xi32>
        %add3A_408 = arith.addi %add3A_112, %add3A_407 : vector<16xi32>
        %gather3A_409 = tpu.vector_load_idx %arg14[%add3A_408, %broadcast_in_dim3A_398] : memref<1280x64xf32, #tpu.memory_space<vmem>>[vector<16xi32>, vector<16xi32>], vector<16xf32>,
        %mul3A_410 = arith.mulf %gather3A_409, %gather3A_399 : vector<16xf32>
        %add3A_411 = arith.addf %add3A_347, %mul3A_410 : vector<16xf32>
        %add3A_412 = arith.constant 12 : i32
        %add3A_413 = vector.broadcast %add3A_412 : i32 to vector<16xi32>
        %add3A_414 = arith.addi %add3A_112, %add3A_413 : vector<16xi32>
        %gather3A_415 = tpu.vector_load_idx %arg14[%add3A_414, %broadcast_in_dim3A_398] : memref<1280x64xf32, #tpu.memory_space<vmem>>[vector<16xi32>, vector<16xi32>], vector<16xf32>,
        %mul3A_416 = arith.mulf %gather3A_415, %gather3A_399 : vector<16xf32>
        %add3A_417 = arith.addf %add3A_353, %mul3A_416 : vector<16xf32>
        %add3A_418 = arith.constant 13 : i32
        %add3A_419 = vector.broadcast %add3A_418 : i32 to vector<16xi32>
        %add3A_420 = arith.addi %add3A_112, %add3A_419 : vector<16xi32>
        %gather3A_421 = tpu.vector_load_idx %arg14[%add3A_420, %broadcast_in_dim3A_398] : memref<1280x64xf32, #tpu.memory_space<vmem>>[vector<16xi32>, vector<16xi32>], vector<16xf32>,
        %mul3A_422 = arith.mulf %gather3A_421, %gather3A_399 : vector<16xf32>
        %add3A_423 = arith.addf %add3A_359, %mul3A_422 : vector<16xf32>
        %add3A_424 = arith.constant 14 : i32
        %add3A_425 = vector.broadcast %add3A_424 : i32 to vector<16xi32>
        %add3A_426 = arith.addi %add3A_112, %add3A_425 : vector<16xi32>
        %gather3A_427 = tpu.vector_load_idx %arg14[%add3A_426, %broadcast_in_dim3A_398] : memref<1280x64xf32, #tpu.memory_space<vmem>>[vector<16xi32>, vector<16xi32>], vector<16xf32>,
        %mul3A_428 = arith.mulf %gather3A_427, %gather3A_399 : vector<16xf32>
        %add3A_429 = arith.addf %add3A_365, %mul3A_428 : vector<16xf32>
        %add3A_430 = arith.constant 15 : i32
        %add3A_431 = vector.broadcast %add3A_430 : i32 to vector<16xi32>
        %add3A_432 = arith.addi %add3A_112, %add3A_431 : vector<16xi32>
        %gather3A_433 = tpu.vector_load_idx %arg14[%add3A_432, %broadcast_in_dim3A_398] : memref<1280x64xf32, #tpu.memory_space<vmem>>[vector<16xi32>, vector<16xi32>], vector<16xf32>,
        %mul3A_434 = arith.mulf %gather3A_433, %gather3A_399 : vector<16xf32>
        %add3A_435 = arith.addf %add3A_371, %mul3A_434 : vector<16xf32>
        %add3A_436 = arith.constant 16 : i32
        %add3A_437 = vector.broadcast %add3A_436 : i32 to vector<16xi32>
        %add3A_438 = arith.addi %add3A_112, %add3A_437 : vector<16xi32>
        %gather3A_439 = tpu.vector_load_idx %arg14[%add3A_438, %broadcast_in_dim3A_398] : memref<1280x64xf32, #tpu.memory_space<vmem>>[vector<16xi32>, vector<16xi32>], vector<16xf32>,
        %mul3A_440 = arith.mulf %gather3A_439, %gather3A_399 : vector<16xf32>
        %add3A_441 = arith.addf %add3A_377, %mul3A_440 : vector<16xf32>
        %add3A_442 = arith.constant 17 : i32
        %add3A_443 = vector.broadcast %add3A_442 : i32 to vector<16xi32>
        %add3A_444 = arith.addi %add3A_112, %add3A_443 : vector<16xi32>
        %gather3A_445 = tpu.vector_load_idx %arg14[%add3A_444, %broadcast_in_dim3A_398] : memref<1280x64xf32, #tpu.memory_space<vmem>>[vector<16xi32>, vector<16xi32>], vector<16xf32>,
        %mul3A_446 = arith.mulf %gather3A_445, %gather3A_399 : vector<16xf32>
        %add3A_447 = arith.addf %add3A_383, %mul3A_446 : vector<16xf32>
        %add3A_448 = arith.constant 18 : i32
        %add3A_449 = vector.broadcast %add3A_448 : i32 to vector<16xi32>
        %add3A_450 = arith.addi %add3A_112, %add3A_449 : vector<16xi32>
        %gather3A_451 = tpu.vector_load_idx %arg14[%add3A_450, %broadcast_in_dim3A_398] : memref<1280x64xf32, #tpu.memory_space<vmem>>[vector<16xi32>, vector<16xi32>], vector<16xf32>,
        %mul3A_452 = arith.mulf %gather3A_451, %gather3A_399 : vector<16xf32>
        %add3A_453 = arith.addf %add3A_389, %mul3A_452 : vector<16xf32>
        %add3A_454 = arith.constant 19 : i32
        %add3A_455 = vector.broadcast %add3A_454 : i32 to vector<16xi32>
        %add3A_456 = arith.addi %add3A_112, %add3A_455 : vector<16xi32>
        %gather3A_457 = tpu.vector_load_idx %arg14[%add3A_456, %broadcast_in_dim3A_398] : memref<1280x64xf32, #tpu.memory_space<vmem>>[vector<16xi32>, vector<16xi32>], vector<16xf32>,
        %mul3A_458 = arith.mulf %gather3A_457, %gather3A_399 : vector<16xf32>
        %add3A_459 = arith.addf %add3A_395, %mul3A_458 : vector<16xf32>
        %scan3A_460 = arith.constant 2 : i32
        %scan3A_461 = arith.addi %scan3A_324, %scan3A_460 : i32
        %broadcast_in_dim3A_462 = vector.broadcast %scan3A_461 : i32 to vector<16xi32>
        %gather3A_463 = tpu.vector_load_idx %arg12[%add3A_102, %broadcast_in_dim3A_462] : memref<64x64xf32, #tpu.memory_space<vmem>>[vector<16xi32>, vector<16xi32>], vector<16xf32>,
        %add3A_464 = arith.constant 10 : i32
        %add3A_465 = vector.broadcast %add3A_464 : i32 to vector<16xi32>
        %add3A_466 = arith.addi %add3A_112, %add3A_465 : vector<16xi32>
        %gather3A_467 = tpu.vector_load_idx %arg14[%add3A_466, %broadcast_in_dim3A_462] : memref<1280x64xf32, #tpu.memory_space<vmem>>[vector<16xi32>, vector<16xi32>], vector<16xf32>,
        %mul3A_468 = arith.mulf %gather3A_467, %gather3A_463 : vector<16xf32>
        %add3A_469 = arith.addf %add3A_405, %mul3A_468 : vector<16xf32>
        %add3A_470 = arith.constant 11 : i32
        %add3A_471 = vector.broadcast %add3A_470 : i32 to vector<16xi32>
        %add3A_472 = arith.addi %add3A_112, %add3A_471 : vector<16xi32>
        %gather3A_473 = tpu.vector_load_idx %arg14[%add3A_472, %broadcast_in_dim3A_462] : memref<1280x64xf32, #tpu.memory_space<vmem>>[vector<16xi32>, vector<16xi32>], vector<16xf32>,
        %mul3A_474 = arith.mulf %gather3A_473, %gather3A_463 : vector<16xf32>
        %add3A_475 = arith.addf %add3A_411, %mul3A_474 : vector<16xf32>
        %add3A_476 = arith.constant 12 : i32
        %add3A_477 = vector.broadcast %add3A_476 : i32 to vector<16xi32>
        %add3A_478 = arith.addi %add3A_112, %add3A_477 : vector<16xi32>
        %gather3A_479 = tpu.vector_load_idx %arg14[%add3A_478, %broadcast_in_dim3A_462] : memref<1280x64xf32, #tpu.memory_space<vmem>>[vector<16xi32>, vector<16xi32>], vector<16xf32>,
        %mul3A_480 = arith.mulf %gather3A_479, %gather3A_463 : vector<16xf32>
        %add3A_481 = arith.addf %add3A_417, %mul3A_480 : vector<16xf32>
        %add3A_482 = arith.constant 13 : i32
        %add3A_483 = vector.broadcast %add3A_482 : i32 to vector<16xi32>
        %add3A_484 = arith.addi %add3A_112, %add3A_483 : vector<16xi32>
        %gather3A_485 = tpu.vector_load_idx %arg14[%add3A_484, %broadcast_in_dim3A_462] : memref<1280x64xf32, #tpu.memory_space<vmem>>[vector<16xi32>, vector<16xi32>], vector<16xf32>,
        %mul3A_486 = arith.mulf %gather3A_485, %gather3A_463 : vector<16xf32>
        %add3A_487 = arith.addf %add3A_423, %mul3A_486 : vector<16xf32>
        %add3A_488 = arith.constant 14 : i32
        %add3A_489 = vector.broadcast %add3A_488 : i32 to vector<16xi32>
        %add3A_490 = arith.addi %add3A_112, %add3A_489 : vector<16xi32>
        %gather3A_491 = tpu.vector_load_idx %arg14[%add3A_490, %broadcast_in_dim3A_462] : memref<1280x64xf32, #tpu.memory_space<vmem>>[vector<16xi32>, vector<16xi32>], vector<16xf32>,
        %mul3A_492 = arith.mulf %gather3A_491, %gather3A_463 : vector<16xf32>
        %add3A_493 = arith.addf %add3A_429, %mul3A_492 : vector<16xf32>
        %add3A_494 = arith.constant 15 : i32
        %add3A_495 = vector.broadcast %add3A_494 : i32 to vector<16xi32>
        %add3A_496 = arith.addi %add3A_112, %add3A_495 : vector<16xi32>
        %gather3A_497 = tpu.vector_load_idx %arg14[%add3A_496, %broadcast_in_dim3A_462] : memref<1280x64xf32, #tpu.memory_space<vmem>>[vector<16xi32>, vector<16xi32>], vector<16xf32>,
        %mul3A_498 = arith.mulf %gather3A_497, %gather3A_463 : vector<16xf32>
        %add3A_499 = arith.addf %add3A_435, %mul3A_498 : vector<16xf32>
        %add3A_500 = arith.constant 16 : i32
        %add3A_501 = vector.broadcast %add3A_500 : i32 to vector<16xi32>
        %add3A_502 = arith.addi %add3A_112, %add3A_501 : vector<16xi32>
        %gather3A_503 = tpu.vector_load_idx %arg14[%add3A_502, %broadcast_in_dim3A_462] : memref<1280x64xf32, #tpu.memory_space<vmem>>[vector<16xi32>, vector<16xi32>], vector<16xf32>,
        %mul3A_504 = arith.mulf %gather3A_503, %gather3A_463 : vector<16xf32>
        %add3A_505 = arith.addf %add3A_441, %mul3A_504 : vector<16xf32>
        %add3A_506 = arith.constant 17 : i32
        %add3A_507 = vector.broadcast %add3A_506 : i32 to vector<16xi32>
        %add3A_508 = arith.addi %add3A_112, %add3A_507 : vector<16xi32>
        %gather3A_509 = tpu.vector_load_idx %arg14[%add3A_508, %broadcast_in_dim3A_462] : memref<1280x64xf32, #tpu.memory_space<vmem>>[vector<16xi32>, vector<16xi32>], vector<16xf32>,
        %mul3A_510 = arith.mulf %gather3A_509, %gather3A_463 : vector<16xf32>
        %add3A_511 = arith.addf %add3A_447, %mul3A_510 : vector<16xf32>
        %add3A_512 = arith.constant 18 : i32
        %add3A_513 = vector.broadcast %add3A_512 : i32 to vector<16xi32>
        %add3A_514 = arith.addi %add3A_112, %add3A_513 : vector<16xi32>
        %gather3A_515 = tpu.vector_load_idx %arg14[%add3A_514, %broadcast_in_dim3A_462] : memref<1280x64xf32, #tpu.memory_space<vmem>>[vector<16xi32>, vector<16xi32>], vector<16xf32>,
        %mul3A_516 = arith.mulf %gather3A_515, %gather3A_463 : vector<16xf32>
        %add3A_517 = arith.addf %add3A_453, %mul3A_516 : vector<16xf32>
        %add3A_518 = arith.constant 19 : i32
        %add3A_519 = vector.broadcast %add3A_518 : i32 to vector<16xi32>
        %add3A_520 = arith.addi %add3A_112, %add3A_519 : vector<16xi32>
        %gather3A_521 = tpu.vector_load_idx %arg14[%add3A_520, %broadcast_in_dim3A_462] : memref<1280x64xf32, #tpu.memory_space<vmem>>[vector<16xi32>, vector<16xi32>], vector<16xf32>,
        %mul3A_522 = arith.mulf %gather3A_521, %gather3A_463 : vector<16xf32>
        %add3A_523 = arith.addf %add3A_459, %mul3A_522 : vector<16xf32>
        %scan3A_524 = arith.constant 3 : i32
        %scan3A_525 = arith.addi %scan3A_324, %scan3A_524 : i32
        %broadcast_in_dim3A_526 = vector.broadcast %scan3A_525 : i32 to vector<16xi32>
        %gather3A_527 = tpu.vector_load_idx %arg12[%add3A_102, %broadcast_in_dim3A_526] : memref<64x64xf32, #tpu.memory_space<vmem>>[vector<16xi32>, vector<16xi32>], vector<16xf32>,
        %add3A_528 = arith.constant 10 : i32
        %add3A_529 = vector.broadcast %add3A_528 : i32 to vector<16xi32>
        %add3A_530 = arith.addi %add3A_112, %add3A_529 : vector<16xi32>
        %gather3A_531 = tpu.vector_load_idx %arg14[%add3A_530, %broadcast_in_dim3A_526] : memref<1280x64xf32, #tpu.memory_space<vmem>>[vector<16xi32>, vector<16xi32>], vector<16xf32>,
        %mul3A_532 = arith.mulf %gather3A_531, %gather3A_527 : vector<16xf32>
        %add3A_533 = arith.addf %add3A_469, %mul3A_532 : vector<16xf32>
        %add3A_534 = arith.constant 11 : i32
        %add3A_535 = vector.broadcast %add3A_534 : i32 to vector<16xi32>
        %add3A_536 = arith.addi %add3A_112, %add3A_535 : vector<16xi32>
        %gather3A_537 = tpu.vector_load_idx %arg14[%add3A_536, %broadcast_in_dim3A_526] : memref<1280x64xf32, #tpu.memory_space<vmem>>[vector<16xi32>, vector<16xi32>], vector<16xf32>,
        %mul3A_538 = arith.mulf %gather3A_537, %gather3A_527 : vector<16xf32>
        %add3A_539 = arith.addf %add3A_475, %mul3A_538 : vector<16xf32>
        %add3A_540 = arith.constant 12 : i32
        %add3A_541 = vector.broadcast %add3A_540 : i32 to vector<16xi32>
        %add3A_542 = arith.addi %add3A_112, %add3A_541 : vector<16xi32>
        %gather3A_543 = tpu.vector_load_idx %arg14[%add3A_542, %broadcast_in_dim3A_526] : memref<1280x64xf32, #tpu.memory_space<vmem>>[vector<16xi32>, vector<16xi32>], vector<16xf32>,
        %mul3A_544 = arith.mulf %gather3A_543, %gather3A_527 : vector<16xf32>
        %add3A_545 = arith.addf %add3A_481, %mul3A_544 : vector<16xf32>
        %add3A_546 = arith.constant 13 : i32
        %add3A_547 = vector.broadcast %add3A_546 : i32 to vector<16xi32>
        %add3A_548 = arith.addi %add3A_112, %add3A_547 : vector<16xi32>
        %gather3A_549 = tpu.vector_load_idx %arg14[%add3A_548, %broadcast_in_dim3A_526] : memref<1280x64xf32, #tpu.memory_space<vmem>>[vector<16xi32>, vector<16xi32>], vector<16xf32>,
        %mul3A_550 = arith.mulf %gather3A_549, %gather3A_527 : vector<16xf32>
        %add3A_551 = arith.addf %add3A_487, %mul3A_550 : vector<16xf32>
        %add3A_552 = arith.constant 14 : i32
        %add3A_553 = vector.broadcast %add3A_552 : i32 to vector<16xi32>
        %add3A_554 = arith.addi %add3A_112, %add3A_553 : vector<16xi32>
        %gather3A_555 = tpu.vector_load_idx %arg14[%add3A_554, %broadcast_in_dim3A_526] : memref<1280x64xf32, #tpu.memory_space<vmem>>[vector<16xi32>, vector<16xi32>], vector<16xf32>,
        %mul3A_556 = arith.mulf %gather3A_555, %gather3A_527 : vector<16xf32>
        %add3A_557 = arith.addf %add3A_493, %mul3A_556 : vector<16xf32>
        %add3A_558 = arith.constant 15 : i32
        %add3A_559 = vector.broadcast %add3A_558 : i32 to vector<16xi32>
        %add3A_560 = arith.addi %add3A_112, %add3A_559 : vector<16xi32>
        %gather3A_561 = tpu.vector_load_idx %arg14[%add3A_560, %broadcast_in_dim3A_526] : memref<1280x64xf32, #tpu.memory_space<vmem>>[vector<16xi32>, vector<16xi32>], vector<16xf32>,
        %mul3A_562 = arith.mulf %gather3A_561, %gather3A_527 : vector<16xf32>
        %add3A_563 = arith.addf %add3A_499, %mul3A_562 : vector<16xf32>
        %add3A_564 = arith.constant 16 : i32
        %add3A_565 = vector.broadcast %add3A_564 : i32 to vector<16xi32>
        %add3A_566 = arith.addi %add3A_112, %add3A_565 : vector<16xi32>
        %gather3A_567 = tpu.vector_load_idx %arg14[%add3A_566, %broadcast_in_dim3A_526] : memref<1280x64xf32, #tpu.memory_space<vmem>>[vector<16xi32>, vector<16xi32>], vector<16xf32>,
        %mul3A_568 = arith.mulf %gather3A_567, %gather3A_527 : vector<16xf32>
        %add3A_569 = arith.addf %add3A_505, %mul3A_568 : vector<16xf32>
        %add3A_570 = arith.constant 17 : i32
        %add3A_571 = vector.broadcast %add3A_570 : i32 to vector<16xi32>
        %add3A_572 = arith.addi %add3A_112, %add3A_571 : vector<16xi32>
        %gather3A_573 = tpu.vector_load_idx %arg14[%add3A_572, %broadcast_in_dim3A_526] : memref<1280x64xf32, #tpu.memory_space<vmem>>[vector<16xi32>, vector<16xi32>], vector<16xf32>,
        %mul3A_574 = arith.mulf %gather3A_573, %gather3A_527 : vector<16xf32>
        %add3A_575 = arith.addf %add3A_511, %mul3A_574 : vector<16xf32>
        %add3A_576 = arith.constant 18 : i32
        %add3A_577 = vector.broadcast %add3A_576 : i32 to vector<16xi32>
        %add3A_578 = arith.addi %add3A_112, %add3A_577 : vector<16xi32>
        %gather3A_579 = tpu.vector_load_idx %arg14[%add3A_578, %broadcast_in_dim3A_526] : memref<1280x64xf32, #tpu.memory_space<vmem>>[vector<16xi32>, vector<16xi32>], vector<16xf32>,
        %mul3A_580 = arith.mulf %gather3A_579, %gather3A_527 : vector<16xf32>
        %add3A_581 = arith.addf %add3A_517, %mul3A_580 : vector<16xf32>
        %add3A_582 = arith.constant 19 : i32
        %add3A_583 = vector.broadcast %add3A_582 : i32 to vector<16xi32>
        %add3A_584 = arith.addi %add3A_112, %add3A_583 : vector<16xi32>
        %gather3A_585 = tpu.vector_load_idx %arg14[%add3A_584, %broadcast_in_dim3A_526] : memref<1280x64xf32, #tpu.memory_space<vmem>>[vector<16xi32>, vector<16xi32>], vector<16xf32>,
        %mul3A_586 = arith.mulf %gather3A_585, %gather3A_527 : vector<16xf32>
        %add3A_587 = arith.addf %add3A_523, %mul3A_586 : vector<16xf32>
        scf.yield %add3A_533, %add3A_539, %add3A_545, %add3A_551, %add3A_557, %add3A_563, %add3A_569, %add3A_575, %add3A_581, %add3A_587 : vector<16xf32>, vector<16xf32>, vector<16xf32>, vector<16xf32>, vector<16xf32>, vector<16xf32>, vector<16xf32>, vector<16xf32>, vector<16xf32>, vector<16xf32>
      }
      %scan3A_169 = arith.constant 64 : i32
      %add3A_170 = arith.constant 5120 : i32
      %add3A_171 = arith.addi %add3A_170, %add3A_116 : i32
      %swap3A_172 = arith.index_cast %add3A_171 : i32 to index
      %swap3A_173 = tpu.vector_load %arg16[%swap3A_172] {strides = array<i32>} : memref<10240xf32, #tpu.memory_space<vmem>>, vector<16xf32>,
      tpu.vector_store %arg16[%swap3A_172], %scan3A_168#0 {strides = array<i32>} : memref<10240xf32, #tpu.memory_space<vmem>>, vector<16xf32>,
      %add3A_174 = arith.constant 5632 : i32
      %add3A_175 = arith.addi %add3A_174, %add3A_116 : i32
      %swap3A_176 = arith.index_cast %add3A_175 : i32 to index
      %swap3A_177 = tpu.vector_load %arg16[%swap3A_176] {strides = array<i32>} : memref<10240xf32, #tpu.memory_space<vmem>>, vector<16xf32>,
      tpu.vector_store %arg16[%swap3A_176], %scan3A_168#1 {strides = array<i32>} : memref<10240xf32, #tpu.memory_space<vmem>>, vector<16xf32>,
      %add3A_178 = arith.constant 6144 : i32
      %add3A_179 = arith.addi %add3A_178, %add3A_116 : i32
      %swap3A_180 = arith.index_cast %add3A_179 : i32 to index
      %swap3A_181 = tpu.vector_load %arg16[%swap3A_180] {strides = array<i32>} : memref<10240xf32, #tpu.memory_space<vmem>>, vector<16xf32>,
      tpu.vector_store %arg16[%swap3A_180], %scan3A_168#2 {strides = array<i32>} : memref<10240xf32, #tpu.memory_space<vmem>>, vector<16xf32>,
      %add3A_182 = arith.constant 6656 : i32
      %add3A_183 = arith.addi %add3A_182, %add3A_116 : i32
      %swap3A_184 = arith.index_cast %add3A_183 : i32 to index
      %swap3A_185 = tpu.vector_load %arg16[%swap3A_184] {strides = array<i32>} : memref<10240xf32, #tpu.memory_space<vmem>>, vector<16xf32>,
      tpu.vector_store %arg16[%swap3A_184], %scan3A_168#3 {strides = array<i32>} : memref<10240xf32, #tpu.memory_space<vmem>>, vector<16xf32>,
      %add3A_186 = arith.constant 7168 : i32
      %add3A_187 = arith.addi %add3A_186, %add3A_116 : i32
      %swap3A_188 = arith.index_cast %add3A_187 : i32 to index
      %swap3A_189 = tpu.vector_load %arg16[%swap3A_188] {strides = array<i32>} : memref<10240xf32, #tpu.memory_space<vmem>>, vector<16xf32>,
      tpu.vector_store %arg16[%swap3A_188], %scan3A_168#4 {strides = array<i32>} : memref<10240xf32, #tpu.memory_space<vmem>>, vector<16xf32>,
      %add3A_190 = arith.constant 7680 : i32
      %add3A_191 = arith.addi %add3A_190, %add3A_116 : i32
      %swap3A_192 = arith.index_cast %add3A_191 : i32 to index
      %swap3A_193 = tpu.vector_load %arg16[%swap3A_192] {strides = array<i32>} : memref<10240xf32, #tpu.memory_space<vmem>>, vector<16xf32>,
      tpu.vector_store %arg16[%swap3A_192], %scan3A_168#5 {strides = array<i32>} : memref<10240xf32, #tpu.memory_space<vmem>>, vector<16xf32>,
      %add3A_194 = arith.constant 8192 : i32
      %add3A_195 = arith.addi %add3A_194, %add3A_116 : i32
      %swap3A_196 = arith.index_cast %add3A_195 : i32 to index
      %swap3A_197 = tpu.vector_load %arg16[%swap3A_196] {strides = array<i32>} : memref<10240xf32, #tpu.memory_space<vmem>>, vector<16xf32>,
      tpu.vector_store %arg16[%swap3A_196], %scan3A_168#6 {strides = array<i32>} : memref<10240xf32, #tpu.memory_space<vmem>>, vector<16xf32>,
      %add3A_198 = arith.constant 8704 : i32
      %add3A_199 = arith.addi %add3A_198, %add3A_116 : i32
      %swap3A_200 = arith.index_cast %add3A_199 : i32 to index
      %swap3A_201 = tpu.vector_load %arg16[%swap3A_200] {strides = array<i32>} : memref<10240xf32, #tpu.memory_space<vmem>>, vector<16xf32>,
      tpu.vector_store %arg16[%swap3A_200], %scan3A_168#7 {strides = array<i32>} : memref<10240xf32, #tpu.memory_space<vmem>>, vector<16xf32>,
      %add3A_202 = arith.constant 9216 : i32
      %add3A_203 = arith.addi %add3A_202, %add3A_116 : i32
      %swap3A_204 = arith.index_cast %add3A_203 : i32 to index
      %swap3A_205 = tpu.vector_load %arg16[%swap3A_204] {strides = array<i32>} : memref<10240xf32, #tpu.memory_space<vmem>>, vector<16xf32>,
      tpu.vector_store %arg16[%swap3A_204], %scan3A_168#8 {strides = array<i32>} : memref<10240xf32, #tpu.memory_space<vmem>>, vector<16xf32>,
      %add3A_206 = arith.constant 9728 : i32
      %add3A_207 = arith.addi %add3A_206, %add3A_116 : i32
      %swap3A_208 = arith.index_cast %add3A_207 : i32 to index
      %swap3A_209 = tpu.vector_load %arg16[%swap3A_208] {strides = array<i32>} : memref<10240xf32, #tpu.memory_space<vmem>>, vector<16xf32>,
      tpu.vector_store %arg16[%swap3A_208], %scan3A_168#9 {strides = array<i32>} : memref<10240xf32, #tpu.memory_space<vmem>>, vector<16xf32>,
      %mul3A_210 = arith.constant 32 : i32
      %mul3A_211 = arith.muli %rem3A_83, %mul3A_210 : i32
      %add3A_212 = arith.constant 16 : i32
      %add3A_213 = arith.addi %add3A_212, %mul3A_211 : i32
      %add3A_214 = vector.broadcast %add3A_213 : i32 to vector<16xi32>
      %add3A_215 = arith.addi %iota3A, %add3A_214 : vector<16xi32>
      %add3A_216 = arith.constant 16 : i32
      %add3A_217 = vector.broadcast %add3A_216 : i32 to vector<16xi32>
      %add3A_218 = arith.addi %iota3A, %add3A_217 : vector<16xi32>
      %mul3A_219 = arith.constant 20 : i32
      %mul3A_220 = vector.broadcast %mul3A_219 : i32 to vector<16xi32>
      %mul3A_221 = arith.muli %add3A_218, %mul3A_220 : vector<16xi32>
      %mul3A_222 = arith.constant 640 : i32
      %mul3A_223 = arith.muli %rem3A_83, %mul3A_222 : i32
      %add3A_224 = vector.broadcast %mul3A_223 : i32 to vector<16xi32>
      %add3A_225 = arith.addi %mul3A_221, %add3A_224 : vector<16xi32>
      %mul3A_226 = arith.constant 32 : i32
      %mul3A_227 = arith.muli %scan3A_82, %mul3A_226 : i32
      %add3A_228 = arith.constant 16 : i32
      %add3A_229 = arith.addi %mul3A_227, %add3A_228 : i32
      %scan3A_230 = arith.constant 0 : i32
      %scan3A_231 = arith.constant 64 : i32
      %scan3A_232 = arith.addi %scan3A_230, %scan3A_231 : i32
      %scan3A_233 = arith.constant 4 : i32
      %scan3A_234:11 = scf.for %scan3A_324 = %scan3A_230 to %scan3A_232 step %scan3A_233 iter_args(%scan3A_325 = %broadcast_in_dim3A_1, %scan3A_326 = %broadcast_in_dim3A_1, %scan3A_327 = %broadcast_in_dim3A_1, %scan3A_328 = %broadcast_in_dim3A_1, %scan3A_329 = %broadcast_in_dim3A_1, %scan3A_330 = %broadcast_in_dim3A_1, %scan3A_331 = %broadcast_in_dim3A_1, %scan3A_332 = %broadcast_in_dim3A_1, %scan3A_333 = %broadcast_in_dim3A_1, %scan3A_334 = %broadcast_in_dim3A_1, %scan3A_335 = %broadcast_in_dim3A_1) -> (vector<16xf32>, vector<16xf32>, vector<16xf32>, vector<16xf32>, vector<16xf32>, vector<16xf32>, vector<16xf32>, vector<16xf32>, vector<16xf32>, vector<16xf32>, vector<16xf32>)  : i32 {
        %broadcast_in_dim3A_336 = vector.broadcast %scan3A_324 : i32 to vector<16xi32>
        %gather3A = tpu.vector_load_idx %arg12[%add3A_215, %broadcast_in_dim3A_336] : memref<64x64xf32, #tpu.memory_space<vmem>>[vector<16xi32>, vector<16xi32>], vector<16xf32>,
        %gather3A_337 = tpu.vector_load_idx %arg13[%add3A_215, %broadcast_in_dim3A_336] : memref<64x64xf32, #tpu.memory_space<vmem>>[vector<16xi32>, vector<16xi32>], vector<16xf32>,
        %mul3A_338 = arith.mulf %gather3A, %gather3A_337 : vector<16xf32>
        %add3A_339 = arith.addf %scan3A_325, %mul3A_338 : vector<16xf32>
        %add3A_340 = arith.constant 0 : i32
        %add3A_341 = vector.broadcast %add3A_340 : i32 to vector<16xi32>
        %add3A_342 = arith.addi %add3A_225, %add3A_341 : vector<16xi32>
        %gather3A_343 = tpu.vector_load_idx %arg14[%add3A_342, %broadcast_in_dim3A_336] : memref<1280x64xf32, #tpu.memory_space<vmem>>[vector<16xi32>, vector<16xi32>], vector<16xf32>,
        %mul3A_344 = arith.mulf %gather3A_343, %gather3A : vector<16xf32>
        %add3A_345 = arith.addf %scan3A_326, %mul3A_344 : vector<16xf32>
        %add3A_346 = arith.constant 1 : i32
        %add3A_347 = vector.broadcast %add3A_346 : i32 to vector<16xi32>
        %add3A_348 = arith.addi %add3A_225, %add3A_347 : vector<16xi32>
        %gather3A_349 = tpu.vector_load_idx %arg14[%add3A_348, %broadcast_in_dim3A_336] : memref<1280x64xf32, #tpu.memory_space<vmem>>[vector<16xi32>, vector<16xi32>], vector<16xf32>,
        %mul3A_350 = arith.mulf %gather3A_349, %gather3A : vector<16xf32>
        %add3A_351 = arith.addf %scan3A_327, %mul3A_350 : vector<16xf32>
        %add3A_352 = arith.constant 2 : i32
        %add3A_353 = vector.broadcast %add3A_352 : i32 to vector<16xi32>
        %add3A_354 = arith.addi %add3A_225, %add3A_353 : vector<16xi32>
        %gather3A_355 = tpu.vector_load_idx %arg14[%add3A_354, %broadcast_in_dim3A_336] : memref<1280x64xf32, #tpu.memory_space<vmem>>[vector<16xi32>, vector<16xi32>], vector<16xf32>,
        %mul3A_356 = arith.mulf %gather3A_355, %gather3A : vector<16xf32>
        %add3A_357 = arith.addf %scan3A_328, %mul3A_356 : vector<16xf32>
        %add3A_358 = arith.constant 3 : i32
        %add3A_359 = vector.broadcast %add3A_358 : i32 to vector<16xi32>
        %add3A_360 = arith.addi %add3A_225, %add3A_359 : vector<16xi32>
        %gather3A_361 = tpu.vector_load_idx %arg14[%add3A_360, %broadcast_in_dim3A_336] : memref<1280x64xf32, #tpu.memory_space<vmem>>[vector<16xi32>, vector<16xi32>], vector<16xf32>,
        %mul3A_362 = arith.mulf %gather3A_361, %gather3A : vector<16xf32>
        %add3A_363 = arith.addf %scan3A_329, %mul3A_362 : vector<16xf32>
        %add3A_364 = arith.constant 4 : i32
        %add3A_365 = vector.broadcast %add3A_364 : i32 to vector<16xi32>
        %add3A_366 = arith.addi %add3A_225, %add3A_365 : vector<16xi32>
        %gather3A_367 = tpu.vector_load_idx %arg14[%add3A_366, %broadcast_in_dim3A_336] : memref<1280x64xf32, #tpu.memory_space<vmem>>[vector<16xi32>, vector<16xi32>], vector<16xf32>,
        %mul3A_368 = arith.mulf %gather3A_367, %gather3A : vector<16xf32>
        %add3A_369 = arith.addf %scan3A_330, %mul3A_368 : vector<16xf32>
        %add3A_370 = arith.constant 5 : i32
        %add3A_371 = vector.broadcast %add3A_370 : i32 to vector<16xi32>
        %add3A_372 = arith.addi %add3A_225, %add3A_371 : vector<16xi32>
        %gather3A_373 = tpu.vector_load_idx %arg14[%add3A_372, %broadcast_in_dim3A_336] : memref<1280x64xf32, #tpu.memory_space<vmem>>[vector<16xi32>, vector<16xi32>], vector<16xf32>,
        %mul3A_374 = arith.mulf %gather3A_373, %gather3A : vector<16xf32>
        %add3A_375 = arith.addf %scan3A_331, %mul3A_374 : vector<16xf32>
        %add3A_376 = arith.constant 6 : i32
        %add3A_377 = vector.broadcast %add3A_376 : i32 to vector<16xi32>
        %add3A_378 = arith.addi %add3A_225, %add3A_377 : vector<16xi32>
        %gather3A_379 = tpu.vector_load_idx %arg14[%add3A_378, %broadcast_in_dim3A_336] : memref<1280x64xf32, #tpu.memory_space<vmem>>[vector<16xi32>, vector<16xi32>], vector<16xf32>,
        %mul3A_380 = arith.mulf %gather3A_379, %gather3A : vector<16xf32>
        %add3A_381 = arith.addf %scan3A_332, %mul3A_380 : vector<16xf32>
        %add3A_382 = arith.constant 7 : i32
        %add3A_383 = vector.broadcast %add3A_382 : i32 to vector<16xi32>
        %add3A_384 = arith.addi %add3A_225, %add3A_383 : vector<16xi32>
        %gather3A_385 = tpu.vector_load_idx %arg14[%add3A_384, %broadcast_in_dim3A_336] : memref<1280x64xf32, #tpu.memory_space<vmem>>[vector<16xi32>, vector<16xi32>], vector<16xf32>,
        %mul3A_386 = arith.mulf %gather3A_385, %gather3A : vector<16xf32>
        %add3A_387 = arith.addf %scan3A_333, %mul3A_386 : vector<16xf32>
        %add3A_388 = arith.constant 8 : i32
        %add3A_389 = vector.broadcast %add3A_388 : i32 to vector<16xi32>
        %add3A_390 = arith.addi %add3A_225, %add3A_389 : vector<16xi32>
        %gather3A_391 = tpu.vector_load_idx %arg14[%add3A_390, %broadcast_in_dim3A_336] : memref<1280x64xf32, #tpu.memory_space<vmem>>[vector<16xi32>, vector<16xi32>], vector<16xf32>,
        %mul3A_392 = arith.mulf %gather3A_391, %gather3A : vector<16xf32>
        %add3A_393 = arith.addf %scan3A_334, %mul3A_392 : vector<16xf32>
        %add3A_394 = arith.constant 9 : i32
        %add3A_395 = vector.broadcast %add3A_394 : i32 to vector<16xi32>
        %add3A_396 = arith.addi %add3A_225, %add3A_395 : vector<16xi32>
        %gather3A_397 = tpu.vector_load_idx %arg14[%add3A_396, %broadcast_in_dim3A_336] : memref<1280x64xf32, #tpu.memory_space<vmem>>[vector<16xi32>, vector<16xi32>], vector<16xf32>,
        %mul3A_398 = arith.mulf %gather3A_397, %gather3A : vector<16xf32>
        %add3A_399 = arith.addf %scan3A_335, %mul3A_398 : vector<16xf32>
        %scan3A_400 = arith.constant 1 : i32
        %scan3A_401 = arith.addi %scan3A_324, %scan3A_400 : i32
        %broadcast_in_dim3A_402 = vector.broadcast %scan3A_401 : i32 to vector<16xi32>
        %gather3A_403 = tpu.vector_load_idx %arg12[%add3A_215, %broadcast_in_dim3A_402] : memref<64x64xf32, #tpu.memory_space<vmem>>[vector<16xi32>, vector<16xi32>], vector<16xf32>,
        %gather3A_404 = tpu.vector_load_idx %arg13[%add3A_215, %broadcast_in_dim3A_402] : memref<64x64xf32, #tpu.memory_space<vmem>>[vector<16xi32>, vector<16xi32>], vector<16xf32>,
        %mul3A_405 = arith.mulf %gather3A_403, %gather3A_404 : vector<16xf32>
        %add3A_406 = arith.addf %add3A_339, %mul3A_405 : vector<16xf32>
        %add3A_407 = arith.constant 0 : i32
        %add3A_408 = vector.broadcast %add3A_407 : i32 to vector<16xi32>
        %add3A_409 = arith.addi %add3A_225, %add3A_408 : vector<16xi32>
        %gather3A_410 = tpu.vector_load_idx %arg14[%add3A_409, %broadcast_in_dim3A_402] : memref<1280x64xf32, #tpu.memory_space<vmem>>[vector<16xi32>, vector<16xi32>], vector<16xf32>,
        %mul3A_411 = arith.mulf %gather3A_410, %gather3A_403 : vector<16xf32>
        %add3A_412 = arith.addf %add3A_345, %mul3A_411 : vector<16xf32>
        %add3A_413 = arith.constant 1 : i32
        %add3A_414 = vector.broadcast %add3A_413 : i32 to vector<16xi32>
        %add3A_415 = arith.addi %add3A_225, %add3A_414 : vector<16xi32>
        %gather3A_416 = tpu.vector_load_idx %arg14[%add3A_415, %broadcast_in_dim3A_402] : memref<1280x64xf32, #tpu.memory_space<vmem>>[vector<16xi32>, vector<16xi32>], vector<16xf32>,
        %mul3A_417 = arith.mulf %gather3A_416, %gather3A_403 : vector<16xf32>
        %add3A_418 = arith.addf %add3A_351, %mul3A_417 : vector<16xf32>
        %add3A_419 = arith.constant 2 : i32
        %add3A_420 = vector.broadcast %add3A_419 : i32 to vector<16xi32>
        %add3A_421 = arith.addi %add3A_225, %add3A_420 : vector<16xi32>
        %gather3A_422 = tpu.vector_load_idx %arg14[%add3A_421, %broadcast_in_dim3A_402] : memref<1280x64xf32, #tpu.memory_space<vmem>>[vector<16xi32>, vector<16xi32>], vector<16xf32>,
        %mul3A_423 = arith.mulf %gather3A_422, %gather3A_403 : vector<16xf32>
        %add3A_424 = arith.addf %add3A_357, %mul3A_423 : vector<16xf32>
        %add3A_425 = arith.constant 3 : i32
        %add3A_426 = vector.broadcast %add3A_425 : i32 to vector<16xi32>
        %add3A_427 = arith.addi %add3A_225, %add3A_426 : vector<16xi32>
        %gather3A_428 = tpu.vector_load_idx %arg14[%add3A_427, %broadcast_in_dim3A_402] : memref<1280x64xf32, #tpu.memory_space<vmem>>[vector<16xi32>, vector<16xi32>], vector<16xf32>,
        %mul3A_429 = arith.mulf %gather3A_428, %gather3A_403 : vector<16xf32>
        %add3A_430 = arith.addf %add3A_363, %mul3A_429 : vector<16xf32>
        %add3A_431 = arith.constant 4 : i32
        %add3A_432 = vector.broadcast %add3A_431 : i32 to vector<16xi32>
        %add3A_433 = arith.addi %add3A_225, %add3A_432 : vector<16xi32>
        %gather3A_434 = tpu.vector_load_idx %arg14[%add3A_433, %broadcast_in_dim3A_402] : memref<1280x64xf32, #tpu.memory_space<vmem>>[vector<16xi32>, vector<16xi32>], vector<16xf32>,
        %mul3A_435 = arith.mulf %gather3A_434, %gather3A_403 : vector<16xf32>
        %add3A_436 = arith.addf %add3A_369, %mul3A_435 : vector<16xf32>
        %add3A_437 = arith.constant 5 : i32
        %add3A_438 = vector.broadcast %add3A_437 : i32 to vector<16xi32>
        %add3A_439 = arith.addi %add3A_225, %add3A_438 : vector<16xi32>
        %gather3A_440 = tpu.vector_load_idx %arg14[%add3A_439, %broadcast_in_dim3A_402] : memref<1280x64xf32, #tpu.memory_space<vmem>>[vector<16xi32>, vector<16xi32>], vector<16xf32>,
        %mul3A_441 = arith.mulf %gather3A_440, %gather3A_403 : vector<16xf32>
        %add3A_442 = arith.addf %add3A_375, %mul3A_441 : vector<16xf32>
        %add3A_443 = arith.constant 6 : i32
        %add3A_444 = vector.broadcast %add3A_443 : i32 to vector<16xi32>
        %add3A_445 = arith.addi %add3A_225, %add3A_444 : vector<16xi32>
        %gather3A_446 = tpu.vector_load_idx %arg14[%add3A_445, %broadcast_in_dim3A_402] : memref<1280x64xf32, #tpu.memory_space<vmem>>[vector<16xi32>, vector<16xi32>], vector<16xf32>,
        %mul3A_447 = arith.mulf %gather3A_446, %gather3A_403 : vector<16xf32>
        %add3A_448 = arith.addf %add3A_381, %mul3A_447 : vector<16xf32>
        %add3A_449 = arith.constant 7 : i32
        %add3A_450 = vector.broadcast %add3A_449 : i32 to vector<16xi32>
        %add3A_451 = arith.addi %add3A_225, %add3A_450 : vector<16xi32>
        %gather3A_452 = tpu.vector_load_idx %arg14[%add3A_451, %broadcast_in_dim3A_402] : memref<1280x64xf32, #tpu.memory_space<vmem>>[vector<16xi32>, vector<16xi32>], vector<16xf32>,
        %mul3A_453 = arith.mulf %gather3A_452, %gather3A_403 : vector<16xf32>
        %add3A_454 = arith.addf %add3A_387, %mul3A_453 : vector<16xf32>
        %add3A_455 = arith.constant 8 : i32
        %add3A_456 = vector.broadcast %add3A_455 : i32 to vector<16xi32>
        %add3A_457 = arith.addi %add3A_225, %add3A_456 : vector<16xi32>
        %gather3A_458 = tpu.vector_load_idx %arg14[%add3A_457, %broadcast_in_dim3A_402] : memref<1280x64xf32, #tpu.memory_space<vmem>>[vector<16xi32>, vector<16xi32>], vector<16xf32>,
        %mul3A_459 = arith.mulf %gather3A_458, %gather3A_403 : vector<16xf32>
        %add3A_460 = arith.addf %add3A_393, %mul3A_459 : vector<16xf32>
        %add3A_461 = arith.constant 9 : i32
        %add3A_462 = vector.broadcast %add3A_461 : i32 to vector<16xi32>
        %add3A_463 = arith.addi %add3A_225, %add3A_462 : vector<16xi32>
        %gather3A_464 = tpu.vector_load_idx %arg14[%add3A_463, %broadcast_in_dim3A_402] : memref<1280x64xf32, #tpu.memory_space<vmem>>[vector<16xi32>, vector<16xi32>], vector<16xf32>,
        %mul3A_465 = arith.mulf %gather3A_464, %gather3A_403 : vector<16xf32>
        %add3A_466 = arith.addf %add3A_399, %mul3A_465 : vector<16xf32>
        %scan3A_467 = arith.constant 2 : i32
        %scan3A_468 = arith.addi %scan3A_324, %scan3A_467 : i32
        %broadcast_in_dim3A_469 = vector.broadcast %scan3A_468 : i32 to vector<16xi32>
        %gather3A_470 = tpu.vector_load_idx %arg12[%add3A_215, %broadcast_in_dim3A_469] : memref<64x64xf32, #tpu.memory_space<vmem>>[vector<16xi32>, vector<16xi32>], vector<16xf32>,
        %gather3A_471 = tpu.vector_load_idx %arg13[%add3A_215, %broadcast_in_dim3A_469] : memref<64x64xf32, #tpu.memory_space<vmem>>[vector<16xi32>, vector<16xi32>], vector<16xf32>,
        %mul3A_472 = arith.mulf %gather3A_470, %gather3A_471 : vector<16xf32>
        %add3A_473 = arith.addf %add3A_406, %mul3A_472 : vector<16xf32>
        %add3A_474 = arith.constant 0 : i32
        %add3A_475 = vector.broadcast %add3A_474 : i32 to vector<16xi32>
        %add3A_476 = arith.addi %add3A_225, %add3A_475 : vector<16xi32>
        %gather3A_477 = tpu.vector_load_idx %arg14[%add3A_476, %broadcast_in_dim3A_469] : memref<1280x64xf32, #tpu.memory_space<vmem>>[vector<16xi32>, vector<16xi32>], vector<16xf32>,
        %mul3A_478 = arith.mulf %gather3A_477, %gather3A_470 : vector<16xf32>
        %add3A_479 = arith.addf %add3A_412, %mul3A_478 : vector<16xf32>
        %add3A_480 = arith.constant 1 : i32
        %add3A_481 = vector.broadcast %add3A_480 : i32 to vector<16xi32>
        %add3A_482 = arith.addi %add3A_225, %add3A_481 : vector<16xi32>
        %gather3A_483 = tpu.vector_load_idx %arg14[%add3A_482, %broadcast_in_dim3A_469] : memref<1280x64xf32, #tpu.memory_space<vmem>>[vector<16xi32>, vector<16xi32>], vector<16xf32>,
        %mul3A_484 = arith.mulf %gather3A_483, %gather3A_470 : vector<16xf32>
        %add3A_485 = arith.addf %add3A_418, %mul3A_484 : vector<16xf32>
        %add3A_486 = arith.constant 2 : i32
        %add3A_487 = vector.broadcast %add3A_486 : i32 to vector<16xi32>
        %add3A_488 = arith.addi %add3A_225, %add3A_487 : vector<16xi32>
        %gather3A_489 = tpu.vector_load_idx %arg14[%add3A_488, %broadcast_in_dim3A_469] : memref<1280x64xf32, #tpu.memory_space<vmem>>[vector<16xi32>, vector<16xi32>], vector<16xf32>,
        %mul3A_490 = arith.mulf %gather3A_489, %gather3A_470 : vector<16xf32>
        %add3A_491 = arith.addf %add3A_424, %mul3A_490 : vector<16xf32>
        %add3A_492 = arith.constant 3 : i32
        %add3A_493 = vector.broadcast %add3A_492 : i32 to vector<16xi32>
        %add3A_494 = arith.addi %add3A_225, %add3A_493 : vector<16xi32>
        %gather3A_495 = tpu.vector_load_idx %arg14[%add3A_494, %broadcast_in_dim3A_469] : memref<1280x64xf32, #tpu.memory_space<vmem>>[vector<16xi32>, vector<16xi32>], vector<16xf32>,
        %mul3A_496 = arith.mulf %gather3A_495, %gather3A_470 : vector<16xf32>
        %add3A_497 = arith.addf %add3A_430, %mul3A_496 : vector<16xf32>
        %add3A_498 = arith.constant 4 : i32
        %add3A_499 = vector.broadcast %add3A_498 : i32 to vector<16xi32>
        %add3A_500 = arith.addi %add3A_225, %add3A_499 : vector<16xi32>
        %gather3A_501 = tpu.vector_load_idx %arg14[%add3A_500, %broadcast_in_dim3A_469] : memref<1280x64xf32, #tpu.memory_space<vmem>>[vector<16xi32>, vector<16xi32>], vector<16xf32>,
        %mul3A_502 = arith.mulf %gather3A_501, %gather3A_470 : vector<16xf32>
        %add3A_503 = arith.addf %add3A_436, %mul3A_502 : vector<16xf32>
        %add3A_504 = arith.constant 5 : i32
        %add3A_505 = vector.broadcast %add3A_504 : i32 to vector<16xi32>
        %add3A_506 = arith.addi %add3A_225, %add3A_505 : vector<16xi32>
        %gather3A_507 = tpu.vector_load_idx %arg14[%add3A_506, %broadcast_in_dim3A_469] : memref<1280x64xf32, #tpu.memory_space<vmem>>[vector<16xi32>, vector<16xi32>], vector<16xf32>,
        %mul3A_508 = arith.mulf %gather3A_507, %gather3A_470 : vector<16xf32>
        %add3A_509 = arith.addf %add3A_442, %mul3A_508 : vector<16xf32>
        %add3A_510 = arith.constant 6 : i32
        %add3A_511 = vector.broadcast %add3A_510 : i32 to vector<16xi32>
        %add3A_512 = arith.addi %add3A_225, %add3A_511 : vector<16xi32>
        %gather3A_513 = tpu.vector_load_idx %arg14[%add3A_512, %broadcast_in_dim3A_469] : memref<1280x64xf32, #tpu.memory_space<vmem>>[vector<16xi32>, vector<16xi32>], vector<16xf32>,
        %mul3A_514 = arith.mulf %gather3A_513, %gather3A_470 : vector<16xf32>
        %add3A_515 = arith.addf %add3A_448, %mul3A_514 : vector<16xf32>
        %add3A_516 = arith.constant 7 : i32
        %add3A_517 = vector.broadcast %add3A_516 : i32 to vector<16xi32>
        %add3A_518 = arith.addi %add3A_225, %add3A_517 : vector<16xi32>
        %gather3A_519 = tpu.vector_load_idx %arg14[%add3A_518, %broadcast_in_dim3A_469] : memref<1280x64xf32, #tpu.memory_space<vmem>>[vector<16xi32>, vector<16xi32>], vector<16xf32>,
        %mul3A_520 = arith.mulf %gather3A_519, %gather3A_470 : vector<16xf32>
        %add3A_521 = arith.addf %add3A_454, %mul3A_520 : vector<16xf32>
        %add3A_522 = arith.constant 8 : i32
        %add3A_523 = vector.broadcast %add3A_522 : i32 to vector<16xi32>
        %add3A_524 = arith.addi %add3A_225, %add3A_523 : vector<16xi32>
        %gather3A_525 = tpu.vector_load_idx %arg14[%add3A_524, %broadcast_in_dim3A_469] : memref<1280x64xf32, #tpu.memory_space<vmem>>[vector<16xi32>, vector<16xi32>], vector<16xf32>,
        %mul3A_526 = arith.mulf %gather3A_525, %gather3A_470 : vector<16xf32>
        %add3A_527 = arith.addf %add3A_460, %mul3A_526 : vector<16xf32>
        %add3A_528 = arith.constant 9 : i32
        %add3A_529 = vector.broadcast %add3A_528 : i32 to vector<16xi32>
        %add3A_530 = arith.addi %add3A_225, %add3A_529 : vector<16xi32>
        %gather3A_531 = tpu.vector_load_idx %arg14[%add3A_530, %broadcast_in_dim3A_469] : memref<1280x64xf32, #tpu.memory_space<vmem>>[vector<16xi32>, vector<16xi32>], vector<16xf32>,
        %mul3A_532 = arith.mulf %gather3A_531, %gather3A_470 : vector<16xf32>
        %add3A_533 = arith.addf %add3A_466, %mul3A_532 : vector<16xf32>
        %scan3A_534 = arith.constant 3 : i32
        %scan3A_535 = arith.addi %scan3A_324, %scan3A_534 : i32
        %broadcast_in_dim3A_536 = vector.broadcast %scan3A_535 : i32 to vector<16xi32>
        %gather3A_537 = tpu.vector_load_idx %arg12[%add3A_215, %broadcast_in_dim3A_536] : memref<64x64xf32, #tpu.memory_space<vmem>>[vector<16xi32>, vector<16xi32>], vector<16xf32>,
        %gather3A_538 = tpu.vector_load_idx %arg13[%add3A_215, %broadcast_in_dim3A_536] : memref<64x64xf32, #tpu.memory_space<vmem>>[vector<16xi32>, vector<16xi32>], vector<16xf32>,
        %mul3A_539 = arith.mulf %gather3A_537, %gather3A_538 : vector<16xf32>
        %add3A_540 = arith.addf %add3A_473, %mul3A_539 : vector<16xf32>
        %add3A_541 = arith.constant 0 : i32
        %add3A_542 = vector.broadcast %add3A_541 : i32 to vector<16xi32>
        %add3A_543 = arith.addi %add3A_225, %add3A_542 : vector<16xi32>
        %gather3A_544 = tpu.vector_load_idx %arg14[%add3A_543, %broadcast_in_dim3A_536] : memref<1280x64xf32, #tpu.memory_space<vmem>>[vector<16xi32>, vector<16xi32>], vector<16xf32>,
        %mul3A_545 = arith.mulf %gather3A_544, %gather3A_537 : vector<16xf32>
        %add3A_546 = arith.addf %add3A_479, %mul3A_545 : vector<16xf32>
        %add3A_547 = arith.constant 1 : i32
        %add3A_548 = vector.broadcast %add3A_547 : i32 to vector<16xi32>
        %add3A_549 = arith.addi %add3A_225, %add3A_548 : vector<16xi32>
        %gather3A_550 = tpu.vector_load_idx %arg14[%add3A_549, %broadcast_in_dim3A_536] : memref<1280x64xf32, #tpu.memory_space<vmem>>[vector<16xi32>, vector<16xi32>], vector<16xf32>,
        %mul3A_551 = arith.mulf %gather3A_550, %gather3A_537 : vector<16xf32>
        %add3A_552 = arith.addf %add3A_485, %mul3A_551 : vector<16xf32>
        %add3A_553 = arith.constant 2 : i32
        %add3A_554 = vector.broadcast %add3A_553 : i32 to vector<16xi32>
        %add3A_555 = arith.addi %add3A_225, %add3A_554 : vector<16xi32>
        %gather3A_556 = tpu.vector_load_idx %arg14[%add3A_555, %broadcast_in_dim3A_536] : memref<1280x64xf32, #tpu.memory_space<vmem>>[vector<16xi32>, vector<16xi32>], vector<16xf32>,
        %mul3A_557 = arith.mulf %gather3A_556, %gather3A_537 : vector<16xf32>
        %add3A_558 = arith.addf %add3A_491, %mul3A_557 : vector<16xf32>
        %add3A_559 = arith.constant 3 : i32
        %add3A_560 = vector.broadcast %add3A_559 : i32 to vector<16xi32>
        %add3A_561 = arith.addi %add3A_225, %add3A_560 : vector<16xi32>
        %gather3A_562 = tpu.vector_load_idx %arg14[%add3A_561, %broadcast_in_dim3A_536] : memref<1280x64xf32, #tpu.memory_space<vmem>>[vector<16xi32>, vector<16xi32>], vector<16xf32>,
        %mul3A_563 = arith.mulf %gather3A_562, %gather3A_537 : vector<16xf32>
        %add3A_564 = arith.addf %add3A_497, %mul3A_563 : vector<16xf32>
        %add3A_565 = arith.constant 4 : i32
        %add3A_566 = vector.broadcast %add3A_565 : i32 to vector<16xi32>
        %add3A_567 = arith.addi %add3A_225, %add3A_566 : vector<16xi32>
        %gather3A_568 = tpu.vector_load_idx %arg14[%add3A_567, %broadcast_in_dim3A_536] : memref<1280x64xf32, #tpu.memory_space<vmem>>[vector<16xi32>, vector<16xi32>], vector<16xf32>,
        %mul3A_569 = arith.mulf %gather3A_568, %gather3A_537 : vector<16xf32>
        %add3A_570 = arith.addf %add3A_503, %mul3A_569 : vector<16xf32>
        %add3A_571 = arith.constant 5 : i32
        %add3A_572 = vector.broadcast %add3A_571 : i32 to vector<16xi32>
        %add3A_573 = arith.addi %add3A_225, %add3A_572 : vector<16xi32>
        %gather3A_574 = tpu.vector_load_idx %arg14[%add3A_573, %broadcast_in_dim3A_536] : memref<1280x64xf32, #tpu.memory_space<vmem>>[vector<16xi32>, vector<16xi32>], vector<16xf32>,
        %mul3A_575 = arith.mulf %gather3A_574, %gather3A_537 : vector<16xf32>
        %add3A_576 = arith.addf %add3A_509, %mul3A_575 : vector<16xf32>
        %add3A_577 = arith.constant 6 : i32
        %add3A_578 = vector.broadcast %add3A_577 : i32 to vector<16xi32>
        %add3A_579 = arith.addi %add3A_225, %add3A_578 : vector<16xi32>
        %gather3A_580 = tpu.vector_load_idx %arg14[%add3A_579, %broadcast_in_dim3A_536] : memref<1280x64xf32, #tpu.memory_space<vmem>>[vector<16xi32>, vector<16xi32>], vector<16xf32>,
        %mul3A_581 = arith.mulf %gather3A_580, %gather3A_537 : vector<16xf32>
        %add3A_582 = arith.addf %add3A_515, %mul3A_581 : vector<16xf32>
        %add3A_583 = arith.constant 7 : i32
        %add3A_584 = vector.broadcast %add3A_583 : i32 to vector<16xi32>
        %add3A_585 = arith.addi %add3A_225, %add3A_584 : vector<16xi32>
        %gather3A_586 = tpu.vector_load_idx %arg14[%add3A_585, %broadcast_in_dim3A_536] : memref<1280x64xf32, #tpu.memory_space<vmem>>[vector<16xi32>, vector<16xi32>], vector<16xf32>,
        %mul3A_587 = arith.mulf %gather3A_586, %gather3A_537 : vector<16xf32>
        %add3A_588 = arith.addf %add3A_521, %mul3A_587 : vector<16xf32>
        %add3A_589 = arith.constant 8 : i32
        %add3A_590 = vector.broadcast %add3A_589 : i32 to vector<16xi32>
        %add3A_591 = arith.addi %add3A_225, %add3A_590 : vector<16xi32>
        %gather3A_592 = tpu.vector_load_idx %arg14[%add3A_591, %broadcast_in_dim3A_536] : memref<1280x64xf32, #tpu.memory_space<vmem>>[vector<16xi32>, vector<16xi32>], vector<16xf32>,
        %mul3A_593 = arith.mulf %gather3A_592, %gather3A_537 : vector<16xf32>
        %add3A_594 = arith.addf %add3A_527, %mul3A_593 : vector<16xf32>
        %add3A_595 = arith.constant 9 : i32
        %add3A_596 = vector.broadcast %add3A_595 : i32 to vector<16xi32>
        %add3A_597 = arith.addi %add3A_225, %add3A_596 : vector<16xi32>
        %gather3A_598 = tpu.vector_load_idx %arg14[%add3A_597, %broadcast_in_dim3A_536] : memref<1280x64xf32, #tpu.memory_space<vmem>>[vector<16xi32>, vector<16xi32>], vector<16xf32>,
        %mul3A_599 = arith.mulf %gather3A_598, %gather3A_537 : vector<16xf32>
        %add3A_600 = arith.addf %add3A_533, %mul3A_599 : vector<16xf32>
        scf.yield %add3A_540, %add3A_546, %add3A_552, %add3A_558, %add3A_564, %add3A_570, %add3A_576, %add3A_582, %add3A_588, %add3A_594, %add3A_600 : vector<16xf32>, vector<16xf32>, vector<16xf32>, vector<16xf32>, vector<16xf32>, vector<16xf32>, vector<16xf32>, vector<16xf32>, vector<16xf32>, vector<16xf32>, vector<16xf32>
      }
      %scan3A_235 = arith.constant 64 : i32
      %swap3A_236 = arith.index_cast %add3A_229 : i32 to index
      %swap3A_237 = tpu.vector_load %arg15[%swap3A_236] {strides = array<i32>} : memref<512xf32, #tpu.memory_space<vmem>>, vector<16xf32>,
      tpu.vector_store %arg15[%swap3A_236], %scan3A_234#0 {strides = array<i32>} : memref<512xf32, #tpu.memory_space<vmem>>, vector<16xf32>,
      %add3A_238 = arith.constant 0 : i32
      %add3A_239 = arith.addi %add3A_238, %add3A_229 : i32
      %swap3A_240 = arith.index_cast %add3A_239 : i32 to index
      %swap3A_241 = tpu.vector_load %arg16[%swap3A_240] {strides = array<i32>} : memref<10240xf32, #tpu.memory_space<vmem>>, vector<16xf32>,
      tpu.vector_store %arg16[%swap3A_240], %scan3A_234#1 {strides = array<i32>} : memref<10240xf32, #tpu.memory_space<vmem>>, vector<16xf32>,
      %add3A_242 = arith.constant 512 : i32
      %add3A_243 = arith.addi %add3A_242, %add3A_229 : i32
      %swap3A_244 = arith.index_cast %add3A_243 : i32 to index
      %swap3A_245 = tpu.vector_load %arg16[%swap3A_244] {strides = array<i32>} : memref<10240xf32, #tpu.memory_space<vmem>>, vector<16xf32>,
      tpu.vector_store %arg16[%swap3A_244], %scan3A_234#2 {strides = array<i32>} : memref<10240xf32, #tpu.memory_space<vmem>>, vector<16xf32>,
      %add3A_246 = arith.constant 1024 : i32
      %add3A_247 = arith.addi %add3A_246, %add3A_229 : i32
      %swap3A_248 = arith.index_cast %add3A_247 : i32 to index
      %swap3A_249 = tpu.vector_load %arg16[%swap3A_248] {strides = array<i32>} : memref<10240xf32, #tpu.memory_space<vmem>>, vector<16xf32>,
      tpu.vector_store %arg16[%swap3A_248], %scan3A_234#3 {strides = array<i32>} : memref<10240xf32, #tpu.memory_space<vmem>>, vector<16xf32>,
      %add3A_250 = arith.constant 1536 : i32
      %add3A_251 = arith.addi %add3A_250, %add3A_229 : i32
      %swap3A_252 = arith.index_cast %add3A_251 : i32 to index
      %swap3A_253 = tpu.vector_load %arg16[%swap3A_252] {strides = array<i32>} : memref<10240xf32, #tpu.memory_space<vmem>>, vector<16xf32>,
      tpu.vector_store %arg16[%swap3A_252], %scan3A_234#4 {strides = array<i32>} : memref<10240xf32, #tpu.memory_space<vmem>>, vector<16xf32>,
      %add3A_254 = arith.constant 2048 : i32
      %add3A_255 = arith.addi %add3A_254, %add3A_229 : i32
      %swap3A_256 = arith.index_cast %add3A_255 : i32 to index
      %swap3A_257 = tpu.vector_load %arg16[%swap3A_256] {strides = array<i32>} : memref<10240xf32, #tpu.memory_space<vmem>>, vector<16xf32>,
      tpu.vector_store %arg16[%swap3A_256], %scan3A_234#5 {strides = array<i32>} : memref<10240xf32, #tpu.memory_space<vmem>>, vector<16xf32>,
      %add3A_258 = arith.constant 2560 : i32
      %add3A_259 = arith.addi %add3A_258, %add3A_229 : i32
      %swap3A_260 = arith.index_cast %add3A_259 : i32 to index
      %swap3A_261 = tpu.vector_load %arg16[%swap3A_260] {strides = array<i32>} : memref<10240xf32, #tpu.memory_space<vmem>>, vector<16xf32>,
      tpu.vector_store %arg16[%swap3A_260], %scan3A_234#6 {strides = array<i32>} : memref<10240xf32, #tpu.memory_space<vmem>>, vector<16xf32>,
      %add3A_262 = arith.constant 3072 : i32
      %add3A_263 = arith.addi %add3A_262, %add3A_229 : i32
      %swap3A_264 = arith.index_cast %add3A_263 : i32 to index
      %swap3A_265 = tpu.vector_load %arg16[%swap3A_264] {strides = array<i32>} : memref<10240xf32, #tpu.memory_space<vmem>>, vector<16xf32>,
      tpu.vector_store %arg16[%swap3A_264], %scan3A_234#7 {strides = array<i32>} : memref<10240xf32, #tpu.memory_space<vmem>>, vector<16xf32>,
      %add3A_266 = arith.constant 3584 : i32
      %add3A_267 = arith.addi %add3A_266, %add3A_229 : i32
      %swap3A_268 = arith.index_cast %add3A_267 : i32 to index
      %swap3A_269 = tpu.vector_load %arg16[%swap3A_268] {strides = array<i32>} : memref<10240xf32, #tpu.memory_space<vmem>>, vector<16xf32>,
      tpu.vector_store %arg16[%swap3A_268], %scan3A_234#8 {strides = array<i32>} : memref<10240xf32, #tpu.memory_space<vmem>>, vector<16xf32>,
      %add3A_270 = arith.constant 4096 : i32
      %add3A_271 = arith.addi %add3A_270, %add3A_229 : i32
      %swap3A_272 = arith.index_cast %add3A_271 : i32 to index
      %swap3A_273 = tpu.vector_load %arg16[%swap3A_272] {strides = array<i32>} : memref<10240xf32, #tpu.memory_space<vmem>>, vector<16xf32>,
      tpu.vector_store %arg16[%swap3A_272], %scan3A_234#9 {strides = array<i32>} : memref<10240xf32, #tpu.memory_space<vmem>>, vector<16xf32>,
      %add3A_274 = arith.constant 4608 : i32
      %add3A_275 = arith.addi %add3A_274, %add3A_229 : i32
      %swap3A_276 = arith.index_cast %add3A_275 : i32 to index
      %swap3A_277 = tpu.vector_load %arg16[%swap3A_276] {strides = array<i32>} : memref<10240xf32, #tpu.memory_space<vmem>>, vector<16xf32>,
      tpu.vector_store %arg16[%swap3A_276], %scan3A_234#10 {strides = array<i32>} : memref<10240xf32, #tpu.memory_space<vmem>>, vector<16xf32>,
      %scan3A_278 = arith.constant 0 : i32
      %scan3A_279 = arith.constant 64 : i32
      %scan3A_280 = arith.addi %scan3A_278, %scan3A_279 : i32
      %scan3A_281 = arith.constant 4 : i32
      %scan3A_282:10 = scf.for %scan3A_324 = %scan3A_278 to %scan3A_280 step %scan3A_281 iter_args(%scan3A_325 = %broadcast_in_dim3A_1, %scan3A_326 = %broadcast_in_dim3A_1, %scan3A_327 = %broadcast_in_dim3A_1, %scan3A_328 = %broadcast_in_dim3A_1, %scan3A_329 = %broadcast_in_dim3A_1, %scan3A_330 = %broadcast_in_dim3A_1, %scan3A_331 = %broadcast_in_dim3A_1, %scan3A_332 = %broadcast_in_dim3A_1, %scan3A_333 = %broadcast_in_dim3A_1, %scan3A_334 = %broadcast_in_dim3A_1) -> (vector<16xf32>, vector<16xf32>, vector<16xf32>, vector<16xf32>, vector<16xf32>, vector<16xf32>, vector<16xf32>, vector<16xf32>, vector<16xf32>, vector<16xf32>)  : i32 {
        %broadcast_in_dim3A_335 = vector.broadcast %scan3A_324 : i32 to vector<16xi32>
        %gather3A = tpu.vector_load_idx %arg12[%add3A_215, %broadcast_in_dim3A_335] : memref<64x64xf32, #tpu.memory_space<vmem>>[vector<16xi32>, vector<16xi32>], vector<16xf32>,
        %add3A_336 = arith.constant 10 : i32
        %add3A_337 = vector.broadcast %add3A_336 : i32 to vector<16xi32>
        %add3A_338 = arith.addi %add3A_225, %add3A_337 : vector<16xi32>
        %gather3A_339 = tpu.vector_load_idx %arg14[%add3A_338, %broadcast_in_dim3A_335] : memref<1280x64xf32, #tpu.memory_space<vmem>>[vector<16xi32>, vector<16xi32>], vector<16xf32>,
        %mul3A_340 = arith.mulf %gather3A_339, %gather3A : vector<16xf32>
        %add3A_341 = arith.addf %scan3A_325, %mul3A_340 : vector<16xf32>
        %add3A_342 = arith.constant 11 : i32
        %add3A_343 = vector.broadcast %add3A_342 : i32 to vector<16xi32>
        %add3A_344 = arith.addi %add3A_225, %add3A_343 : vector<16xi32>
        %gather3A_345 = tpu.vector_load_idx %arg14[%add3A_344, %broadcast_in_dim3A_335] : memref<1280x64xf32, #tpu.memory_space<vmem>>[vector<16xi32>, vector<16xi32>], vector<16xf32>,
        %mul3A_346 = arith.mulf %gather3A_345, %gather3A : vector<16xf32>
        %add3A_347 = arith.addf %scan3A_326, %mul3A_346 : vector<16xf32>
        %add3A_348 = arith.constant 12 : i32
        %add3A_349 = vector.broadcast %add3A_348 : i32 to vector<16xi32>
        %add3A_350 = arith.addi %add3A_225, %add3A_349 : vector<16xi32>
        %gather3A_351 = tpu.vector_load_idx %arg14[%add3A_350, %broadcast_in_dim3A_335] : memref<1280x64xf32, #tpu.memory_space<vmem>>[vector<16xi32>, vector<16xi32>], vector<16xf32>,
        %mul3A_352 = arith.mulf %gather3A_351, %gather3A : vector<16xf32>
        %add3A_353 = arith.addf %scan3A_327, %mul3A_352 : vector<16xf32>
        %add3A_354 = arith.constant 13 : i32
        %add3A_355 = vector.broadcast %add3A_354 : i32 to vector<16xi32>
        %add3A_356 = arith.addi %add3A_225, %add3A_355 : vector<16xi32>
        %gather3A_357 = tpu.vector_load_idx %arg14[%add3A_356, %broadcast_in_dim3A_335] : memref<1280x64xf32, #tpu.memory_space<vmem>>[vector<16xi32>, vector<16xi32>], vector<16xf32>,
        %mul3A_358 = arith.mulf %gather3A_357, %gather3A : vector<16xf32>
        %add3A_359 = arith.addf %scan3A_328, %mul3A_358 : vector<16xf32>
        %add3A_360 = arith.constant 14 : i32
        %add3A_361 = vector.broadcast %add3A_360 : i32 to vector<16xi32>
        %add3A_362 = arith.addi %add3A_225, %add3A_361 : vector<16xi32>
        %gather3A_363 = tpu.vector_load_idx %arg14[%add3A_362, %broadcast_in_dim3A_335] : memref<1280x64xf32, #tpu.memory_space<vmem>>[vector<16xi32>, vector<16xi32>], vector<16xf32>,
        %mul3A_364 = arith.mulf %gather3A_363, %gather3A : vector<16xf32>
        %add3A_365 = arith.addf %scan3A_329, %mul3A_364 : vector<16xf32>
        %add3A_366 = arith.constant 15 : i32
        %add3A_367 = vector.broadcast %add3A_366 : i32 to vector<16xi32>
        %add3A_368 = arith.addi %add3A_225, %add3A_367 : vector<16xi32>
        %gather3A_369 = tpu.vector_load_idx %arg14[%add3A_368, %broadcast_in_dim3A_335] : memref<1280x64xf32, #tpu.memory_space<vmem>>[vector<16xi32>, vector<16xi32>], vector<16xf32>,
        %mul3A_370 = arith.mulf %gather3A_369, %gather3A : vector<16xf32>
        %add3A_371 = arith.addf %scan3A_330, %mul3A_370 : vector<16xf32>
        %add3A_372 = arith.constant 16 : i32
        %add3A_373 = vector.broadcast %add3A_372 : i32 to vector<16xi32>
        %add3A_374 = arith.addi %add3A_225, %add3A_373 : vector<16xi32>
        %gather3A_375 = tpu.vector_load_idx %arg14[%add3A_374, %broadcast_in_dim3A_335] : memref<1280x64xf32, #tpu.memory_space<vmem>>[vector<16xi32>, vector<16xi32>], vector<16xf32>,
        %mul3A_376 = arith.mulf %gather3A_375, %gather3A : vector<16xf32>
        %add3A_377 = arith.addf %scan3A_331, %mul3A_376 : vector<16xf32>
        %add3A_378 = arith.constant 17 : i32
        %add3A_379 = vector.broadcast %add3A_378 : i32 to vector<16xi32>
        %add3A_380 = arith.addi %add3A_225, %add3A_379 : vector<16xi32>
        %gather3A_381 = tpu.vector_load_idx %arg14[%add3A_380, %broadcast_in_dim3A_335] : memref<1280x64xf32, #tpu.memory_space<vmem>>[vector<16xi32>, vector<16xi32>], vector<16xf32>,
        %mul3A_382 = arith.mulf %gather3A_381, %gather3A : vector<16xf32>
        %add3A_383 = arith.addf %scan3A_332, %mul3A_382 : vector<16xf32>
        %add3A_384 = arith.constant 18 : i32
        %add3A_385 = vector.broadcast %add3A_384 : i32 to vector<16xi32>
        %add3A_386 = arith.addi %add3A_225, %add3A_385 : vector<16xi32>
        %gather3A_387 = tpu.vector_load_idx %arg14[%add3A_386, %broadcast_in_dim3A_335] : memref<1280x64xf32, #tpu.memory_space<vmem>>[vector<16xi32>, vector<16xi32>], vector<16xf32>,
        %mul3A_388 = arith.mulf %gather3A_387, %gather3A : vector<16xf32>
        %add3A_389 = arith.addf %scan3A_333, %mul3A_388 : vector<16xf32>
        %add3A_390 = arith.constant 19 : i32
        %add3A_391 = vector.broadcast %add3A_390 : i32 to vector<16xi32>
        %add3A_392 = arith.addi %add3A_225, %add3A_391 : vector<16xi32>
        %gather3A_393 = tpu.vector_load_idx %arg14[%add3A_392, %broadcast_in_dim3A_335] : memref<1280x64xf32, #tpu.memory_space<vmem>>[vector<16xi32>, vector<16xi32>], vector<16xf32>,
        %mul3A_394 = arith.mulf %gather3A_393, %gather3A : vector<16xf32>
        %add3A_395 = arith.addf %scan3A_334, %mul3A_394 : vector<16xf32>
        %scan3A_396 = arith.constant 1 : i32
        %scan3A_397 = arith.addi %scan3A_324, %scan3A_396 : i32
        %broadcast_in_dim3A_398 = vector.broadcast %scan3A_397 : i32 to vector<16xi32>
        %gather3A_399 = tpu.vector_load_idx %arg12[%add3A_215, %broadcast_in_dim3A_398] : memref<64x64xf32, #tpu.memory_space<vmem>>[vector<16xi32>, vector<16xi32>], vector<16xf32>,
        %add3A_400 = arith.constant 10 : i32
        %add3A_401 = vector.broadcast %add3A_400 : i32 to vector<16xi32>
        %add3A_402 = arith.addi %add3A_225, %add3A_401 : vector<16xi32>
        %gather3A_403 = tpu.vector_load_idx %arg14[%add3A_402, %broadcast_in_dim3A_398] : memref<1280x64xf32, #tpu.memory_space<vmem>>[vector<16xi32>, vector<16xi32>], vector<16xf32>,
        %mul3A_404 = arith.mulf %gather3A_403, %gather3A_399 : vector<16xf32>
        %add3A_405 = arith.addf %add3A_341, %mul3A_404 : vector<16xf32>
        %add3A_406 = arith.constant 11 : i32
        %add3A_407 = vector.broadcast %add3A_406 : i32 to vector<16xi32>
        %add3A_408 = arith.addi %add3A_225, %add3A_407 : vector<16xi32>
        %gather3A_409 = tpu.vector_load_idx %arg14[%add3A_408, %broadcast_in_dim3A_398] : memref<1280x64xf32, #tpu.memory_space<vmem>>[vector<16xi32>, vector<16xi32>], vector<16xf32>,
        %mul3A_410 = arith.mulf %gather3A_409, %gather3A_399 : vector<16xf32>
        %add3A_411 = arith.addf %add3A_347, %mul3A_410 : vector<16xf32>
        %add3A_412 = arith.constant 12 : i32
        %add3A_413 = vector.broadcast %add3A_412 : i32 to vector<16xi32>
        %add3A_414 = arith.addi %add3A_225, %add3A_413 : vector<16xi32>
        %gather3A_415 = tpu.vector_load_idx %arg14[%add3A_414, %broadcast_in_dim3A_398] : memref<1280x64xf32, #tpu.memory_space<vmem>>[vector<16xi32>, vector<16xi32>], vector<16xf32>,
        %mul3A_416 = arith.mulf %gather3A_415, %gather3A_399 : vector<16xf32>
        %add3A_417 = arith.addf %add3A_353, %mul3A_416 : vector<16xf32>
        %add3A_418 = arith.constant 13 : i32
        %add3A_419 = vector.broadcast %add3A_418 : i32 to vector<16xi32>
        %add3A_420 = arith.addi %add3A_225, %add3A_419 : vector<16xi32>
        %gather3A_421 = tpu.vector_load_idx %arg14[%add3A_420, %broadcast_in_dim3A_398] : memref<1280x64xf32, #tpu.memory_space<vmem>>[vector<16xi32>, vector<16xi32>], vector<16xf32>,
        %mul3A_422 = arith.mulf %gather3A_421, %gather3A_399 : vector<16xf32>
        %add3A_423 = arith.addf %add3A_359, %mul3A_422 : vector<16xf32>
        %add3A_424 = arith.constant 14 : i32
        %add3A_425 = vector.broadcast %add3A_424 : i32 to vector<16xi32>
        %add3A_426 = arith.addi %add3A_225, %add3A_425 : vector<16xi32>
        %gather3A_427 = tpu.vector_load_idx %arg14[%add3A_426, %broadcast_in_dim3A_398] : memref<1280x64xf32, #tpu.memory_space<vmem>>[vector<16xi32>, vector<16xi32>], vector<16xf32>,
        %mul3A_428 = arith.mulf %gather3A_427, %gather3A_399 : vector<16xf32>
        %add3A_429 = arith.addf %add3A_365, %mul3A_428 : vector<16xf32>
        %add3A_430 = arith.constant 15 : i32
        %add3A_431 = vector.broadcast %add3A_430 : i32 to vector<16xi32>
        %add3A_432 = arith.addi %add3A_225, %add3A_431 : vector<16xi32>
        %gather3A_433 = tpu.vector_load_idx %arg14[%add3A_432, %broadcast_in_dim3A_398] : memref<1280x64xf32, #tpu.memory_space<vmem>>[vector<16xi32>, vector<16xi32>], vector<16xf32>,
        %mul3A_434 = arith.mulf %gather3A_433, %gather3A_399 : vector<16xf32>
        %add3A_435 = arith.addf %add3A_371, %mul3A_434 : vector<16xf32>
        %add3A_436 = arith.constant 16 : i32
        %add3A_437 = vector.broadcast %add3A_436 : i32 to vector<16xi32>
        %add3A_438 = arith.addi %add3A_225, %add3A_437 : vector<16xi32>
        %gather3A_439 = tpu.vector_load_idx %arg14[%add3A_438, %broadcast_in_dim3A_398] : memref<1280x64xf32, #tpu.memory_space<vmem>>[vector<16xi32>, vector<16xi32>], vector<16xf32>,
        %mul3A_440 = arith.mulf %gather3A_439, %gather3A_399 : vector<16xf32>
        %add3A_441 = arith.addf %add3A_377, %mul3A_440 : vector<16xf32>
        %add3A_442 = arith.constant 17 : i32
        %add3A_443 = vector.broadcast %add3A_442 : i32 to vector<16xi32>
        %add3A_444 = arith.addi %add3A_225, %add3A_443 : vector<16xi32>
        %gather3A_445 = tpu.vector_load_idx %arg14[%add3A_444, %broadcast_in_dim3A_398] : memref<1280x64xf32, #tpu.memory_space<vmem>>[vector<16xi32>, vector<16xi32>], vector<16xf32>,
        %mul3A_446 = arith.mulf %gather3A_445, %gather3A_399 : vector<16xf32>
        %add3A_447 = arith.addf %add3A_383, %mul3A_446 : vector<16xf32>
        %add3A_448 = arith.constant 18 : i32
        %add3A_449 = vector.broadcast %add3A_448 : i32 to vector<16xi32>
        %add3A_450 = arith.addi %add3A_225, %add3A_449 : vector<16xi32>
        %gather3A_451 = tpu.vector_load_idx %arg14[%add3A_450, %broadcast_in_dim3A_398] : memref<1280x64xf32, #tpu.memory_space<vmem>>[vector<16xi32>, vector<16xi32>], vector<16xf32>,
        %mul3A_452 = arith.mulf %gather3A_451, %gather3A_399 : vector<16xf32>
        %add3A_453 = arith.addf %add3A_389, %mul3A_452 : vector<16xf32>
        %add3A_454 = arith.constant 19 : i32
        %add3A_455 = vector.broadcast %add3A_454 : i32 to vector<16xi32>
        %add3A_456 = arith.addi %add3A_225, %add3A_455 : vector<16xi32>
        %gather3A_457 = tpu.vector_load_idx %arg14[%add3A_456, %broadcast_in_dim3A_398] : memref<1280x64xf32, #tpu.memory_space<vmem>>[vector<16xi32>, vector<16xi32>], vector<16xf32>,
        %mul3A_458 = arith.mulf %gather3A_457, %gather3A_399 : vector<16xf32>
        %add3A_459 = arith.addf %add3A_395, %mul3A_458 : vector<16xf32>
        %scan3A_460 = arith.constant 2 : i32
        %scan3A_461 = arith.addi %scan3A_324, %scan3A_460 : i32
        %broadcast_in_dim3A_462 = vector.broadcast %scan3A_461 : i32 to vector<16xi32>
        %gather3A_463 = tpu.vector_load_idx %arg12[%add3A_215, %broadcast_in_dim3A_462] : memref<64x64xf32, #tpu.memory_space<vmem>>[vector<16xi32>, vector<16xi32>], vector<16xf32>,
        %add3A_464 = arith.constant 10 : i32
        %add3A_465 = vector.broadcast %add3A_464 : i32 to vector<16xi32>
        %add3A_466 = arith.addi %add3A_225, %add3A_465 : vector<16xi32>
        %gather3A_467 = tpu.vector_load_idx %arg14[%add3A_466, %broadcast_in_dim3A_462] : memref<1280x64xf32, #tpu.memory_space<vmem>>[vector<16xi32>, vector<16xi32>], vector<16xf32>,
        %mul3A_468 = arith.mulf %gather3A_467, %gather3A_463 : vector<16xf32>
        %add3A_469 = arith.addf %add3A_405, %mul3A_468 : vector<16xf32>
        %add3A_470 = arith.constant 11 : i32
        %add3A_471 = vector.broadcast %add3A_470 : i32 to vector<16xi32>
        %add3A_472 = arith.addi %add3A_225, %add3A_471 : vector<16xi32>
        %gather3A_473 = tpu.vector_load_idx %arg14[%add3A_472, %broadcast_in_dim3A_462] : memref<1280x64xf32, #tpu.memory_space<vmem>>[vector<16xi32>, vector<16xi32>], vector<16xf32>,
        %mul3A_474 = arith.mulf %gather3A_473, %gather3A_463 : vector<16xf32>
        %add3A_475 = arith.addf %add3A_411, %mul3A_474 : vector<16xf32>
        %add3A_476 = arith.constant 12 : i32
        %add3A_477 = vector.broadcast %add3A_476 : i32 to vector<16xi32>
        %add3A_478 = arith.addi %add3A_225, %add3A_477 : vector<16xi32>
        %gather3A_479 = tpu.vector_load_idx %arg14[%add3A_478, %broadcast_in_dim3A_462] : memref<1280x64xf32, #tpu.memory_space<vmem>>[vector<16xi32>, vector<16xi32>], vector<16xf32>,
        %mul3A_480 = arith.mulf %gather3A_479, %gather3A_463 : vector<16xf32>
        %add3A_481 = arith.addf %add3A_417, %mul3A_480 : vector<16xf32>
        %add3A_482 = arith.constant 13 : i32
        %add3A_483 = vector.broadcast %add3A_482 : i32 to vector<16xi32>
        %add3A_484 = arith.addi %add3A_225, %add3A_483 : vector<16xi32>
        %gather3A_485 = tpu.vector_load_idx %arg14[%add3A_484, %broadcast_in_dim3A_462] : memref<1280x64xf32, #tpu.memory_space<vmem>>[vector<16xi32>, vector<16xi32>], vector<16xf32>,
        %mul3A_486 = arith.mulf %gather3A_485, %gather3A_463 : vector<16xf32>
        %add3A_487 = arith.addf %add3A_423, %mul3A_486 : vector<16xf32>
        %add3A_488 = arith.constant 14 : i32
        %add3A_489 = vector.broadcast %add3A_488 : i32 to vector<16xi32>
        %add3A_490 = arith.addi %add3A_225, %add3A_489 : vector<16xi32>
        %gather3A_491 = tpu.vector_load_idx %arg14[%add3A_490, %broadcast_in_dim3A_462] : memref<1280x64xf32, #tpu.memory_space<vmem>>[vector<16xi32>, vector<16xi32>], vector<16xf32>,
        %mul3A_492 = arith.mulf %gather3A_491, %gather3A_463 : vector<16xf32>
        %add3A_493 = arith.addf %add3A_429, %mul3A_492 : vector<16xf32>
        %add3A_494 = arith.constant 15 : i32
        %add3A_495 = vector.broadcast %add3A_494 : i32 to vector<16xi32>
        %add3A_496 = arith.addi %add3A_225, %add3A_495 : vector<16xi32>
        %gather3A_497 = tpu.vector_load_idx %arg14[%add3A_496, %broadcast_in_dim3A_462] : memref<1280x64xf32, #tpu.memory_space<vmem>>[vector<16xi32>, vector<16xi32>], vector<16xf32>,
        %mul3A_498 = arith.mulf %gather3A_497, %gather3A_463 : vector<16xf32>
        %add3A_499 = arith.addf %add3A_435, %mul3A_498 : vector<16xf32>
        %add3A_500 = arith.constant 16 : i32
        %add3A_501 = vector.broadcast %add3A_500 : i32 to vector<16xi32>
        %add3A_502 = arith.addi %add3A_225, %add3A_501 : vector<16xi32>
        %gather3A_503 = tpu.vector_load_idx %arg14[%add3A_502, %broadcast_in_dim3A_462] : memref<1280x64xf32, #tpu.memory_space<vmem>>[vector<16xi32>, vector<16xi32>], vector<16xf32>,
        %mul3A_504 = arith.mulf %gather3A_503, %gather3A_463 : vector<16xf32>
        %add3A_505 = arith.addf %add3A_441, %mul3A_504 : vector<16xf32>
        %add3A_506 = arith.constant 17 : i32
        %add3A_507 = vector.broadcast %add3A_506 : i32 to vector<16xi32>
        %add3A_508 = arith.addi %add3A_225, %add3A_507 : vector<16xi32>
        %gather3A_509 = tpu.vector_load_idx %arg14[%add3A_508, %broadcast_in_dim3A_462] : memref<1280x64xf32, #tpu.memory_space<vmem>>[vector<16xi32>, vector<16xi32>], vector<16xf32>,
        %mul3A_510 = arith.mulf %gather3A_509, %gather3A_463 : vector<16xf32>
        %add3A_511 = arith.addf %add3A_447, %mul3A_510 : vector<16xf32>
        %add3A_512 = arith.constant 18 : i32
        %add3A_513 = vector.broadcast %add3A_512 : i32 to vector<16xi32>
        %add3A_514 = arith.addi %add3A_225, %add3A_513 : vector<16xi32>
        %gather3A_515 = tpu.vector_load_idx %arg14[%add3A_514, %broadcast_in_dim3A_462] : memref<1280x64xf32, #tpu.memory_space<vmem>>[vector<16xi32>, vector<16xi32>], vector<16xf32>,
        %mul3A_516 = arith.mulf %gather3A_515, %gather3A_463 : vector<16xf32>
        %add3A_517 = arith.addf %add3A_453, %mul3A_516 : vector<16xf32>
        %add3A_518 = arith.constant 19 : i32
        %add3A_519 = vector.broadcast %add3A_518 : i32 to vector<16xi32>
        %add3A_520 = arith.addi %add3A_225, %add3A_519 : vector<16xi32>
        %gather3A_521 = tpu.vector_load_idx %arg14[%add3A_520, %broadcast_in_dim3A_462] : memref<1280x64xf32, #tpu.memory_space<vmem>>[vector<16xi32>, vector<16xi32>], vector<16xf32>,
        %mul3A_522 = arith.mulf %gather3A_521, %gather3A_463 : vector<16xf32>
        %add3A_523 = arith.addf %add3A_459, %mul3A_522 : vector<16xf32>
        %scan3A_524 = arith.constant 3 : i32
        %scan3A_525 = arith.addi %scan3A_324, %scan3A_524 : i32
        %broadcast_in_dim3A_526 = vector.broadcast %scan3A_525 : i32 to vector<16xi32>
        %gather3A_527 = tpu.vector_load_idx %arg12[%add3A_215, %broadcast_in_dim3A_526] : memref<64x64xf32, #tpu.memory_space<vmem>>[vector<16xi32>, vector<16xi32>], vector<16xf32>,
        %add3A_528 = arith.constant 10 : i32
        %add3A_529 = vector.broadcast %add3A_528 : i32 to vector<16xi32>
        %add3A_530 = arith.addi %add3A_225, %add3A_529 : vector<16xi32>
        %gather3A_531 = tpu.vector_load_idx %arg14[%add3A_530, %broadcast_in_dim3A_526] : memref<1280x64xf32, #tpu.memory_space<vmem>>[vector<16xi32>, vector<16xi32>], vector<16xf32>,
        %mul3A_532 = arith.mulf %gather3A_531, %gather3A_527 : vector<16xf32>
        %add3A_533 = arith.addf %add3A_469, %mul3A_532 : vector<16xf32>
        %add3A_534 = arith.constant 11 : i32
        %add3A_535 = vector.broadcast %add3A_534 : i32 to vector<16xi32>
        %add3A_536 = arith.addi %add3A_225, %add3A_535 : vector<16xi32>
        %gather3A_537 = tpu.vector_load_idx %arg14[%add3A_536, %broadcast_in_dim3A_526] : memref<1280x64xf32, #tpu.memory_space<vmem>>[vector<16xi32>, vector<16xi32>], vector<16xf32>,
        %mul3A_538 = arith.mulf %gather3A_537, %gather3A_527 : vector<16xf32>
        %add3A_539 = arith.addf %add3A_475, %mul3A_538 : vector<16xf32>
        %add3A_540 = arith.constant 12 : i32
        %add3A_541 = vector.broadcast %add3A_540 : i32 to vector<16xi32>
        %add3A_542 = arith.addi %add3A_225, %add3A_541 : vector<16xi32>
        %gather3A_543 = tpu.vector_load_idx %arg14[%add3A_542, %broadcast_in_dim3A_526] : memref<1280x64xf32, #tpu.memory_space<vmem>>[vector<16xi32>, vector<16xi32>], vector<16xf32>,
        %mul3A_544 = arith.mulf %gather3A_543, %gather3A_527 : vector<16xf32>
        %add3A_545 = arith.addf %add3A_481, %mul3A_544 : vector<16xf32>
        %add3A_546 = arith.constant 13 : i32
        %add3A_547 = vector.broadcast %add3A_546 : i32 to vector<16xi32>
        %add3A_548 = arith.addi %add3A_225, %add3A_547 : vector<16xi32>
        %gather3A_549 = tpu.vector_load_idx %arg14[%add3A_548, %broadcast_in_dim3A_526] : memref<1280x64xf32, #tpu.memory_space<vmem>>[vector<16xi32>, vector<16xi32>], vector<16xf32>,
        %mul3A_550 = arith.mulf %gather3A_549, %gather3A_527 : vector<16xf32>
        %add3A_551 = arith.addf %add3A_487, %mul3A_550 : vector<16xf32>
        %add3A_552 = arith.constant 14 : i32
        %add3A_553 = vector.broadcast %add3A_552 : i32 to vector<16xi32>
        %add3A_554 = arith.addi %add3A_225, %add3A_553 : vector<16xi32>
        %gather3A_555 = tpu.vector_load_idx %arg14[%add3A_554, %broadcast_in_dim3A_526] : memref<1280x64xf32, #tpu.memory_space<vmem>>[vector<16xi32>, vector<16xi32>], vector<16xf32>,
        %mul3A_556 = arith.mulf %gather3A_555, %gather3A_527 : vector<16xf32>
        %add3A_557 = arith.addf %add3A_493, %mul3A_556 : vector<16xf32>
        %add3A_558 = arith.constant 15 : i32
        %add3A_559 = vector.broadcast %add3A_558 : i32 to vector<16xi32>
        %add3A_560 = arith.addi %add3A_225, %add3A_559 : vector<16xi32>
        %gather3A_561 = tpu.vector_load_idx %arg14[%add3A_560, %broadcast_in_dim3A_526] : memref<1280x64xf32, #tpu.memory_space<vmem>>[vector<16xi32>, vector<16xi32>], vector<16xf32>,
        %mul3A_562 = arith.mulf %gather3A_561, %gather3A_527 : vector<16xf32>
        %add3A_563 = arith.addf %add3A_499, %mul3A_562 : vector<16xf32>
        %add3A_564 = arith.constant 16 : i32
        %add3A_565 = vector.broadcast %add3A_564 : i32 to vector<16xi32>
        %add3A_566 = arith.addi %add3A_225, %add3A_565 : vector<16xi32>
        %gather3A_567 = tpu.vector_load_idx %arg14[%add3A_566, %broadcast_in_dim3A_526] : memref<1280x64xf32, #tpu.memory_space<vmem>>[vector<16xi32>, vector<16xi32>], vector<16xf32>,
        %mul3A_568 = arith.mulf %gather3A_567, %gather3A_527 : vector<16xf32>
        %add3A_569 = arith.addf %add3A_505, %mul3A_568 : vector<16xf32>
        %add3A_570 = arith.constant 17 : i32
        %add3A_571 = vector.broadcast %add3A_570 : i32 to vector<16xi32>
        %add3A_572 = arith.addi %add3A_225, %add3A_571 : vector<16xi32>
        %gather3A_573 = tpu.vector_load_idx %arg14[%add3A_572, %broadcast_in_dim3A_526] : memref<1280x64xf32, #tpu.memory_space<vmem>>[vector<16xi32>, vector<16xi32>], vector<16xf32>,
        %mul3A_574 = arith.mulf %gather3A_573, %gather3A_527 : vector<16xf32>
        %add3A_575 = arith.addf %add3A_511, %mul3A_574 : vector<16xf32>
        %add3A_576 = arith.constant 18 : i32
        %add3A_577 = vector.broadcast %add3A_576 : i32 to vector<16xi32>
        %add3A_578 = arith.addi %add3A_225, %add3A_577 : vector<16xi32>
        %gather3A_579 = tpu.vector_load_idx %arg14[%add3A_578, %broadcast_in_dim3A_526] : memref<1280x64xf32, #tpu.memory_space<vmem>>[vector<16xi32>, vector<16xi32>], vector<16xf32>,
        %mul3A_580 = arith.mulf %gather3A_579, %gather3A_527 : vector<16xf32>
        %add3A_581 = arith.addf %add3A_517, %mul3A_580 : vector<16xf32>
        %add3A_582 = arith.constant 19 : i32
        %add3A_583 = vector.broadcast %add3A_582 : i32 to vector<16xi32>
        %add3A_584 = arith.addi %add3A_225, %add3A_583 : vector<16xi32>
        %gather3A_585 = tpu.vector_load_idx %arg14[%add3A_584, %broadcast_in_dim3A_526] : memref<1280x64xf32, #tpu.memory_space<vmem>>[vector<16xi32>, vector<16xi32>], vector<16xf32>,
        %mul3A_586 = arith.mulf %gather3A_585, %gather3A_527 : vector<16xf32>
        %add3A_587 = arith.addf %add3A_523, %mul3A_586 : vector<16xf32>
        scf.yield %add3A_533, %add3A_539, %add3A_545, %add3A_551, %add3A_557, %add3A_563, %add3A_569, %add3A_575, %add3A_581, %add3A_587 : vector<16xf32>, vector<16xf32>, vector<16xf32>, vector<16xf32>, vector<16xf32>, vector<16xf32>, vector<16xf32>, vector<16xf32>, vector<16xf32>, vector<16xf32>
      }
      %scan3A_283 = arith.constant 64 : i32
      %add3A_284 = arith.constant 5120 : i32
      %add3A_285 = arith.addi %add3A_284, %add3A_229 : i32
      %swap3A_286 = arith.index_cast %add3A_285 : i32 to index
      %swap3A_287 = tpu.vector_load %arg16[%swap3A_286] {strides = array<i32>} : memref<10240xf32, #tpu.memory_space<vmem>>, vector<16xf32>,
      tpu.vector_store %arg16[%swap3A_286], %scan3A_282#0 {strides = array<i32>} : memref<10240xf32, #tpu.memory_space<vmem>>, vector<16xf32>,
      %add3A_288 = arith.constant 5632 : i32
      %add3A_289 = arith.addi %add3A_288, %add3A_229 : i32
      %swap3A_290 = arith.index_cast %add3A_289 : i32 to index
      %swap3A_291 = tpu.vector_load %arg16[%swap3A_290] {strides = array<i32>} : memref<10240xf32, #tpu.memory_space<vmem>>, vector<16xf32>,
      tpu.vector_store %arg16[%swap3A_290], %scan3A_282#1 {strides = array<i32>} : memref<10240xf32, #tpu.memory_space<vmem>>, vector<16xf32>,
      %add3A_292 = arith.constant 6144 : i32
      %add3A_293 = arith.addi %add3A_292, %add3A_229 : i32
      %swap3A_294 = arith.index_cast %add3A_293 : i32 to index
      %swap3A_295 = tpu.vector_load %arg16[%swap3A_294] {strides = array<i32>} : memref<10240xf32, #tpu.memory_space<vmem>>, vector<16xf32>,
      tpu.vector_store %arg16[%swap3A_294], %scan3A_282#2 {strides = array<i32>} : memref<10240xf32, #tpu.memory_space<vmem>>, vector<16xf32>,
      %add3A_296 = arith.constant 6656 : i32
      %add3A_297 = arith.addi %add3A_296, %add3A_229 : i32
      %swap3A_298 = arith.index_cast %add3A_297 : i32 to index
      %swap3A_299 = tpu.vector_load %arg16[%swap3A_298] {strides = array<i32>} : memref<10240xf32, #tpu.memory_space<vmem>>, vector<16xf32>,
      tpu.vector_store %arg16[%swap3A_298], %scan3A_282#3 {strides = array<i32>} : memref<10240xf32, #tpu.memory_space<vmem>>, vector<16xf32>,
      %add3A_300 = arith.constant 7168 : i32
      %add3A_301 = arith.addi %add3A_300, %add3A_229 : i32
      %swap3A_302 = arith.index_cast %add3A_301 : i32 to index
      %swap3A_303 = tpu.vector_load %arg16[%swap3A_302] {strides = array<i32>} : memref<10240xf32, #tpu.memory_space<vmem>>, vector<16xf32>,
      tpu.vector_store %arg16[%swap3A_302], %scan3A_282#4 {strides = array<i32>} : memref<10240xf32, #tpu.memory_space<vmem>>, vector<16xf32>,
      %add3A_304 = arith.constant 7680 : i32
      %add3A_305 = arith.addi %add3A_304, %add3A_229 : i32
      %swap3A_306 = arith.index_cast %add3A_305 : i32 to index
      %swap3A_307 = tpu.vector_load %arg16[%swap3A_306] {strides = array<i32>} : memref<10240xf32, #tpu.memory_space<vmem>>, vector<16xf32>,
      tpu.vector_store %arg16[%swap3A_306], %scan3A_282#5 {strides = array<i32>} : memref<10240xf32, #tpu.memory_space<vmem>>, vector<16xf32>,
      %add3A_308 = arith.constant 8192 : i32
      %add3A_309 = arith.addi %add3A_308, %add3A_229 : i32
      %swap3A_310 = arith.index_cast %add3A_309 : i32 to index
      %swap3A_311 = tpu.vector_load %arg16[%swap3A_310] {strides = array<i32>} : memref<10240xf32, #tpu.memory_space<vmem>>, vector<16xf32>,
      tpu.vector_store %arg16[%swap3A_310], %scan3A_282#6 {strides = array<i32>} : memref<10240xf32, #tpu.memory_space<vmem>>, vector<16xf32>,
      %add3A_312 = arith.constant 8704 : i32
      %add3A_313 = arith.addi %add3A_312, %add3A_229 : i32
      %swap3A_314 = arith.index_cast %add3A_313 : i32 to index
      %swap3A_315 = tpu.vector_load %arg16[%swap3A_314] {strides = array<i32>} : memref<10240xf32, #tpu.memory_space<vmem>>, vector<16xf32>,
      tpu.vector_store %arg16[%swap3A_314], %scan3A_282#7 {strides = array<i32>} : memref<10240xf32, #tpu.memory_space<vmem>>, vector<16xf32>,
      %add3A_316 = arith.constant 9216 : i32
      %add3A_317 = arith.addi %add3A_316, %add3A_229 : i32
      %swap3A_318 = arith.index_cast %add3A_317 : i32 to index
      %swap3A_319 = tpu.vector_load %arg16[%swap3A_318] {strides = array<i32>} : memref<10240xf32, #tpu.memory_space<vmem>>, vector<16xf32>,
      tpu.vector_store %arg16[%swap3A_318], %scan3A_282#8 {strides = array<i32>} : memref<10240xf32, #tpu.memory_space<vmem>>, vector<16xf32>,
      %add3A_320 = arith.constant 9728 : i32
      %add3A_321 = arith.addi %add3A_320, %add3A_229 : i32
      %swap3A_322 = arith.index_cast %add3A_321 : i32 to index
      %swap3A_323 = tpu.vector_load %arg16[%swap3A_322] {strides = array<i32>} : memref<10240xf32, #tpu.memory_space<vmem>>, vector<16xf32>,
      tpu.vector_store %arg16[%swap3A_322], %scan3A_282#9 {strides = array<i32>} : memref<10240xf32, #tpu.memory_space<vmem>>, vector<16xf32>,
    }
    %scan3A_75 = arith.constant 16 : i32
    %mul3A_76 = arith.constant 512 : i32
    %mul3A_77 = arith.muli %add3A, %mul3A_76 : i32
    "tpu.region"() ({
      %run_scoped3A = tpu.sem_alloc : memref<!tpu.dma_semaphore, #tpu.memory_space<semaphore_mem>>
      %dma_start3A_82 = tpu.memref_slice %arg7[%mul3A_77] : memref<16384xf32, #tpu.memory_space<hbm>> -> memref<512xf32, #tpu.memory_space<hbm>>
      %dma_start3A_83 = tpu.memref_slice %arg7[%mul3A_77] : memref<16384xf32, #tpu.memory_space<hbm>> -> memref<512xf32, #tpu.memory_space<hbm>>
      tpu.enqueue_dma source(%arg15 : memref<512xf32, #tpu.memory_space<vmem>>) target(%dma_start3A_83 : memref<512xf32, #tpu.memory_space<hbm>>) target_semaphore(%run_scoped3A : memref<!tpu.dma_semaphore, #tpu.memory_space<semaphore_mem>>)
      %dma_wait3A = tpu.memref_slice %arg7[%mul3A_77] : memref<16384xf32, #tpu.memory_space<hbm>> -> memref<512xf32, #tpu.memory_space<hbm>>
      %dma_wait3A_84 = tpu.memref_slice %arg7[%mul3A_77] : memref<16384xf32, #tpu.memory_space<hbm>> -> memref<512xf32, #tpu.memory_space<hbm>>
      tpu.wait_dma2 semaphore(%run_scoped3A : memref<!tpu.dma_semaphore, #tpu.memory_space<semaphore_mem>>) src(%arg15 : memref<512xf32, #tpu.memory_space<vmem>>) dst(%dma_wait3A_84 : memref<512xf32, #tpu.memory_space<hbm>>)
      tpu.yield
    }) : () -> ()
    %mul3A_78 = arith.constant 512 : i32
    %mul3A_79 = arith.muli %add3A, %mul3A_78 : i32
    %mul3A_80 = arith.constant 20 : i32
    %mul3A_81 = arith.muli %mul3A_79, %mul3A_80 : i32
    "tpu.region"() ({
      %run_scoped3A = tpu.sem_alloc : memref<!tpu.dma_semaphore, #tpu.memory_space<semaphore_mem>>
      %dma_start3A_82 = tpu.memref_slice %arg8[%mul3A_81] : memref<327680xf32, #tpu.memory_space<hbm>> -> memref<10240xf32, #tpu.memory_space<hbm>>
      %dma_start3A_83 = tpu.memref_slice %arg8[%mul3A_81] : memref<327680xf32, #tpu.memory_space<hbm>> -> memref<10240xf32, #tpu.memory_space<hbm>>
      tpu.enqueue_dma source(%arg16 : memref<10240xf32, #tpu.memory_space<vmem>>) target(%dma_start3A_83 : memref<10240xf32, #tpu.memory_space<hbm>>) target_semaphore(%run_scoped3A : memref<!tpu.dma_semaphore, #tpu.memory_space<semaphore_mem>>)
      %dma_wait3A = tpu.memref_slice %arg8[%mul3A_81] : memref<327680xf32, #tpu.memory_space<hbm>> -> memref<10240xf32, #tpu.memory_space<hbm>>
      %dma_wait3A_84 = tpu.memref_slice %arg8[%mul3A_81] : memref<327680xf32, #tpu.memory_space<hbm>> -> memref<10240xf32, #tpu.memory_space<hbm>>
      tpu.wait_dma2 semaphore(%run_scoped3A : memref<!tpu.dma_semaphore, #tpu.memory_space<semaphore_mem>>) src(%arg16 : memref<10240xf32, #tpu.memory_space<vmem>>) dst(%dma_wait3A_84 : memref<10240xf32, #tpu.memory_space<hbm>>)
      tpu.yield
    }) : () -> ()
    return
  }
}

module attributes {stable_mosaic.version = 14 : i64} {
  func.func @_loss_body(%arg0: memref<128x128xf32, #tpu.memory_space<vmem>>, %arg1: memref<2560x128xf32, #tpu.memory_space<vmem>>, %arg2: memref<1x1xf32, #tpu.memory_space<smem>>) attributes {dimension_semantics = [], scalar_prefetch = 0 : i64, scratch_operands = 0 : i64, tpu.core_type = #tpu.core_type<tc>} {
    %get3A = arith.constant 0 : index
    %get3A_0 = arith.constant 0 : index
    %get3A_1 = vector.load %arg0[%get3A, %get3A_0] : memref<128x128xf32, #tpu.memory_space<vmem>>, vector<128x128xf32>
    %neg3A = arith.constant 0.000000e+00 : f32
    %neg3A_2 = vector.broadcast %neg3A : f32 to vector<128x128xf32>
    %neg3A_3 = arith.subf %neg3A_2, %get3A_1 : vector<128x128xf32>
    %custom_jvp_call3A = arith.constant 0.000000e+00 : f32
    %max3A = vector.broadcast %custom_jvp_call3A : f32 to vector<128x128xf32>
    %max3A_4 = arith.maximumf %neg3A_3, %max3A : vector<128x128xf32>
    %sub3A = vector.broadcast %custom_jvp_call3A : f32 to vector<128x128xf32>
    %sub3A_5 = arith.subf %neg3A_3, %sub3A : vector<128x128xf32>
    %ne3A = arith.cmpf one, %sub3A_5, %sub3A_5 : vector<128x128xf32>
    %add3A = vector.broadcast %custom_jvp_call3A : f32 to vector<128x128xf32>
    %add3A_6 = arith.addf %neg3A_3, %add3A : vector<128x128xf32>
    %abs3A = math.absf %sub3A_5 : vector<128x128xf32>
    %neg3A_7 = arith.constant 0.000000e+00 : f32
    %neg3A_8 = vector.broadcast %neg3A_7 : f32 to vector<128x128xf32>
    %neg3A_9 = arith.subf %neg3A_8, %abs3A : vector<128x128xf32>
    %exp3A = math.exp %neg3A_9 : vector<128x128xf32>
    %log1p3A = math.log1p %exp3A : vector<128x128xf32>
    %add3A_10 = arith.addf %max3A_4, %log1p3A : vector<128x128xf32>
    %select_n3A = arith.select %ne3A, %add3A_6, %add3A_10 : vector<128x128xi1>, vector<128x128xf32>
    %neg3A_11 = arith.constant 0.000000e+00 : f32
    %neg3A_12 = vector.broadcast %neg3A_11 : f32 to vector<128x128xf32>
    %neg3A_13 = arith.subf %neg3A_12, %select_n3A : vector<128x128xf32>
    %reduce_sum3A = vector.shape_cast %neg3A_13 : vector<128x128xf32> to vector<1x128x128xf32>
    %reduce_sum3A_14 = arith.constant dense<0.000000e+00> : vector<1xf32>
    %reduce_sum3A_15 = vector.multi_reduction <add>, %reduce_sum3A, %reduce_sum3A_14 [1, 2] : vector<1x128x128xf32> to vector<1xf32>
    %reduce_sum3A_16 = vector.shape_cast %reduce_sum3A_15 : vector<1xf32> to vector<1x1x1xf32>
    %reduce_sum3A_17 = vector.extract %reduce_sum3A_16[0, 0, 0] : f32 from vector<1x1x1xf32>
    %get3A_18 = arith.constant 0 : index
    %get3A_19 = arith.constant 0 : index
    %get3A_20 = vector.load %arg1[%get3A_18, %get3A_19] : memref<2560x128xf32, #tpu.memory_space<vmem>>, vector<2560x128xf32>
    %neg3A_21 = arith.constant 0.000000e+00 : f32
    %neg3A_22 = vector.broadcast %neg3A_21 : f32 to vector<2560x128xf32>
    %neg3A_23 = arith.subf %neg3A_22, %get3A_20 : vector<2560x128xf32>
    %neg3A_24 = arith.constant 0.000000e+00 : f32
    %neg3A_25 = vector.broadcast %neg3A_24 : f32 to vector<2560x128xf32>
    %neg3A_26 = arith.subf %neg3A_25, %neg3A_23 : vector<2560x128xf32>
    %custom_jvp_call3A_27 = arith.constant 0.000000e+00 : f32
    %max3A_28 = vector.broadcast %custom_jvp_call3A_27 : f32 to vector<2560x128xf32>
    %max3A_29 = arith.maximumf %neg3A_26, %max3A_28 : vector<2560x128xf32>
    %sub3A_30 = vector.broadcast %custom_jvp_call3A_27 : f32 to vector<2560x128xf32>
    %sub3A_31 = arith.subf %neg3A_26, %sub3A_30 : vector<2560x128xf32>
    %ne3A_32 = arith.cmpf one, %sub3A_31, %sub3A_31 : vector<2560x128xf32>
    %add3A_33 = vector.broadcast %custom_jvp_call3A_27 : f32 to vector<2560x128xf32>
    %add3A_34 = arith.addf %neg3A_26, %add3A_33 : vector<2560x128xf32>
    %abs3A_35 = math.absf %sub3A_31 : vector<2560x128xf32>
    %neg3A_36 = arith.constant 0.000000e+00 : f32
    %neg3A_37 = vector.broadcast %neg3A_36 : f32 to vector<2560x128xf32>
    %neg3A_38 = arith.subf %neg3A_37, %abs3A_35 : vector<2560x128xf32>
    %exp3A_39 = math.exp %neg3A_38 : vector<2560x128xf32>
    %log1p3A_40 = math.log1p %exp3A_39 : vector<2560x128xf32>
    %add3A_41 = arith.addf %max3A_29, %log1p3A_40 : vector<2560x128xf32>
    %select_n3A_42 = arith.select %ne3A_32, %add3A_34, %add3A_41 : vector<2560x128xi1>, vector<2560x128xf32>
    %neg3A_43 = arith.constant 0.000000e+00 : f32
    %neg3A_44 = vector.broadcast %neg3A_43 : f32 to vector<2560x128xf32>
    %neg3A_45 = arith.subf %neg3A_44, %select_n3A_42 : vector<2560x128xf32>
    %reduce_sum3A_46 = vector.shape_cast %neg3A_45 : vector<2560x128xf32> to vector<1x2560x128xf32>
    %reduce_sum3A_47 = arith.constant dense<0.000000e+00> : vector<1xf32>
    %reduce_sum3A_48 = vector.multi_reduction <add>, %reduce_sum3A_46, %reduce_sum3A_47 [1, 2] : vector<1x2560x128xf32> to vector<1xf32>
    %reduce_sum3A_49 = vector.shape_cast %reduce_sum3A_48 : vector<1xf32> to vector<1x1x1xf32>
    %reduce_sum3A_50 = vector.extract %reduce_sum3A_49[0, 0, 0] : f32 from vector<1x1x1xf32>
    %add3A_51 = arith.addf %reduce_sum3A_17, %reduce_sum3A_50 : f32
    %neg3A_52 = arith.constant 0.000000e+00 : f32
    %neg3A_53 = arith.subf %neg3A_52, %add3A_51 : f32
    %div3A = arith.constant 1.638400e+04 : f32
    %div3A_54 = arith.divf %neg3A_53, %div3A : f32
    %swap3A = arith.constant 0 : index
    %swap3A_55 = arith.constant 0 : index
    %swap3A_56 = memref.load %arg2[%swap3A, %swap3A_55] : memref<1x1xf32, #tpu.memory_space<smem>>
    memref.store %div3A_54, %arg2[%swap3A, %swap3A_55] : memref<1x1xf32, #tpu.memory_space<smem>>
    return
  }
}

module attributes {stable_mosaic.version = 14 : i64} {
  func.func @_tr_body(%arg0: i32, %arg1: memref<64x8192xf32, #tpu.memory_space<vmem>>, %arg2: memref<8192x128xf32, #tpu.memory_space<vmem>>) attributes {dimension_semantics = [#tpu.dimension_semantics<arbitrary>], iteration_bounds = array<i64: 123>, scalar_prefetch = 0 : i64, scratch_operands = 0 : i64, tpu.core_type = #tpu.core_type<tc>, window_params = [{transform_indices = @transform_0, window_bounds = array<i64: 64, 8192>}, {transform_indices = @transform_1, window_bounds = array<i64: 8192, 128>}]} {
    %get3A = arith.constant 0 : index
    %get3A_0 = arith.constant 0 : index
    %get3A_1 = vector.load %arg1[%get3A, %get3A_0] : memref<64x8192xf32, #tpu.memory_space<vmem>>, vector<64x8192xf32>
    %transpose3A = tpu.transpose %get3A_1, [1, 0] : vector<64x8192xf32> -> vector<8192x64xf32>
    %swap3A = arith.constant 0 : index
    %swap3A_2 = arith.constant 0 : index
    %swap3A_3 = vector.load %arg2[%swap3A, %swap3A_2] : memref<8192x128xf32, #tpu.memory_space<vmem>>, vector<8192x64xf32>
    tpu.vector_store %arg2[%swap3A, %swap3A_2], %transpose3A {strides = array<i32>} : memref<8192x128xf32, #tpu.memory_space<vmem>>, vector<8192x64xf32>,
    return
  }
  func.func @transform_0(%arg0: i32) -> (i32, i32) {
    %c0_i32 = arith.constant 0 : i32
    %c0_i32_0 = arith.constant 0 : i32
    return %c0_i32, %arg0 : i32, i32
  }
  func.func @transform_1(%arg0: i32) -> (i32, i32) {
    %c0_i32 = arith.constant 0 : i32
    %c0_i32_0 = arith.constant 0 : i32
    return %arg0, %c0_i32 : i32, i32
  }
}

</mosaic_0001>

<sc_bundles>
// kernel: kernel.6.cloned.1.call-start
scs
__scs_entry_jumppad:
0x0: {  	(pc) =	sbr.rel $0x88, $3  }
0x1: {  	(tag) =	ssettag $0x0;
	lr =	simm.s32 $0x1  }
0x2: {  	[smem:$0x3F9C] =	sst lr;
	_ =	strace $0xD0000000  }
0x3: {  	_ = 	snop  }
0x4: {  	_ = 	snop  }
0x5: {  	_ = 	snop  }
0x6: {  	_ = 	snop  }
0x7: {  	_ = 	snop  }
__scs_overlays_trampoline_lowered:
0x8: {  	[smem:$0x3FAB] =	sst s0  }
0x9: {  	[smem:$0x3FAC] =	sst s1  }
0xa: {  	[smem:$0x3FAD] =	sst s2  }
0xb: {  	[smem:$0x3FAE] =	sst s3  }
0xc: {  	[smem:$0x3FAF] =	sst s4  }
0xd: {  	[smem:$0x3FB0] =	sst s5  }
0xe: {  	[smem:$0x3FB1] =	sst s6  }
0xf: {  	[smem:$0x3FB2] =	sst s7  }
0x10: {  	[smem:$0x3FB3] =	sst s8  }
0x11: {  	[smem:$0x3FB4] =	sst s9;
	s0 =	simm.s32 @!p0 $0x0  }
0x12: {  	s1 =	sld [smem:$0x3F9A];
	s0 =	simm.s32 @p0 $0x1  }
0x13: {  	[smem:$0x3FB5] =	sst s0;
	s0 =	simm.s32 @!p1 $0x0  }
0x14: {  	s2 =	sld [smem:$0x3F99];
	s0 =	simm.s32 @p1 $0x1  }
0x15: {  	[smem:$0x3FB6] =	sst s0;
	s0 =	simm.s32 @!p2 $0x0  }
0x16: {  	s3 =	sld [smem:$0x3FDB];
	s0 =	simm.s32 @p2 $0x1  }
0x17: {  	s4 =	simm.s32 $0x1BF5;
	[smem:$0x3FB8] =	sst s0  }
0x18: {  	s0 =	sld [smem:$0x3F9B];
	_ =	swait.ge [sflag:s4], $0x0  }
0x19: {  	s7 =	sld [smem:$0x3F9C]  }
0x1a: {  	s8 =	sadd.s32 $0xFFFFE003, lr  }
0x1b: {  	s9 =	sadd.s32 $0xFFFFFEF7, lr;
	s5 =	simm.s32 $0xFFFFFFFF;
	p2 =	slt.u32 s8, $0xFFFFF086  }
0x1c: {  	p1 =	slt.u32 s9, $0xF7A;
	s5 =	simm.s32 @!p2 $0x0  }
0x1d: {  	s5 =	simm.s32 @p1 $0x1;
	p0 =	seq.s32 s7, s2  }
0x1e: {  	s7 =	smul.u32 @!p0 $0xF7A, s2;
	p2 =	seq.s32 @!p0 s5, $0x0  }
0x1f: {  	s9 =	smul.u32 $0xF7A, s1;
	s8 =	simm.s32 @!p0 $0x1BF5;
	p2 =	por !p2, p0  }
0x20: {  	[sflag:s8] =	ssyncset.s32 @!p0 $0xFFFFF086;
	s6 =	sadd.s32 @!p0 s3, s7;
	s7 =	simm.s32 @!p0 $0x108  }
0x21: {  	s3 =	sadd.s32 s3, s9;
	s6 =	sadd.s32 @!p0 $0x88, s6;
	s7 =	simm.s32 @p2 $0x1082  }
0x22: {  	[simem:s7], [sflag:s8] =	dma.local @!p0 [hbm:s6], $0xF7A  }
0x23: {  	s9 =	sor.u32 $0xD0000000, s2;
	s6 =	simm.s32 $0x108;
	_ =	swait.ge @!p0 [sflag:s8], $0x0  }
0x24: {  	s3 =	sadd.s32 $0x88, s3;
	s6 =	simm.s32 @!p1 $0x1082;
	[sflag:s4] =	ssyncset.s32 $0xFFFFF086  }
0x25: {  	[simem:s6], [sflag:s4] =	dma.local [hbm:s3], $0xF7A  }
0x26: {  	[smem:$0x3F9C] =	sst s1;
	(tag) =	ssettag s2;
	_ =	strace s9  }
0x27: {  	s1 =	sld [smem:$0x3FAC]  }
0x28: {  	s2 =	sld [smem:$0x3FAD]  }
0x29: {  	s4 =	sld [smem:$0x3FAF]  }
0x2a: {  	p0 =	seq.s32 s5, $0x0;
	s5 =	sld [smem:$0x3FB0]  }
0x2b: {  	s6 =	sld [smem:$0x3FB1]  }
0x2c: {  	s7 =	sld [smem:$0x3FB2]  }
0x2d: {  	s3 =	simm.s32 $0x108;
	s8 =	sld [smem:$0x3FB3]  }
0x2e: {  	s3 =	simm.s32 @!p0 $0x1082;
	s9 =	sld [smem:$0x3FB4]  }
0x2f: {  	lr =	sadd.s32 s0, s3;
	s0 =	sld [smem:$0x3FAB]  }
0x30: {  	s3 =	sld [smem:$0x3FAE]  }
0x31: {  	[smem:$0x3FB7] =	sst s10  }
0x32: {  	s10 =	sld [smem:$0x3FB5];
	_ =	sdelay $0x3  }
0x33: {  	p0 =	seq.s32 s10, $0x1;
	s10 =	sld [smem:$0x3FB7];
	_ =	sdelay $0x3  }
0x34: {  	[smem:$0x3FB7] =	sst s10  }
0x35: {  	s10 =	sld [smem:$0x3FB6];
	_ =	sdelay $0x3  }
0x36: {  	p1 =	seq.s32 s10, $0x1;
	s10 =	sld [smem:$0x3FB7];
	_ =	sdelay $0x3  }
0x37: {  	[smem:$0x3FB7] =	sst s10  }
0x38: {  	s10 =	sld [smem:$0x3FB8]  }
0x39: {  	_ = 	snop;
	(pc) =	sbr.ind lr, $3  }
0x3a: {  	_ = 	snop  }
0x3b: {  	_ = 	snop  }
0x3c: {  	p2 =	seq.s32 s10, $0x1;
	s10 =	sld [smem:$0x3FB7]  }
0x3d: {  	_ =	shalt  }
0x3e: {  	_ =	shalt  }
0x3f: {  	_ =	shalt  }
0x40: {  	_ =	shalt  }
0x41: {  	_ =	shalt  }
0x42: {  	_ =	shalt  }
0x43: {  	_ =	shalt  }
0x44: {  	_ =	shalt  }
0x45: {  	_ =	shalt  }
0x46: {  	_ =	shalt  }
0x47: {  	_ =	shalt  }
0x48: {  	_ =	shalt  }
0x49: {  	_ =	shalt  }
0x4a: {  	_ =	shalt  }
0x4b: {  	_ =	shalt  }
0x4c: {  	_ =	shalt  }
0x4d: {  	_ =	shalt  }
0x4e: {  	_ =	shalt  }
0x4f: {  	_ =	shalt  }
0x50: {  	_ =	shalt  }
0x51: {  	_ =	shalt  }
0x52: {  	_ =	shalt  }
0x53: {  	_ =	shalt  }
0x54: {  	_ =	shalt  }
0x55: {  	_ =	shalt  }
0x56: {  	_ =	shalt  }
0x57: {  	_ =	shalt  }
0x58: {  	_ =	shalt  }
0x59: {  	_ =	shalt  }
0x5a: {  	_ =	shalt  }
0x5b: {  	_ =	shalt  }
0x5c: {  	_ =	shalt  }
0x5d: {  	_ =	shalt  }
0x5e: {  	_ =	shalt  }
0x5f: {  	_ =	shalt  }
0x60: {  	_ =	shalt  }
0x61: {  	_ =	shalt  }
0x62: {  	_ =	shalt  }
0x63: {  	_ =	shalt  }
0x64: {  	_ =	shalt  }
0x65: {  	_ =	shalt  }
0x66: {  	_ =	shalt  }
0x67: {  	_ =	shalt  }
0x68: {  	_ =	shalt  }
0x69: {  	_ =	shalt  }
0x6a: {  	_ =	shalt  }
0x6b: {  	_ =	shalt  }
0x6c: {  	_ =	shalt  }
0x6d: {  	_ =	shalt  }
0x6e: {  	_ =	shalt  }
0x6f: {  	_ =	shalt  }
0x70: {  	_ =	shalt  }
0x71: {  	_ =	shalt  }
0x72: {  	_ =	shalt  }
0x73: {  	_ =	shalt  }
0x74: {  	_ =	shalt  }
0x75: {  	_ =	shalt  }
0x76: {  	_ =	shalt  }
0x77: {  	_ =	shalt  }
0x78: {  	_ =	shalt  }
0x79: {  	_ =	shalt  }
0x7a: {  	_ =	shalt  }
0x7b: {  	_ =	shalt  }
0x7c: {  	_ =	shalt  }
0x7d: {  	_ =	shalt  }
0x7e: {  	_ =	shalt  }
0x7f: {  	_ =	shalt  }
0x80: {  	_ =	shalt  }
0x81: {  	_ =	shalt  }
0x82: {  	_ =	shalt  }
0x83: {  	_ =	shalt  }
0x84: {  	_ =	shalt  }
0x85: {  	_ =	shalt  }
0x86: {  	_ =	shalt  }
0x87: {  	_ =	shalt  }
.Lfunc_end0:
.L_simem_size_0:
called_computation_lowered:
.L_overlay_start_0:
0x88: {  	s2 =	sld [smem:$0x3FD9]  }
0x89: {  	s3 =	sld [smem:$0x3FFE];
	_ =	sdelay $0x1  }
0x8a: {  	s1 =	srdreg.scid  }
0x8b: {  	s0 =	sand.u32 $0x1, s1  }
0x8c: {  	s16 =	sshll.u32 s0, $0xA;
	s2 =	sadd.s32 s3, s2  }
0x8d: {  	s2 =	sadd.s32 s2, s16  }
0x8e: {  	[smem:$0x3FC3] =	sst s2  }
0x8f: {  	_ = 	snop  }
0x90: {  	(tm) =	ssettm $0x1  }
0x91: {  	s17 =	sld [smem:$0x3FFB];
	_ =	sdelay $0x3  }
0x92: {  	_ =	strace s17  }
0x93: {  	s2 =	sld [smem:$0x3FFC];
	_ =	sdelay $0x3  }
0x94: {  	_ =	strace s2  }
0x95: {  	s2 =	sld [smem:$0x3FFD];
	_ =	sdelay $0x3  }
0x96: {  	_ =	strace s2  }
0x97: {  	_ =	strace $0x8FFFFFFF  }
0x98: {  	s18 =	sld [smem:$0x3FDB];
	_ =	sdelay $0x1  }
0x99: {  	s19 =	simm.s32 $_scs_section_size  }
0x9a: {  	s4 =	simm.s32 $_size__tile_overlayer_lowered;
	s5 =	simm.s32 $_tile_overlayer_lowered  }
0x9b: {  	s22 =	simm.s32 $0x1BFF;
	s21 =	sshll.u32 s5, $0x1;
	s2 =	sadd.s32 s19, s18  }
0x9c: {  	s6 =	simm.s32 $0x0;
	s20 =	sshll.u32 s4, $0x1;
	s4 =	sadd.s32 s21, s2  }
0x9d: {  	[timem:s6], [sflag:s22] =	dma.local [hbm:s4], s20  }
0x9e: {  	_ =	swait.ge [sflag:s22], s20  }
0x9f: {  	s3 =	ssub.s32 $0x0, s20;
	[sflag:s22] =	ssyncset.done $0x0  }
0xa0: {  	[sflag:s22] =	ssyncadd.s32 s3;
	_ =	sdelay $0x1  }
0xa1: {  	s23 =	simm.s32 $0x1B8B  }
0xa2: {  	_ =	swait.ge [sflag:s23], $0x1  }
0xa3: {  	[sflag:s23] =	ssyncset.done $0x0  }
0xa4: {  	s25 =	simm.s32 $0x1B8E;
	s24 =	sld [smem:$0x3FFE];
	[sflag:s23] =	ssyncadd.s32 $0xFFFFFFFF  }
0xa5: {  	s26 =	simm.s32 $execute0_lowered;
	[smem:$0x3FD2] =	sst s25  }
0xa6: {  	s4 =	sshll.u32 s26, $0x1;
	_ =	strace $0x80000046;
	[dreg:$0x1] =	wrdreg $0xFFFFFFFF  }
0xa7: {  	s28 =	simm.s32 $_size_execute0_lowered;
	s2 =	sadd.s32 s2, s4;
	[dreg:$0x0] =	wrdreg $0x0  }
0xa8: {  	s4 =	sshll.u32 s28, $0x1;
	[dreg:$0x2] =	wrdreg s2  }
0xa9: {  	[dreg:$0x3] =	wrdreg s4  }
0xaa: {  	[dreg:$0x4] =	wrdreg $0xC0  }
0xab: {  	_ =	task [dreg:s6], $0x5FFFF  }
0xac: {  	[dreg:$0x1] =	wrdreg $0xFFFFFFFF  }
0xad: {  	[dreg:$0x0] =	wrdreg $0x60  }
0xae: {  	[dreg:$0x2] =	wrdreg s24  }
0xaf: {  	[dreg:$0x3] =	wrdreg $0x9  }
0xb0: {  	_ =	task.clear_ibuf [dreg:s6], $0x4FFFF;
	_ =	strace $0x90000046  }
0xb1: {  	s29 =	simm.s32 $0x9;
	_ =	strace $0x80000048  }
0xb2: {  	_ =	swait.ge [sflag:s29], $0x1  }
0xb3: {  	[sflag:s29] =	ssyncadd.s32 $0xFFFFFFFF  }
0xb4: {  	_ =	strace $0x90000048  }
0xb5: {  	_ =	sfence  }
0xb6: {  	s30 =	sld [smem:$0x0];
	_ =	sdelay $0x2  }
0xb7: {  	s31 =	sshll.u32 s1, $0xD;
	s1 =	sshrl.u32 s1, $0x2  }
0xb8: {  	s3 =	sand.u32 $0x4000, s31;
	s1 =	sadd.s32 s1, s30  }
0xb9: {  	s0 =	sor.u32 s3, s0;
	s1 =	sshll.u32 s1, $0x11  }
0xba: {  	s0 =	sor.u32 s1, s0  }
0xbb: {  	s0 =	sadd.s32 $0x8F2B, s0  }
0xbc: {  	[sflag:s0] =	ssyncadd.remote.s32 $0x1  }
0xbd: {  	_ =	sfence.sel $0xFFFF  }
0xbe: {  	[dreg:$0x0] =	wrdreg $0xFFFFFFFF;
	(pc) =	sbr.abs _section_cstart, $3  }
0xbf: {  	[dreg:$0x1] =	wrdreg $0xFFFFFFFF  }
0xc0: {  	_ =	task.clear_ibuf [dreg:s6], $0x2FFFF;
	_ =	strace $0x9FFFFFFF  }
0xc1: {  	(tm) =	ssettm $0x7FFFFFFF  }
tec
execute0_lowered:
.L_overlay_start_1:
0x0: {  	(tag) =	ssettag $0x1  }
0x1: {  	v0 =	vlaneseq.u32  }
0x2: {  	s2 =	simm.s32 $0x0;
	v1 =	vmul.u32 $0x500, v0;
	v0 =	vmul.u32 $0x40, v0  }
0x3: {  	[smem:$0x7FF] =	sst s2  }
0x4: {  	s0 =	rddreg [dreg:$0x0];
	_ =	strace $0x80000047;
	[tilespmem:$0x1FEB0] =	vst v0  }
0x5: {  	v45 =	vadd.s32 $0x240, v1;
	[tilespmem:$0x1FFE0] =	vst v1  }
0x6: {  	v46 =	vadd.s32 $0x200, v1;
	[tilespmem:$0x1FEC0] =	vst v45  }
0x7: {  	v47 =	vadd.s32 $0x1C0, v1;
	[tilespmem:$0x1FED0] =	vst v46  }
0x8: {  	v48 =	vadd.s32 $0x180, v1;
	[tilespmem:$0x1FEE0] =	vst v47  }
0x9: {  	v49 =	vadd.s32 $0x140, v1;
	[tilespmem:$0x1FEF0] =	vst v48  }
0xa: {  	v50 =	vadd.s32 $0x100, v1;
	[tilespmem:$0x1FF00] =	vst v49  }
0xb: {  	v51 =	vor.u32 $0xC0, v1;
	[tilespmem:$0x1FF10] =	vst v50  }
0xc: {  	v52 =	vor.u32 $0x80, v1;
	[tilespmem:$0x1FF20] =	vst v51  }
0xd: {  	v53 =	vor.u32 $0x40, v1;
	[tilespmem:$0x1FF30] =	vst v52  }
0xe: {  	s1 =	srdreg.scid;
	v54 =	vadd.s32 $0x280, v1;
	[tilespmem:$0x1FF40] =	vst v53  }
0xf: {  	s3 =	stileid.u32;
	s11 =	simm.s32 $0x3;
	s12 =	simm.s32 $0x200;
	v55 =	vadd.s32 $0x4C0, v1;
	[tilespmem:$0x1FF50] =	vst v54  }
0x10: {  	s13 =	simm.s32 $0x400;
	s14 =	simm.s32 $0x20;
	s15 =	simm.s32 $0x2C00;
	v56 =	vadd.s32 $0x480, v1;
	[tilespmem:$0x1FF60] =	vst v55  }
0x11: {  	s16 =	simm.s32 $0x3C00;
	s17 =	simm.s32 $0x80;
	s18 =	simm.s32 $0x4C00;
	v57 =	vadd.s32 $0x440, v1;
	[tilespmem:$0x1FF70] =	vst v56  }
0x12: {  	s28 =	simm.s32 $0x18C00;
	s1 =	sand.u32 $0x1, s1;
	s4 =	sshll.u32 s3, $0x1;
	v58 =	vadd.s32 $0x400, v1;
	[tilespmem:$0x1FF80] =	vst v57  }
0x13: {  	s29 =	simm.s32 $0x18E00;
	s30 =	simm.s32 $0x0;
	s4 =	sor.u32 s1, s4;
	v59 =	vadd.s32 $0x3C0, v1;
	[tilespmem:$0x1FF90] =	vst v58  }
0x14: {  	s3 =	sadd.s32 $0xBC00, s0;
	s1 =	ssub.s32 $0x2, s1;
	s6 =	smul.u32 $0x500, s4;
	v60 =	vadd.s32 $0x380, v1;
	[tilespmem:$0x1FFA0] =	vst v59  }
0x15: {  	s5 =	sshll.u32 s4, $0x6;
	s4 =	sadd.s32 $0xF6BC00, s0;
	s31 =	sshrl.u32 s1, $0x1;
	v61 =	vadd.s32 $0x340, v1;
	[tilespmem:$0x1FFB0] =	vst v60  }
0x16: {  	v62 =	vadd.s32 $0x300, v1;
	s8 =	sadd.s32 s5, s0;
	s1 =	ssub.s32 s1, s31;
	[tilespmem:$0x1FFC0] =	vst v61;
	s0 =	sadd.s32 s6, s0  }
0x17: {  	v63 =	vadd.s32 $0x2C0, v1;
	[tilespmem:$0x1FFD0] =	vst v62;
	s5 =	sadd.s32 $0xC00, s8;
	s6 =	sadd.s32 $0x1400, s8;
	s8 =	sadd.s32 $0x1ED5C00, s8  }
0x18: {  	[tilespmem:$0x1FFF0] =	vst v63;
	s10 =	smax.u32 s1, $0x1;
	s7 =	sadd.s32 $0x1C00, s0;
	s9 =	sadd.s32 $0x1ECBC00, s0  }
.LBB2_1:
0x19: {  	[tilespmem:s2], [sflag:$0x3] =	stream.linear.gather [hbm4b:s5+s2], $0x200, $0x38;
	[tilespmem:$0x1B600] =	vst v63  }
0x1a: {  	_ =	swait.ge [sflag:s11], $0x200  }
0x1b: {  	[sflag:s11] =	ssyncset.done $0x0  }
0x1c: {  	[sflag:s11] =	ssyncadd.s32 $0xFFFFFE00  }
0x1d: {  	[tilespmem:s12], [sflag:$0x3] =	stream.linear.gather [hbm4b:s6+s2], $0x200, $0x38;
	[tilespmem:$0x1B600] =	vst v63  }
0x1e: {  	_ =	swait.ge [sflag:s11], $0x200  }
0x1f: {  	[sflag:s11] =	ssyncset.done $0x0  }
0x20: {  	[sflag:s11] =	ssyncadd.s32 $0xFFFFFE00  }
0x21: {  	[tilespmem:s13], [sflag:$0x3] =	stream.linear.gather [hbm4b:s7+s2], $0x2800, $0x38;
	[tilespmem:$0x1B600] =	vst v63  }
0x22: {  	_ =	swait.ge [sflag:s11], $0x2800  }
0x23: {  	[sflag:s11] =	ssyncset.done $0x0  }
0x24: {  	[sflag:s11] =	ssyncadd.s32 $0xFFFFD800  }
0x25: {  	[tilespmem:s15], [sflag:$0x1] =	stream.indirect.gather [hbm4b:s3+s14], $0x40, s2, s14, $0xb8;
	[tilespmem:$0x1B600] =	vst v63  }
0x26: {  	_ = 	snop  }
0x27: {  	[tilespmem:s16], [sflag:$0x1] =	stream.indirect.gather [hbm4b:s4+s14], $0x40, s12, s14, $0xb8;
	[tilespmem:$0x1B600] =	vst v63  }
0x28: {  	_ = 	snop  }
0x29: {  	[tilespmem:s18], [sflag:$0x1] =	stream.indirect.gather [hbm4b:s4+s17], $0x40, s13, s17, $0xb8;
	[tilespmem:$0x1B600] =	vst v63  }
0x2a: {  	s0 =	simm.s32 $0x480;
	s1 =	simm.s32 $0x6C00  }
0x2b: {  	[tilespmem:s1], [sflag:$0x1] =	stream.indirect.gather [hbm4b:s4+s17], $0x40, s0, s17, $0xb8;
	[tilespmem:$0x1B600] =	vst v63  }
0x2c: {  	s22 =	simm.s32 $0x500;
	s23 =	simm.s32 $0x8C00  }
0x2d: {  	[tilespmem:s23], [sflag:$0x1] =	stream.indirect.gather [hbm4b:s4+s17], $0x40, s22, s17, $0xb8;
	[tilespmem:$0x1B600] =	vst v63  }
0x2e: {  	s24 =	simm.s32 $0x580;
	s25 =	simm.s32 $0xAC00  }
0x2f: {  	[tilespmem:s25], [sflag:$0x1] =	stream.indirect.gather [hbm4b:s4+s17], $0x40, s24, s17, $0xb8;
	[tilespmem:$0x1B600] =	vst v63  }
0x30: {  	s26 =	simm.s32 $0x600;
	s31 =	simm.s32 $0xCC00;
	s0 =	simm.s32 $0x0  }
0x31: {  	[tilespmem:s31], [sflag:$0x1] =	stream.indirect.gather [hbm4b:s4+s17], $0x40, s26, s17, $0xb8;
	[tilespmem:$0x1B600] =	vst v63  }
.LBB2_2:
0x32: {  	p0 =	seq.s32 s0, $0xF  }
0x33: {  	s1 =	sand.u32 @!p0 $0x1, s0  }
0x34: {  	s31 =	sadd.s32 $0x1, s0;
	p2 =	seq.s32 @!p0 s1, $0x0  }
0x35: {  	s19 =	smul.u32 @!p0 $0xA00, s31;
	p1 =	por !p2, p0  }
0x36: {  	s1 =	sshll.u32 @!p0 s31, $0x5;
	s20 =	simm.s32 @!p1 $0x20;
	s21 =	simm.s32 @!p1 $0x3400  }
0x37: {  	[tilespmem:s21], [sflag:$0x2] =	stream.indirect.gather @!p1 [hbm4b:s3+s20], $0x40, s1, s20, $0xb8;
	[tilespmem:$0x1B600] =	vst v63  }
0x38: {  	s19 =	sshra.s32 @!p0 s19, $0x2;
	s22 =	simm.s32 @!p1 $0x4400;
	s21 =	sadd.s32 @!p0 $0x200, s1  }
0x39: {  	[tilespmem:s22], [sflag:$0x2] =	stream.indirect.gather @!p1 [hbm4b:s4+s20], $0x40, s21, s20, $0xb8;
	[tilespmem:$0x1B600] =	vst v63  }
0x3a: {  	s23 =	simm.s32 @!p1 $0xEC00;
	s20 =	sadd.s32 @!p0 $0x400, s19;
	s22 =	simm.s32 @!p1 $0x80  }
0x3b: {  	[tilespmem:s23], [sflag:$0x2] =	stream.indirect.gather @!p1 [hbm4b:s4+s22], $0x40, s20, s22, $0xb8;
	[tilespmem:$0x1B600] =	vst v63  }
0x3c: {  	s24 =	simm.s32 @!p1 $0x10C00;
	s23 =	sadd.s32 @!p0 $0x480, s19  }
0x3d: {  	[tilespmem:s24], [sflag:$0x2] =	stream.indirect.gather @!p1 [hbm4b:s4+s22], $0x40, s23, s22, $0xb8;
	[tilespmem:$0x1B600] =	vst v63  }
0x3e: {  	s25 =	simm.s32 @!p1 $0x12C00;
	s24 =	sadd.s32 @!p0 $0x500, s19  }
0x3f: {  	[tilespmem:s25], [sflag:$0x2] =	stream.indirect.gather @!p1 [hbm4b:s4+s22], $0x40, s24, s22, $0xb8;
	[tilespmem:$0x1B600] =	vst v63  }
0x40: {  	s26 =	simm.s32 @!p1 $0x14C00;
	s25 =	sadd.s32 @!p0 $0x580, s19  }
0x41: {  	[tilespmem:s26], [sflag:$0x2] =	stream.indirect.gather @!p1 [hbm4b:s4+s22], $0x40, s25, s22, $0xb8;
	[tilespmem:$0x1B600] =	vst v63  }
0x42: {  	p2 =	por p2, p0;
	s19 =	sadd.s32 @!p0 $0x600, s19;
	s26 =	simm.s32 @!p1 $0x16C00  }
0x43: {  	[tilespmem:s26], [sflag:$0x2] =	stream.indirect.gather @!p1 [hbm4b:s4+s22], $0x40, s19, s22, $0xb8;
	[tilespmem:$0x1B600] =	vst v63  }
0x44: {  	s22 =	simm.s32 @!p2 $0x20;
	s26 =	simm.s32 @!p2 $0x2C00  }
0x45: {  	[tilespmem:s26], [sflag:$0x1] =	stream.indirect.gather @!p2 [hbm4b:s3+s22], $0x40, s1, s22, $0xb8;
	[tilespmem:$0x1B600] =	vst v63  }
0x46: {  	s1 =	simm.s32 @!p2 $0x3C00  }
0x47: {  	[tilespmem:s1], [sflag:$0x1] =	stream.indirect.gather @!p2 [hbm4b:s4+s22], $0x40, s21, s22, $0xb8;
	[tilespmem:$0x1B600] =	vst v63  }
0x48: {  	s1 =	simm.s32 @!p2 $0x80;
	s21 =	simm.s32 @!p2 $0x4C00  }
0x49: {  	[tilespmem:s21], [sflag:$0x1] =	stream.indirect.gather @!p2 [hbm4b:s4+s1], $0x40, s20, s1, $0xb8;
	[tilespmem:$0x1B600] =	vst v63  }
0x4a: {  	s20 =	simm.s32 @!p2 $0x6C00  }
0x4b: {  	[tilespmem:s20], [sflag:$0x1] =	stream.indirect.gather @!p2 [hbm4b:s4+s1], $0x40, s23, s1, $0xb8;
	[tilespmem:$0x1B600] =	vst v63  }
0x4c: {  	s20 =	simm.s32 @!p2 $0x8C00  }
0x4d: {  	[tilespmem:s20], [sflag:$0x1] =	stream.indirect.gather @!p2 [hbm4b:s4+s1], $0x40, s24, s1, $0xb8;
	[tilespmem:$0x1B600] =	vst v63  }
0x4e: {  	s20 =	simm.s32 @!p2 $0xAC00  }
0x4f: {  	[tilespmem:s20], [sflag:$0x1] =	stream.indirect.gather @!p2 [hbm4b:s4+s1], $0x40, s25, s1, $0xb8;
	[tilespmem:$0x1B600] =	vst v63  }
0x50: {  	s20 =	simm.s32 @!p1 $0x1  }
0x51: {  	s21 =	simm.s32 @!p2 $0xCC00;
	s20 =	simm.s32 @p1 $0x2  }
0x52: {  	[tilespmem:s21], [sflag:$0x1] =	stream.indirect.gather @!p2 [hbm4b:s4+s1], $0x40, s19, s1, $0xb8;
	[tilespmem:$0x1B600] =	vst v63  }
0x53: {  	s20 =	simm.s32 @p0 $0x2  }
0x54: {  	_ =	swait.ge [sflag:s20], $0x800  }
0x55: {  	[sflag:s20] =	ssyncset.done $0x0  }
0x56: {  	[sflag:s20] =	ssyncadd.s32 $0xFFFFF800  }
0x57: {  	_ =	swait.ge [sflag:s20], $0x800  }
0x58: {  	[sflag:s20] =	ssyncset.done $0x0  }
0x59: {  	[sflag:s20] =	ssyncadd.s32 $0xFFFFF800  }
0x5a: {  	_ =	swait.ge [sflag:s20], $0x2000  }
0x5b: {  	[sflag:s20] =	ssyncset.done $0x0  }
0x5c: {  	[sflag:s20] =	ssyncadd.s32 $0xFFFFE000  }
0x5d: {  	_ =	swait.ge [sflag:s20], $0x2000  }
0x5e: {  	[sflag:s20] =	ssyncset.done $0x0  }
0x5f: {  	[sflag:s20] =	ssyncadd.s32 $0xFFFFE000  }
0x60: {  	s21 =	sand.u32 $0x1, s0;
	_ =	swait.ge [sflag:s20], $0x2000  }
0x61: {  	s22 =	smul.u32 $0x280, s21;
	[sflag:s20] =	ssyncset.done $0x0  }
0x62: {  	[sflag:s20] =	ssyncadd.s32 $0xFFFFE000  }
0x63: {  	v2 =	vmov s22;
	_ =	swait.ge [sflag:s20], $0x2000  }
0x64: {  	v24 =	vshll.u32 v2, $0x6;
	v2 =	vld [tilespmem:$0x1FF40];
	_ =	sdelay $0x2  }
0x65: {  	[sflag:s20] =	ssyncset.done $0x0  }
0x66: {  	v3 =	vld [tilespmem:$0x1FF20];
	[sflag:s20] =	ssyncadd.s32 $0xFFFFE000  }
0x67: {  	s23 =	simm.s32 $0x3;
	v29 =	vadd.s32 v2, v24;
	v2 =	vld [tilespmem:$0x1FEF0];
	_ =	swait.ge [sflag:s20], $0x2000  }
0x68: {  	v0 =	vmov s23;
	v6 =	vld [tilespmem:$0x1FEC0]  }
0x69: {  	v0 =	vand.u32 $0x3F, v0;
	v7 =	vld [tilespmem:$0x1FF10]  }
0x6a: {  	v0 =	vbroadcast v0, $0x0;
	s25 =	simm.s32 $0x1;
	v8 =	vld [tilespmem:$0x1FEB0]  }
0x6b: {  	v4 =	vmov s25;
	v31 =	vadd.s32 v3, v24;
	v9 =	vld [tilespmem:$0x1FFE0]  }
0x6c: {  	v4 =	vand.u32 $0x3D, v4;
	v5 =	vor.u32 v31, v0;
	v30 =	vadd.s32 v2, v24  }
0x6d: {  	s1 =	sshll.u32 s21, $0x5;
	v4 =	vbroadcast v4, $0x0;
	v3 =	vor.u32 v30, v0  }
0x6e: {  	s24 =	simm.s32 $0x2;
	v1 =	vmov s1;
	v32 =	vadd.s32 v6, v24;
	v6 =	vor.u32 v29, v0  }
0x6f: {  	v1 =	vshll.u32 v1, $0x6;
	[sflag:s20] =	ssyncset.done $0x0;
	v2 =	vmov s24;
	v33 =	vadd.s32 v7, v24  }
0x70: {  	[sflag:s20] =	ssyncadd.s32 $0xFFFFE000;
	v28 =	vor.u32 v8, v1;
	v8 =	vld [tilespmem:$0x1FF00];
	v35 =	vadd.s32 v9, v24;
	v1 =	vor.u32 v33, v0  }
0x71: {  	v2 =	vand.u32 $0x3E, v2;
	v5 =	vld.idx.msk [tilespmem:v5+s18+$0x0], $0xffff;
	v10 =	vor.u32 v35, v4  }
0x72: {  	v2 =	vbroadcast v2, $0x0;
	v3 =	vld.idx.msk [tilespmem:v3+s18+$0x0], $0xffff  }
0x73: {  	v37 =	vor.u32 v28, v0;
	v11 =	vld.idx.msk [tilespmem:v6+s18+$0x0], $0xffff  }
0x74: {  	v7 =	vor.u32 v32, v2;
	v6 =	vld [tilespmem:$0x1FEE0]  }
0x75: {  	v14 =	vor.u32 v28, v2;
	v13 =	vld.idx.msk [tilespmem:v1+s18+$0x0], $0xffff  }
0x76: {  	v46 =	vld.idx.msk [tilespmem:v10+s18+$0x0], $0xffff  }
0x77: {  	v19 =	vor.u32 v30, v2;
	v10 =	vld [tilespmem:$0x1FF30]  }
0x78: {  	v39 =	vor.u32 v35, v2;
	v43 =	vld.idx.msk [tilespmem:v37+s15+$0x0], $0xffff  }
0x79: {  	v1 =	vor.u32 v32, v0;
	v7 =	vld.idx.msk [tilespmem:v7+s18+$0x0], $0xffff  }
0x7a: {  	v34 =	vadd.s32 v8, v24;
	v8 =	vor.u32 v28, v4;
	v17 =	vld.idx.msk [tilespmem:v14+s15+$0x0], $0xffff  }
0x7b: {  	v20 =	vld.idx.msk [tilespmem:v14+s16+$0x0], $0xffff  }
0x7c: {  	v9 =	vor.u32 v34, v4;
	v49 =	vld.idx.msk [tilespmem:v19+s18+$0x0], $0xffff  }
0x7d: {  	v15 =	vor.u32 v34, v2;
	v55 =	vld.idx.msk [tilespmem:v39+s18+$0x0], $0xffff  }
0x7e: {  	v18 =	vld.idx.msk [tilespmem:v1+s18+$0x0], $0xffff;
	v1 =	vor.u32 v29, v2  }
0x7f: {  	s26 =	simm.s32 $0x0;
	v23 =	vld.idx.msk [tilespmem:v8+s15+$0x0], $0xffff  }
0x80: {  	v26 =	vmov s26;
	v14 =	vor.u32 v31, v2;
	v8 =	vld.idx.msk [tilespmem:v8+s16+$0x0], $0xffff  }
0x81: {  	v26 =	vand.u32 $0x3C, v26;
	v40 =	vadd.s32 v6, v24;
	v6 =	vor.u32 v32, v4;
	v9 =	vld.idx.msk [tilespmem:v9+s18+$0x0], $0xffff  }
0x82: {  	v26 =	vbroadcast v26, $0x0;
	[tilespmem:$0x1FDA0] =	vst v24;
	v12 =	vor.u32 v40, v4;
	v41 =	vadd.s32 v10, v24;
	v15 =	vld.idx.msk [tilespmem:v15+s18+$0x0], $0xffff  }
0x83: {  	[tilespmem:$0x1FE70] =	vst v31;
	v21 =	vor.u32 v41, v0;
	v22 =	vld.idx.msk [tilespmem:v1+s18+$0x0], $0xffff  }
0x84: {  	v56 =	vor.u32 v29, v26;
	v51 =	vor.u32 v31, v26;
	[tilespmem:$0x1FEA0] =	vst v29;
	v16 =	vor.u32 v40, v2;
	v1 =	vld [tilespmem:$0x1FED0]  }
0x85: {  	[tilespmem:$0x1FE90] =	vst v30;
	v48 =	vmul.f32 v3, v43;
	v3 =	vor.u32 v34, v26;
	v38 =	vld.idx.msk [tilespmem:v14+s18+$0x0], $0xffff  }
0x86: {  	v44 =	vor.u32 v33, v4;
	[tilespmem:$0x1FDC0] =	vst v28;
	v10 =	vor.u32 v41, v2;
	v6 =	vld.idx.msk [tilespmem:v6+s18+$0x0], $0xffff  }
0x87: {  	v61 =	vor.u32 v33, v26;
	[tilespmem:$0x1FE80] =	vst v32;
	v36 =	vor.u32 v40, v0;
	v12 =	vld.idx.msk [tilespmem:v12+s18+$0x0], $0xffff  }
0x88: {  	[tilespmem:$0x1FDF0] =	vst v34;
	v45 =	vmul.f32 v9, v23;
	v9 =	vld.idx.msk [tilespmem:v21+s18+$0x0], $0xffff;
	v21 =	vor.u32 v28, v26  }
0x89: {  	v60 =	vmul.f32 v5, v43;
	v16 =	vld.idx.msk [tilespmem:v16+s18+$0x0], $0xffff;
	v42 =	vadd.s32 v1, v24;
	v24 =	vor.u32 v35, v0  }
0x8a: {  	[tilespmem:$0x1FE20] =	vst v40;
	v57 =	vmul.f32 v11, v43;
	v11 =	vor.u32 v29, v4;
	v3 =	vld.idx.msk [tilespmem:v3+s18+$0x0], $0xffff  }
0x8b: {  	v14 =	vor.u32 v41, v26;
	v55 =	vmul.f32 v55, v17;
	v10 =	vld.idx.msk [tilespmem:v10+s18+$0x0], $0xffff;
	v25 =	vor.u32 v42, v2  }
0x8c: {  	v59 =	vmul.f32 v49, v17;
	v28 =	vld.idx.msk [tilespmem:v36+s18+$0x0], $0xffff;
	v27 =	vor.u32 v42, v0;
	v0 =	vor.u32 v34, v0  }
0x8d: {  	v29 =	vmul.f32 v20, v17;
	v6 =	vmul.f32 v6, v23;
	v2 =	vor.u32 v33, v2;
	v58 =	vld.idx.msk [tilespmem:v21+s15+$0x0], $0xffff  }
0x8e: {  	v53 =	vmul.f32 v15, v17;
	v15 =	vor.u32 v32, v26;
	v19 =	vld.idx.msk [tilespmem:v24+s18+$0x0], $0xffff;
	v24 =	vor.u32 v35, v26  }
0x8f: {  	v5 =	vmul.f32 v38, v17;
	[tilespmem:$0x1FDB0] =	vst v6;
	v6 =	vmul.f32 v8, v23;
	v21 =	vld.idx.msk [tilespmem:v21+s16+$0x0], $0xffff  }
0x90: {  	v47 =	vmul.f32 v12, v23;
	v50 =	vor.u32 v42, v4;
	v34 =	vmul.f32 v16, v17;
	v25 =	vld.idx.msk [tilespmem:v25+s18+$0x0], $0xffff  }
0x91: {  	v62 =	vimm.f32 $0.0e+00;
	[tilespmem:$0x1FDD0] =	vst v6;
	v6 =	vmul.f32 v13, v43;
	v13 =	vld.idx.msk [tilespmem:v0+s18+$0x0], $0xffff;
	v0 =	vmul.f32 v22, v17  }
0x92: {  	v52 =	vmul.f32 v9, v43;
	v8 =	vor.u32 v30, v26;
	v9 =	vor.u32 v40, v26;
	v2 =	vld.idx.msk [tilespmem:v2+s18+$0x0], $0xffff  }
0x93: {  	v63 =	vimm.f32 $0.0e+00;
	v16 =	vmul.f32 v28, v43;
	[tilespmem:$0x1FE30] =	vst v0;
	v0 =	vmul.f32 v7, v17;
	v24 =	vld.idx.msk [tilespmem:v24+s18+$0x0], $0xffff  }
0x94: {  	v32 =	vimm.f32 $0.0e+00;
	[tilespmem:$0x1FE10] =	vst v6;
	v6 =	vmul.f32 v10, v17;
	v22 =	vor.u32 v42, v26;
	v39 =	vld.idx.msk [tilespmem:v27+s18+$0x0], $0xffff  }
0x95: {  	v1 =	vimm.f32 $0.0e+00;
	v10 =	vor.u32 v41, v4;
	v27 =	vmul.f32 v3, v58;
	[tilespmem:$0x1FE50] =	vst v0;
	v0 =	vld.idx.msk [tilespmem:v51+s18+$0x0], $0xffff  }
0x96: {  	v40 =	vmul.f32 v19, v43;
	v19 =	vor.u32 v30, v4;
	v30 =	vmul.f32 v18, v43;
	v18 =	vld.idx.msk [tilespmem:v61+s18+$0x0], $0xffff  }
0x97: {  	[tilespmem:$0x1FDE0] =	vst v35;
	v3 =	vimm.f32 $0.0e+00;
	v7 =	vor.u32 v31, v4;
	v31 =	vmul.f32 v13, v43;
	v13 =	vld.idx.msk [tilespmem:v9+s18+$0x0], $0xffff  }
0x98: {  	[tilespmem:$0x1FE00] =	vst v33;
	v61 =	vimm.f32 $0.0e+00;
	v12 =	vmul.f32 v25, v17;
	v25 =	vld.idx.msk [tilespmem:v50+s18+$0x0], $0xffff;
	v9 =	vmul.f32 v24, v58  }
0x99: {  	[tilespmem:$0x1FE40] =	vst v41;
	v4 =	vimm.f32 $0.0e+00;
	v17 =	vmul.f32 v2, v17;
	v2 =	vimm.f32 $0.0e+00;
	v24 =	vld.idx.msk [tilespmem:v22+s18+$0x0], $0xffff  }
0x9a: {  	s19 =	simm.s32 $0x4;
	[tilespmem:$0x1FE60] =	vst v42;
	v22 =	vld.idx.msk [tilespmem:v56+s18+$0x0], $0xffff;
	v56 =	vimm.f32 $0.0e+00;
	v26 =	vadd.f32 v9, v1;
	v9 =	vimm.f32 $0.0e+00  }
.LBB2_3:
0x9b: {  	v20 =	vld.idx.msk [tilespmem:v11+s18+$0x0], $0xffff  }
0x9c: {  	v10 =	vld.idx.msk [tilespmem:v10+s18+$0x0], $0xffff  }
0x9d: {  	v7 =	vld.idx.msk [tilespmem:v7+s18+$0x0], $0xffff  }
0x9e: {  	v51 =	vld [tilespmem:$0x1FE90]  }
0x9f: {  	v54 =	vld [tilespmem:$0x1FE60]  }
0xa0: {  	v19 =	vld.idx.msk [tilespmem:v19+s18+$0x0], $0xffff  }
0xa1: {  	v49 =	vld [tilespmem:$0x1FE20]  }
0xa2: {  	v15 =	vld.idx.msk [tilespmem:v15+s18+$0x0], $0xffff  }
0xa3: {  	[tilespmem:$0x1FCF0] =	vst v45;
	v50 =	vld [tilespmem:$0x1FEA0]  }
0xa4: {  	[tilespmem:$0x1FD40] =	vst v40;
	s23 =	sadd.s32 $0x3, s19;
	v42 =	vld [tilespmem:$0x1FE00]  }
0xa5: {  	[tilespmem:$0x1FD00] =	vst v29;
	v33 =	vld.idx.msk [tilespmem:v37+s16+$0x0], $0xffff;
	v11 =	vmov v16;
	v16 =	vmov s23  }
0xa6: {  	s22 =	sadd.s32 $0x2, s19;
	[tilespmem:$0x1FD10] =	vst v53;
	v53 =	vld [tilespmem:$0x1FE80];
	v16 =	vand.u32 $0x3F, v16  }
0xa7: {  	v40 =	vld [tilespmem:$0x1FDF0];
	[tilespmem:$0x1FD60] =	vst v11;
	v11 =	vmov s22;
	v29 =	vbroadcast v16, $0x0  }
0xa8: {  	[tilespmem:$0x1FCB0] =	vst v48;
	v24 =	vmul.f32 v24, v58;
	v8 =	vld.idx.msk [tilespmem:v8+s18+$0x0], $0xffff;
	v1 =	vadd.f32 v27, v1;
	v11 =	vand.u32 $0x3E, v11  }
0xa9: {  	[tilespmem:$0x1FD30] =	vst v31;
	v27 =	vld.idx.msk [tilespmem:v14+s18+$0x0], $0xffff;
	v28 =	vbroadcast v11, $0x0;
	v16 =	vor.u32 v51, v29  }
0xaa: {  	v41 =	vld [tilespmem:$0x1FDC0];
	v9 =	vadd.f32 v24, v9;
	[tilespmem:$0x1FCE0] =	vst v1;
	v1 =	vmul.f32 v13, v58;
	v31 =	vor.u32 v42, v29  }
0xab: {  	v24 =	vld.idx.msk [tilespmem:v44+s18+$0x0], $0xffff;
	v25 =	vmul.f32 v25, v23;
	v0 =	vmul.f32 v0, v58;
	v48 =	vor.u32 v53, v28  }
0xac: {  	[tilespmem:$0x1FD20] =	vst v34;
	v44 =	vld [tilespmem:$0x1FE70];
	v18 =	vmul.f32 v18, v58;
	v7 =	vmul.f32 v7, v23;
	v38 =	vor.u32 v53, v29  }
0xad: {  	s20 =	smov.u32 s19;
	v45 =	vld [tilespmem:$0x1FDE0];
	[tilespmem:$0x1FCC0] =	vst v1;
	v1 =	vmul.f32 v46, v23;
	v34 =	vor.u32 v40, v28;
	v0 =	vadd.f32 v0, v62  }
0xae: {  	s26 =	sadd.s32 $0x1, s20;
	v2 =	vadd.f32 v18, v2;
	v9 =	vadd.f32 v25, v9;
	v13 =	vld.idx.msk [tilespmem:v16+s18+$0x0], $0xffff  }
0xaf: {  	v14 =	vadd.f32 v1, v26;
	v1 =	vmov s26;
	v0 =	vadd.f32 v7, v0;
	v31 =	vld.idx.msk [tilespmem:v31+s18+$0x0], $0xffff  }
0xb0: {  	v25 =	vor.u32 v41, v28;
	v1 =	vand.u32 $0x3D, v1;
	v24 =	vmul.f32 v24, v23;
	v18 =	vld.idx.msk [tilespmem:v48+s18+$0x0], $0xffff  }
0xb1: {  	v11 =	vbroadcast v1, $0x0;
	v1 =	vor.u32 v44, v29;
	v0 =	vadd.f32 v5, v0;
	v5 =	vld.idx.msk [tilespmem:v38+s18+$0x0], $0xffff  }
0xb2: {  	v46 =	vor.u32 v50, v29;
	v34 =	vld.idx.msk [tilespmem:v34+s18+$0x0], $0xffff  }
0xb3: {  	v2 =	vadd.f32 v24, v2;
	v62 =	vadd.f32 v60, v0;
	v0 =	vld [tilespmem:$0x1FE10]  }
0xb4: {  	[tilespmem:$0x1FCA0] =	vst v30;
	v22 =	vmul.f32 v22, v58;
	v27 =	vmul.f32 v27, v58;
	v35 =	vor.u32 v45, v11;
	v60 =	vld [tilespmem:$0x1FDD0]  }
0xb5: {  	v7 =	vadd.f32 v12, v9;
	v12 =	vor.u32 v42, v28;
	v2 =	vadd.f32 v17, v2;
	v17 =	vld.idx.msk [tilespmem:v25+s15+$0x0], $0xffff  }
0xb6: {  	v36 =	vmul.f32 v20, v23;
	v10 =	vmul.f32 v10, v23;
	v24 =	vor.u32 v50, v28;
	v16 =	vld.idx.msk [tilespmem:v1+s18+$0x0], $0xffff  }
0xb7: {  	v8 =	vmul.f32 v8, v58;
	v3 =	vadd.f32 v27, v3;
	v20 =	vor.u32 v53, v11;
	v1 =	vld.idx.msk [tilespmem:v46+s18+$0x0], $0xffff  }
0xb8: {  	[tilespmem:$0x1FCD0] =	vst v32;
	v19 =	vmul.f32 v19, v23;
	v22 =	vadd.f32 v22, v61;
	v46 =	vld [tilespmem:$0x1FE40]  }
0xb9: {  	v30 =	vor.u32 v49, v28;
	v4 =	vadd.f32 v8, v4;
	v3 =	vadd.f32 v10, v3;
	v9 =	vld.idx.msk [tilespmem:v35+s18+$0x0], $0xffff  }
0xba: {  	v8 =	vadd.f32 v36, v22;
	v10 =	vmul.f32 v39, v43;
	v32 =	vor.u32 v41, v11;
	v36 =	vld.idx.msk [tilespmem:v12+s18+$0x0], $0xffff  }
0xbb: {  	v37 =	vor.u32 v40, v11;
	v27 =	vor.u32 v49, v11;
	v3 =	vadd.f32 v6, v3;
	v24 =	vld.idx.msk [tilespmem:v24+s18+$0x0], $0xffff  }
0xbc: {  	[tilespmem:$0x1FD90] =	vst v5;
	v5 =	vmul.f32 v15, v58;
	v15 =	vor.u32 v51, v28;
	v6 =	vld.idx.msk [tilespmem:v20+s18+$0x0], $0xffff  }
0xbd: {  	v2 =	vadd.f32 v0, v2;
	v0 =	vor.u32 v45, v28;
	v20 =	vld.idx.msk [tilespmem:v25+s16+$0x0], $0xffff;
	v25 =	vor.u32 v54, v28  }
0xbe: {  	v48 =	vor.u32 v46, v28;
	[tilespmem:$0x1FD80] =	vst v9;
	v9 =	vadd.f32 v10, v7;
	v10 =	vor.u32 v44, v28;
	v28 =	vld [tilespmem:$0x1FE30]  }
0xbf: {  	v26 =	vor.u32 v54, v29;
	v23 =	vld.idx.msk [tilespmem:v32+s15+$0x0], $0xffff;
	[tilespmem:$0x1FD50] =	vst v1;
	v1 =	vor.u32 v42, v11  }
0xc0: {  	v27 =	vld.idx.msk [tilespmem:v27+s18+$0x0], $0xffff  }
0xc1: {  	v7 =	vld.idx.msk [tilespmem:v32+s16+$0x0], $0xffff  }
0xc2: {  	v4 =	vadd.f32 v19, v4;
	[tilespmem:$0x1FD70] =	vst v1;
	v1 =	vmov v47;
	v47 =	vld.idx.msk [tilespmem:v37+s18+$0x0], $0xffff  }
0xc3: {  	v3 =	vadd.f32 v52, v3;
	v12 =	vld.idx.msk [tilespmem:v48+s18+$0x0], $0xffff;
	v8 =	vadd.f32 v28, v8  }
0xc4: {  	v35 =	vor.u32 v40, v29;
	v37 =	vor.u32 v41, v29;
	v48 =	vld.idx.msk [tilespmem:v26+s18+$0x0], $0xffff;
	v28 =	vmov s20  }
0xc5: {  	v52 =	vor.u32 v46, v29;
	v19 =	vand.u32 $0x3C, v28;
	v61 =	vadd.f32 v57, v8;
	v8 =	vld [tilespmem:$0x1FDB0]  }
0xc6: {  	v32 =	vor.u32 v49, v29;
	v28 =	vor.u32 v45, v29;
	v29 =	vbroadcast v19, $0x0;
	v19 =	vld.idx.msk [tilespmem:v30+s18+$0x0], $0xffff  }
0xc7: {  	v26 =	vmul.f32 v33, v43;
	v33 =	vmul.f32 v7, v23;
	v7 =	vld [tilespmem:$0x1FE50]  }
0xc8: {  	v5 =	vadd.f32 v5, v56;
	v25 =	vld.idx.msk [tilespmem:v25+s18+$0x0], $0xffff  }
0xc9: {  	v21 =	vmul.f32 v21, v58;
	v39 =	vld.idx.msk [tilespmem:v37+s15+$0x0], $0xffff  }
0xca: {  	v55 =	vadd.f32 v55, v14;
	v6 =	vmul.f32 v6, v23;
	v57 =	vld.idx.msk [tilespmem:v10+s18+$0x0], $0xffff;
	v5 =	vadd.f32 v8, v5  }
0xcb: {  	v10 =	vor.u32 v46, v11;
	v14 =	vor.u32 v46, v29;
	v46 =	vmul.f32 v19, v17;
	v19 =	vld [tilespmem:$0x1FCC0]  }
0xcc: {  	v5 =	vadd.f32 v7, v5;
	v7 =	vld [tilespmem:$0x1FCA0]  }
0xcd: {  	v8 =	vmov v6;
	v6 =	vadd.f32 v21, v63;
	v63 =	vld [tilespmem:$0x1FCD0]  }
0xce: {  	v38 =	vmul.f32 v47, v23;
	v47 =	vld.idx.msk [tilespmem:v0+s18+$0x0], $0xffff  }
0xcf: {  	v4 =	vadd.f32 v59, v4;
	v43 =	vor.u32 v45, v29;
	v28 =	vld.idx.msk [tilespmem:v28+s18+$0x0], $0xffff  }
0xd0: {  	v45 =	vor.u32 v44, v29;
	v59 =	vor.u32 v42, v29;
	v42 =	vmul.f32 v13, v39;
	v13 =	vld [tilespmem:$0x1FCB0]  }
0xd1: {  	v0 =	vmul.f32 v31, v39;
	v31 =	vld [tilespmem:$0x1FCF0];
	v21 =	vor.u32 v41, v29;
	v56 =	vadd.f32 v7, v5  }
0xd2: {  	v7 =	vor.u32 v44, v11;
	v44 =	vmul.f32 v27, v23;
	v27 =	vld.idx.msk [tilespmem:v32+s18+$0x0], $0xffff;
	v32 =	vadd.f32 v19, v63  }
0xd3: {  	v41 =	vld.idx.msk [tilespmem:v15+s18+$0x0], $0xffff  }
0xd4: {  	v32 =	vadd.f32 v1, v32;
	v1 =	vld [tilespmem:$0x1FD00]  }
0xd5: {  	[tilespmem:$0x1FE10] =	vst v0;
	v0 =	vld [tilespmem:$0x1FCE0]  }
0xd6: {  	v15 =	vor.u32 v53, v29;
	v53 =	vmul.f32 v34, v17;
	v34 =	vmov v46;
	v46 =	vld [tilespmem:$0x1FD80]  }
0xd7: {  	v6 =	vadd.f32 v60, v6;
	v58 =	vld.idx.msk [tilespmem:v21+s15+$0x0], $0xffff  }
0xd8: {  	v21 =	vld.idx.msk [tilespmem:v21+s16+$0x0], $0xffff  }
0xd9: {  	v4 =	vadd.f32 v13, v4;
	v13 =	vor.u32 v40, v29;
	v40 =	vadd.f32 v1, v6;
	v1 =	vld [tilespmem:$0x1FD10]  }
0xda: {  	v0 =	vadd.f32 v31, v0;
	v31 =	vld.idx.msk [tilespmem:v35+s18+$0x0], $0xffff  }
0xdb: {  	v49 =	vor.u32 v49, v29;
	v5 =	vld.idx.msk [tilespmem:v52+s18+$0x0], $0xffff  }
0xdc: {  	[tilespmem:$0x1FDB0] =	vst v8;
	v8 =	vor.u32 v51, v29;
	v19 =	vor.u32 v51, v11;
	v51 =	vld.idx.msk [tilespmem:v43+s18+$0x0], $0xffff  }
0xdd: {  	v6 =	vmul.f32 v12, v17;
	v12 =	vmul.f32 v18, v17;
	v18 =	vld [tilespmem:$0x1FD50]  }
0xde: {  	v30 =	vor.u32 v50, v29;
	v29 =	vor.u32 v54, v29;
	v0 =	vadd.f32 v1, v0;
	v1 =	vld [tilespmem:$0x1FD20]  }
0xdf: {  	v63 =	vadd.f32 v26, v40;
	v26 =	vld.idx.msk [tilespmem:v13+s18+$0x0], $0xffff  }
0xe0: {  	[tilespmem:$0x1FE50] =	vst v12;
	v12 =	vld [tilespmem:$0x1FD40]  }
0xe1: {  	v52 =	vmul.f32 v5, v39;
	v13 =	vld.idx.msk [tilespmem:v49+s18+$0x0], $0xffff  }
0xe2: {  	v22 =	vor.u32 v54, v11;
	v5 =	vmul.f32 v57, v17;
	v57 =	vmul.f32 v18, v39;
	v18 =	vld [tilespmem:$0x1FD60]  }
0xe3: {  	v32 =	vadd.f32 v1, v32;
	v1 =	vmul.f32 v24, v17;
	v24 =	vld.idx.msk [tilespmem:v29+s18+$0x0], $0xffff  }
0xe4: {  	v60 =	vmul.f32 v16, v39;
	v11 =	vor.u32 v50, v11;
	v29 =	vmul.f32 v20, v17;
	v20 =	vld [tilespmem:$0x1FD90]  }
0xe5: {  	p0 =	slt.u32 s19, $0x3C;
	v40 =	vmul.f32 v28, v39;
	v28 =	vmul.f32 v51, v58;
	v35 =	vadd.f32 v12, v55;
	[tilespmem:$0x1FE30] =	vst v1;
	v1 =	vld [tilespmem:$0x1FD30]  }
.Ltmp0:
0xe6: {  	v12 =	vmul.f32 v25, v17;
	v55 =	vmul.f32 v47, v17;
	v25 =	vmovc v33;
	v47 =	vmov v44;
	v44 =	vld [tilespmem:$0x1FD70];
	(pc) =	sbr.rel @p0 .LBB2_3-.Ltmp0, $4  }
0xe7: {  	v31 =	vmul.f32 v31, v39;
	v16 =	vmul.f32 v27, v39;
	[tilespmem:$0x1FDD0] =	vst v25;
	v25 =	vld.idx.msk [tilespmem:v22+s18+$0x0], $0xffff  }
0xe8: {  	v43 =	vmovc v39;
	v39 =	vmov v48;
	v27 =	vmul.f32 v26, v58;
	v22 =	vld.idx.msk [tilespmem:v30+s18+$0x0], $0xffff;
	v26 =	vadd.f32 v28, v35  }
0xe9: {  	s21 =	sadd.s32 $0x4, s19;
	v32 =	vadd.f32 v18, v32;
	v18 =	vld.idx.msk [tilespmem:v59+s18+$0x0], $0xffff;
	v59 =	vmul.f32 v41, v17;
	v17 =	vmul.f32 v36, v17  }
0xea: {  	s19 =	smov.u32 s21;
	v48 =	vmovc v42;
	v30 =	vmul.f32 v20, v43;
	v1 =	vadd.f32 v1, v0;
	v0 =	vld.idx.msk [tilespmem:v45+s18+$0x0], $0xffff;
	v45 =	vmov v38  }
0xeb: {  	_ =	sdelay $0x3  }
0xec: {  	v14 =	vld.idx.msk [tilespmem:v14+s18+$0x0], $0xffff  }
0xed: {  	v7 =	vld.idx.msk [tilespmem:v7+s18+$0x0], $0xffff  }
0xee: {  	v10 =	vld.idx.msk [tilespmem:v10+s18+$0x0], $0xffff;
	_ =	sdelay $0x1  }
0xef: {  	v0 =	vmul.f32 v0, v58  }
0xf0: {  	v14 =	vmul.f32 v14, v58  }
0xf1: {  	v11 =	vld.idx.msk [tilespmem:v11+s18+$0x0], $0xffff;
	v7 =	vmul.f32 v7, v23;
	v0 =	vadd.f32 v0, v62  }
0xf2: {  	v18 =	vmul.f32 v18, v58;
	v10 =	vmul.f32 v10, v23;
	v3 =	vadd.f32 v14, v3  }
0xf3: {  	v0 =	vadd.f32 v7, v0  }
0xf4: {  	v2 =	vadd.f32 v18, v2;
	v18 =	vmul.f32 v22, v58;
	v3 =	vadd.f32 v10, v3  }
0xf5: {  	v28 =	vld.idx.msk [tilespmem:v44+s18+$0x0], $0xffff;
	v24 =	vmul.f32 v24, v58;
	v0 =	vadd.f32 v5, v0  }
0xf6: {  	v8 =	vld.idx.msk [tilespmem:v8+s18+$0x0], $0xffff;
	v5 =	vmul.f32 v11, v23;
	v3 =	vadd.f32 v6, v3;
	v6 =	vadd.f32 v18, v61  }
0xf7: {  	v10 =	vld.idx.msk [tilespmem:v19+s18+$0x0], $0xffff  }
0xf8: {  	v25 =	vmul.f32 v25, v23;
	v9 =	vadd.f32 v24, v9;
	v5 =	vadd.f32 v5, v6;
	v6 =	vld [tilespmem:$0x1FDD0]  }
0xf9: {  	v7 =	vmul.f32 v21, v58  }
0xfa: {  	v9 =	vadd.f32 v25, v9;
	v14 =	vmul.f32 v28, v23  }
0xfb: {  	v7 =	vadd.f32 v7, v63;
	v11 =	vld [tilespmem:$0x1FE10]  }
0xfc: {  	v20 =	vmul.f32 v46, v23;
	v9 =	vadd.f32 v12, v9;
	v12 =	vld.idx.msk [tilespmem:v37+s16+$0x0], $0xffff;
	v2 =	vadd.f32 v14, v2  }
0xfd: {  	v8 =	vmul.f32 v8, v58;
	v6 =	vadd.f32 v6, v7;
	v7 =	vmul.f32 v10, v23;
	v10 =	vld [tilespmem:$0x1FE30]  }
0xfe: {  	v1 =	vadd.f32 v27, v1;
	v2 =	vadd.f32 v17, v2  }
0xff: {  	v15 =	vld.idx.msk [tilespmem:v15+s18+$0x0], $0xffff;
	v20 =	vadd.f32 v20, v26;
	v4 =	vadd.f32 v8, v4  }
0x100: {  	v1 =	vadd.f32 v45, v1;
	v2 =	vadd.f32 v11, v2  }
0x101: {  	v11 =	vmul.f32 v13, v58;
	v4 =	vadd.f32 v7, v4;
	v7 =	vadd.f32 v55, v20  }
0x102: {  	v6 =	vadd.f32 v29, v6;
	v5 =	vadd.f32 v10, v5;
	v10 =	vmul.f32 v12, v43  }
0x103: {  	v1 =	vadd.f32 v53, v1;
	v14 =	vld [tilespmem:$0x1FDA0];
	v7 =	vadd.f32 v40, v7  }
0x104: {  	s0 =	sshll.u32 s0, $0x5;
	v8 =	vmul.f32 v15, v58;
	v6 =	vadd.f32 v10, v6;
	v10 =	vadd.f32 v11, v32;
	v11 =	vld [tilespmem:$0x1FDB0]  }
0x105: {  	[tilespmem:s0+$0x19600] =	vst v2;
	v2 =	vld [tilespmem:$0x1FF50]  }
0x106: {  	v1 =	vadd.f32 v31, v1;
	v8 =	vadd.f32 v8, v56;
	[tilespmem:s0+$0x18E00] =	vst v7;
	v7 =	vld [tilespmem:$0x1FE50]  }
0x107: {  	v0 =	vadd.f32 v60, v0;
	v3 =	vadd.f32 v52, v3  }
0x108: {  	v4 =	vadd.f32 v59, v4;
	v5 =	vadd.f32 v57, v5;
	[tilespmem:s0+$0x18C00] =	vst v6;
	v6 =	vmul.f32 v39, v43  }
0x109: {  	[tilespmem:s0+$0x19800] =	vst v1;
	v1 =	vld [tilespmem:$0x1FF60];
	v10 =	vadd.f32 v47, v10;
	v8 =	vadd.f32 v11, v8  }
0x10a: {  	s19 =	simm.s32 $0x3;
	[tilespmem:s0+$0x19200] =	vst v3;
	v26 =	vadd.s32 v2, v14;
	v4 =	vadd.f32 v48, v4;
	v2 =	vadd.f32 v6, v9;
	v6 =	vld [tilespmem:$0x1FFC0]  }
0x10b: {  	[tilespmem:s0+$0x19000] =	vst v5;
	v5 =	vmov s19;
	v7 =	vadd.f32 v7, v8;
	v8 =	vadd.f32 v34, v10  }
0x10c: {  	s24 =	simm.s32 $0x1;
	[tilespmem:s0+$0x19A00] =	vst v4;
	v4 =	vld [tilespmem:$0x1FF70];
	v3 =	vand.u32 $0x3F, v5  }
0x10d: {  	v19 =	vld [tilespmem:$0x1FDC0];
	[tilespmem:s0+$0x19400] =	vst v0;
	v0 =	vmov s24;
	v11 =	vbroadcast v3, $0x0;
	v3 =	vadd.f32 v16, v8  }
0x10e: {  	s25 =	simm.s32 $0x2;
	v27 =	vadd.s32 v1, v14;
	v0 =	vand.u32 $0x3D, v0;
	v10 =	vld [tilespmem:$0x1FF80]  }
0x10f: {  	v0 =	vbroadcast v0, $0x0;
	v61 =	vadd.s32 v6, v14;
	v6 =	vmov s25;
	[tilespmem:s0+$0x19C00] =	vst v3;
	v3 =	vld [tilespmem:$0x1FF90]  }
0x110: {  	v1 =	vor.u32 v26, v11;
	v5 =	vadd.f32 v30, v7;
	v6 =	vand.u32 $0x3E, v6  }
0x111: {  	v29 =	vadd.s32 v4, v14;
	v4 =	vor.u32 v27, v11;
	v6 =	vbroadcast v6, $0x0  }
0x112: {  	[tilespmem:s0+$0x1A000] =	vst v5;
	v5 =	vor.u32 v27, v0  }
0x113: {  	v33 =	vadd.s32 v10, v14;
	v10 =	vor.u32 v19, v6  }
0x114: {  	[tilespmem:s0+$0x19E00] =	vst v2;
	v30 =	vadd.s32 v3, v14;
	v3 =	vor.u32 v29, v0  }
0x115: {  	v1 =	vld.idx.msk [tilespmem:v1+s18+$0x0], $0xffff  }
0x116: {  	v42 =	vld.idx.msk [tilespmem:v4+s18+$0x0], $0xffff;
	v2 =	vor.u32 v30, v11  }
0x117: {  	v12 =	vld.idx.msk [tilespmem:v5+s18+$0x0], $0xffff;
	v5 =	vor.u32 v61, v6  }
0x118: {  	v28 =	vld.idx.msk [tilespmem:v10+s15+$0x0], $0xffff  }
0x119: {  	v9 =	vld.idx.msk [tilespmem:v3+s18+$0x0], $0xffff;
	v3 =	vor.u32 v30, v0  }
0x11a: {  	v10 =	vld [tilespmem:$0x1FFA0]  }
0x11b: {  	v15 =	vld.idx.msk [tilespmem:v2+s18+$0x0], $0xffff;
	v2 =	vor.u32 v29, v6  }
0x11c: {  	v17 =	vld.idx.msk [tilespmem:v5+s18+$0x0], $0xffff  }
0x11d: {  	v8 =	vor.u32 v61, v11;
	v5 =	vld [tilespmem:$0x1FFF0]  }
0x11e: {  	v4 =	vor.u32 v19, v0;
	v25 =	vld.idx.msk [tilespmem:v3+s18+$0x0], $0xffff  }
0x11f: {  	v22 =	vor.u32 v29, v11;
	v3 =	vld [tilespmem:$0x1FFB0]  }
0x120: {  	v24 =	vor.u32 v19, v11;
	v13 =	vld.idx.msk [tilespmem:v2+s18+$0x0], $0xffff  }
0x121: {  	v7 =	vor.u32 v26, v0;
	v2 =	vld [tilespmem:$0x1FFD0]  }
0x122: {  	v16 =	vld.idx.msk [tilespmem:v8+s18+$0x0], $0xffff;
	v8 =	vor.u32 v33, v0  }
0x123: {  	v18 =	vld.idx.msk [tilespmem:v4+s15+$0x0], $0xffff;
	v4 =	vor.u32 v26, v6;
	v39 =	vadd.s32 v10, v14  }
0x124: {  	v22 =	vld.idx.msk [tilespmem:v22+s18+$0x0], $0xffff;
	v62 =	vor.u32 v39, v0  }
0x125: {  	v48 =	vld.idx.msk [tilespmem:v24+s15+$0x0], $0xffff;
	v35 =	vadd.s32 v3, v14;
	v3 =	vor.u32 v30, v6  }
0x126: {  	v7 =	vld.idx.msk [tilespmem:v7+s18+$0x0], $0xffff;
	v38 =	vadd.s32 v5, v14;
	v36 =	vadd.s32 v2, v14;
	v2 =	vor.u32 v35, v0  }
0x127: {  	v8 =	vld.idx.msk [tilespmem:v8+s18+$0x0], $0xffff;
	v10 =	vor.u32 v38, v0  }
0x128: {  	v4 =	vld.idx.msk [tilespmem:v4+s18+$0x0], $0xffff;
	v63 =	vor.u32 v38, v11  }
0x129: {  	v20 =	vor.u32 v33, v11;
	v34 =	vld.idx.msk [tilespmem:v62+s18+$0x0], $0xffff  }
0x12a: {  	s26 =	simm.s32 $0x0;
	[tilespmem:$0x1FC90] =	vst v27;
	v21 =	vor.u32 v36, v11;
	v43 =	vld.idx.msk [tilespmem:v3+s18+$0x0], $0xffff  }
0x12b: {  	[tilespmem:$0x1FC10] =	vst v29;
	v5 =	vor.u32 v36, v0;
	v3 =	vld.idx.msk [tilespmem:v2+s18+$0x0], $0xffff;
	v2 =	vmov s26  }
0x12c: {  	[tilespmem:$0x1FC40] =	vst v61;
	v50 =	vor.u32 v27, v6;
	v14 =	vor.u32 v39, v11;
	v31 =	vld.idx.msk [tilespmem:v10+s18+$0x0], $0xffff;
	v2 =	vand.u32 $0x3C, v2  }
0x12d: {  	[tilespmem:$0x1FC60] =	vst v33;
	v57 =	vmul.f32 v12, v18;
	v55 =	vld.idx.msk [tilespmem:v63+s18+$0x0], $0xffff;
	v0 =	vor.u32 v61, v0;
	v51 =	vbroadcast v2, $0x0  }
0x12e: {  	v52 =	vor.u32 v39, v6;
	v44 =	vmul.f32 v9, v18;
	v9 =	vmul.f32 v7, v18;
	v2 =	vld.idx.msk [tilespmem:v20+s18+$0x0], $0xffff  }
0x12f: {  	[tilespmem:$0x1FC30] =	vst v30;
	v7 =	vimm.f32 $0.0e+00;
	v53 =	vor.u32 v35, v6;
	v20 =	vld.idx.msk [tilespmem:v21+s18+$0x0], $0xffff;
	v21 =	vor.u32 v19, v51  }
0x130: {  	v10 =	vor.u32 v38, v6;
	v46 =	vmul.f32 v13, v28;
	v23 =	vld.idx.msk [tilespmem:v5+s18+$0x0], $0xffff;
	v41 =	vor.u32 v29, v51  }
0x131: {  	v60 =	vor.u32 v35, v11;
	v11 =	vor.u32 v33, v6;
	v5 =	vld.idx.msk [tilespmem:v14+s18+$0x0], $0xffff;
	v40 =	vor.u32 v26, v51  }
0x132: {  	[tilespmem:$0x1FC80] =	vst v39;
	v14 =	vimm.f32 $0.0e+00;
	v0 =	vld.idx.msk [tilespmem:v0+s18+$0x0], $0xffff;
	v59 =	vor.u32 v38, v51;
	v47 =	vor.u32 v30, v51  }
0x133: {  	v24 =	vor.u32 v36, v51;
	v37 =	vor.u32 v33, v51;
	v33 =	vmul.f32 v1, v48;
	v1 =	vld.idx.msk [tilespmem:v52+s18+$0x0], $0xffff  }
0x134: {  	v29 =	vmul.f32 v17, v28;
	v17 =	vmul.f32 v4, v28;
	v56 =	vor.u32 v61, v51;
	v45 =	vld.idx.msk [tilespmem:v21+s15+$0x0], $0xffff  }
0x135: {  	v4 =	vmul.f32 v25, v18;
	v30 =	vmul.f32 v16, v48;
	v61 =	vor.u32 v39, v51;
	v19 =	vld.idx.msk [tilespmem:v41+s18+$0x0], $0xffff  }
0x136: {  	[tilespmem:$0x1FC50] =	vst v35;
	v16 =	vimm.f32 $0.0e+00;
	v39 =	vimm.f32 $0.0e+00;
	v13 =	vmul.f32 v23, v18;
	v23 =	vld.idx.msk [tilespmem:v40+s18+$0x0], $0xffff  }
0x137: {  	v49 =	vmul.f32 v3, v18;
	v3 =	vmul.f32 v31, v18;
	v21 =	vor.u32 v35, v51;
	v12 =	vld.idx.msk [tilespmem:v47+s18+$0x0], $0xffff  }
0x138: {  	[tilespmem:$0x1FC70] =	vst v36;
	v52 =	vimm.f32 $0.0e+00;
	v31 =	vmul.f32 v22, v48;
	v41 =	vmul.f32 v20, v48;
	v54 =	vld.idx.msk [tilespmem:v37+s18+$0x0], $0xffff  }
0x139: {  	v40 =	vmul.f32 v34, v18;
	v34 =	vmul.f32 v8, v18;
	v8 =	vor.u32 v36, v6;
	v22 =	vld.idx.msk [tilespmem:v24+s18+$0x0], $0xffff  }
0x13a: {  	v35 =	vmul.f32 v0, v18;
	v36 =	vmul.f32 v15, v48;
	v20 =	vld.idx.msk [tilespmem:v56+s18+$0x0], $0xffff;
	v24 =	vor.u32 v27, v51  }
0x13b: {  	[tilespmem:$0x1FC00] =	vst v26;
	v56 =	vimm.f32 $0.0e+00;
	v0 =	vimm.f32 $0.0e+00;
	v15 =	vimm.f32 $0.0e+00;
	v18 =	vld.idx.msk [tilespmem:v53+s18+$0x0], $0xffff  }
0x13c: {  	s19 =	simm.s32 $0x4;
	[tilespmem:$0x1FC20] =	vst v38;
	v6 =	vimm.f32 $0.0e+00;
	v53 =	vimm.f32 $0.0e+00;
	v62 =	vmul.f32 v19, v45;
	v21 =	vld.idx.msk [tilespmem:v21+s18+$0x0], $0xffff  }
.LBB2_5:
0x13d: {  	v19 =	vmul.f32 v55, v48  }
0x13e: {  	[tilespmem:$0x1FAF0] =	vst v41  }
0x13f: {  	s21 =	sadd.s32 $0x3, s19;
	s20 =	smov.u32 s19;
	v2 =	vmul.f32 v2, v48;
	v37 =	vld [tilespmem:$0x1FC00];
	[tilespmem:$0x1FAC0] =	vst v19;
	v19 =	vmul.f32 v5, v48;
	v5 =	vmov v17  }
0x140: {  	s25 =	sadd.s32 $0x1, s20;
	v41 =	vld [tilespmem:$0x1FC10];
	[tilespmem:$0x1FB70] =	vst v5;
	v5 =	vmov s21;
	v17 =	vmul.f32 v42, v48  }
0x141: {  	v59 =	vld.idx.msk [tilespmem:v59+s18+$0x0], $0xffff;
	[tilespmem:$0x1FBE0] =	vst v2;
	v2 =	vmov s25;
	v5 =	vand.u32 $0x3F, v5;
	v1 =	vmul.f32 v1, v28  }
0x142: {  	v10 =	vld.idx.msk [tilespmem:v10+s18+$0x0], $0xffff;
	v2 =	vand.u32 $0x3D, v2;
	[tilespmem:$0x1FAD0] =	vst v17;
	v17 =	vmul.f32 v20, v45;
	v20 =	vbroadcast v5, $0x0  }
0x143: {  	v24 =	vld.idx.msk [tilespmem:v24+s18+$0x0], $0xffff;
	v2 =	vbroadcast v2, $0x0  }
0x144: {  	v55 =	vld.idx.msk [tilespmem:v60+s18+$0x0], $0xffff;
	[tilespmem:$0x1FB20] =	vst v1;
	v1 =	vor.u32 v37, v20  }
0x145: {  	v63 =	vor.u32 v41, v2;
	[tilespmem:$0x1FAE0] =	vst v17;
	v17 =	vadd.f32 v62, v14;
	v14 =	vmov v39;
	v39 =	vld [tilespmem:$0x1FC30]  }
0x146: {  	v8 =	vld.idx.msk [tilespmem:v8+s18+$0x0], $0xffff  }
0x147: {  	[tilespmem:$0x1FB00] =	vst v40;
	v40 =	vld [tilespmem:$0x1FC40]  }
0x148: {  	v42 =	vld [tilespmem:$0x1FC90]  }
0x149: {  	[tilespmem:$0x1FB60] =	vst v19;
	v1 =	vld.idx.msk [tilespmem:v1+s18+$0x0], $0xffff  }
0x14a: {  	v19 =	vmul.f32 v43, v28;
	v43 =	vmul.f32 v18, v28;
	v18 =	vld.idx.msk [tilespmem:v63+s18+$0x0], $0xffff;
	v26 =	vor.u32 v39, v20  }
0x14b: {  	v5 =	vmul.f32 v23, v45;
	v23 =	vld.idx.msk [tilespmem:v61+s18+$0x0], $0xffff  }
0x14c: {  	[tilespmem:$0x1FB10] =	vst v46;
	v22 =	vmul.f32 v22, v45;
	s26 =	sadd.s32 $0x2, s20;
	v61 =	vmov v36;
	v36 =	vld [tilespmem:$0x1FDC0]  }
0x14d: {  	[tilespmem:$0x1FB90] =	vst v30;
	v12 =	vmul.f32 v12, v45;
	v11 =	vld.idx.msk [tilespmem:v11+s18+$0x0], $0xffff;
	v38 =	vmov s26;
	v30 =	vor.u32 v40, v20  }
0x14e: {  	v50 =	vld.idx.msk [tilespmem:v50+s18+$0x0], $0xffff;
	[tilespmem:$0x1FBF0] =	vst v1;
	v1 =	vand.u32 $0x3E, v38  }
0x14f: {  	v12 =	vadd.f32 v12, v56;
	v0 =	vadd.f32 v22, v0;
	[tilespmem:$0x1FB40] =	vst v18;
	v18 =	vbroadcast v1, $0x0;
	v1 =	vld.idx.msk [tilespmem:v26+s18+$0x0], $0xffff  }
0x150: {  	v46 =	vld [tilespmem:$0x1FC50];
	[tilespmem:$0x1FBC0] =	vst v33;
	v27 =	vmul.f32 v21, v45;
	v21 =	vmul.f32 v24, v45;
	v33 =	vor.u32 v42, v20  }
0x151: {  	v58 =	vld [tilespmem:$0x1FC70];
	v0 =	vadd.f32 v13, v0;
	v8 =	vmul.f32 v8, v28;
	v51 =	vor.u32 v36, v2  }
0x152: {  	v4 =	vadd.f32 v4, v12;
	v13 =	vmul.f32 v10, v28;
	v15 =	vadd.f32 v21, v15;
	v21 =	vld.idx.msk [tilespmem:v30+s18+$0x0], $0xffff  }
0x153: {  	v24 =	vor.u32 v37, v2;
	v7 =	vadd.f32 v27, v7;
	v0 =	vadd.f32 v8, v0;
	v38 =	vld [tilespmem:$0x1FC20]  }
0x154: {  	v47 =	vld [tilespmem:$0x1FC60];
	v30 =	vmul.f32 v55, v48;
	v8 =	vor.u32 v39, v18;
	[tilespmem:$0x1FBD0] =	vst v1;
	v1 =	vmul.f32 v11, v28  }
0x155: {  	v48 =	vor.u32 v46, v2;
	v22 =	vld.idx.msk [tilespmem:v33+s18+$0x0], $0xffff;
	v11 =	vmul.f32 v50, v28;
	v28 =	vmul.f32 v59, v45  }
0x156: {  	v4 =	vadd.f32 v19, v4;
	v55 =	vor.u32 v58, v2;
	v62 =	vld.idx.msk [tilespmem:v51+s15+$0x0], $0xffff  }
0x157: {  	[tilespmem:$0x1FB30] =	vst v29;
	v25 =	vor.u32 v40, v2;
	v7 =	vadd.f32 v49, v7;
	v50 =	vld [tilespmem:$0x1FC80];
	v6 =	vadd.f32 v28, v6  }
0x158: {  	v5 =	vadd.f32 v5, v16;
	v56 =	vor.u32 v38, v20;
	[tilespmem:$0x1FB50] =	vst v1;
	v1 =	vld.idx.msk [tilespmem:v24+s18+$0x0], $0xffff  }
0x159: {  	v29 =	vor.u32 v42, v2;
	v24 =	vor.u32 v36, v18;
	v51 =	vld.idx.msk [tilespmem:v8+s18+$0x0], $0xffff;
	v3 =	vadd.f32 v3, v6  }
0x15a: {  	v15 =	vadd.f32 v57, v15;
	v7 =	vadd.f32 v43, v7;
	[tilespmem:$0x1FB80] =	vst v22;
	v8 =	vld.idx.msk [tilespmem:v48+s18+$0x0], $0xffff;
	v6 =	vmov s20  }
0x15b: {  	v22 =	vmovc v31;
	v31 =	vor.u32 v40, v18;
	v6 =	vand.u32 $0x3C, v6;
	v3 =	vadd.f32 v13, v3;
	v13 =	vld.idx.msk [tilespmem:v55+s18+$0x0], $0xffff  }
0x15c: {  	v9 =	vadd.f32 v9, v5;
	v43 =	vmovc v35;
	v49 =	vor.u32 v50, v20;
	v35 =	vbroadcast v6, $0x0;
	v6 =	vld [tilespmem:$0x1FAC0]  }
0x15d: {  	v23 =	vmul.f32 v23, v45;
	v48 =	vor.u32 v58, v20;
	v63 =	vor.u32 v50, v18;
	v55 =	vld.idx.msk [tilespmem:v56+s18+$0x0], $0xffff  }
0x15e: {  	[tilespmem:$0x1FBA0] =	vst v1;
	v1 =	vor.u32 v42, v18;
	v28 =	vld.idx.msk [tilespmem:v24+s15+$0x0], $0xffff;
	v24 =	vor.u32 v36, v20  }
0x15f: {  	v57 =	vor.u32 v50, v2;
	v56 =	vadd.f32 v61, v4;
	v61 =	vor.u32 v50, v35;
	v50 =	vmovc v1;
	v1 =	vld [tilespmem:$0x1FB00]  }
0x160: {  	v10 =	vor.u32 v39, v2;
	v27 =	vor.u32 v38, v2;
	v59 =	vor.u32 v47, v2;
	v2 =	vld.idx.msk [tilespmem:v31+s18+$0x0], $0xffff  }
0x161: {  	v32 =	vor.u32 v41, v18;
	v31 =	vor.u32 v41, v20;
	v5 =	vld.idx.msk [tilespmem:v49+s18+$0x0], $0xffff;
	v6 =	vadd.f32 v6, v3  }
0x162: {  	v3 =	vadd.f32 v44, v17;
	v44 =	vor.u32 v41, v35;
	v41 =	vld.idx.msk [tilespmem:v48+s18+$0x0], $0xffff;
	v17 =	vadd.f32 v23, v14  }
0x163: {  	v48 =	vld.idx.msk [tilespmem:v24+s15+$0x0], $0xffff  }
0x164: {  	v24 =	vadd.f32 v1, v17;
	v1 =	vld [tilespmem:$0x1FB10]  }
0x165: {  	v49 =	vmul.f32 v8, v62;
	v8 =	vld [tilespmem:$0x1FAD0];
	_ =	sdelay $0x2  }
0x166: {  	v11 =	vadd.f32 v11, v15;
	v19 =	vld.idx.msk [tilespmem:v31+s18+$0x0], $0xffff  }
0x167: {  	v31 =	vadd.f32 v1, v3;
	v1 =	vld [tilespmem:$0x1FB20]  }
0x168: {  	v60 =	vor.u32 v47, v20;
	v15 =	vadd.f32 v8, v11;
	v8 =	vld [tilespmem:$0x1FAE0]  }
0x169: {  	[tilespmem:$0x1FBB0] =	vst v21;
	v21 =	vld.idx.msk [tilespmem:v10+s18+$0x0], $0xffff  }
0x16a: {  	v27 =	vld.idx.msk [tilespmem:v27+s18+$0x0], $0xffff  }
0x16b: {  	v16 =	vld.idx.msk [tilespmem:v59+s18+$0x0], $0xffff  }
0x16c: {  	v10 =	vor.u32 v38, v18;
	v59 =	vor.u32 v38, v35;
	v24 =	vadd.f32 v1, v24;
	v1 =	vld [tilespmem:$0x1FB30]  }
0x16d: {  	v38 =	vmul.f32 v2, v28;
	v2 =	vld.idx.msk [tilespmem:v60+s18+$0x0], $0xffff;
	v60 =	vor.u32 v46, v20;
	v20 =	vadd.f32 v8, v53;
	_ =	sdelay $0x1  }
0x16e: {  	v20 =	vadd.f32 v43, v20  }
0x16f: {  	v29 =	vld.idx.msk [tilespmem:v29+s18+$0x0], $0xffff  }
0x170: {  	v3 =	vmul.f32 v27, v62;
	v27 =	vadd.f32 v1, v20;
	v1 =	vld [tilespmem:$0x1FB40];
	_ =	sdelay $0x2  }
0x171: {  	v4 =	vld.idx.msk [tilespmem:v57+s18+$0x0], $0xffff  }
0x172: {  	v45 =	vmul.f32 v54, v45;
	v57 =	vmul.f32 v29, v62;
	v29 =	vld.idx.msk [tilespmem:v44+s18+$0x0], $0xffff  }
0x173: {  	v33 =	vor.u32 v37, v18;
	v26 =	vor.u32 v46, v18;
	v44 =	vmul.f32 v1, v62;
	v1 =	vld [tilespmem:$0x1FB50]  }
0x174: {  	v11 =	vor.u32 v47, v18;
	v8 =	vor.u32 v58, v18;
	v18 =	vadd.f32 v45, v52;
	_ =	sdelay $0x1  }
0x175: {  	v12 =	vor.u32 v36, v35;
	v18 =	vadd.f32 v34, v18  }
0x176: {  	v39 =	vor.u32 v39, v35  }
0x177: {  	v18 =	vadd.f32 v1, v18;
	v1 =	vld [tilespmem:$0x1FB60];
	_ =	sdelay $0x1  }
0x178: {  	v14 =	vld [tilespmem:$0x1FAF0]  }
0x179: {  	v45 =	vld.idx.msk [tilespmem:v12+s15+$0x0], $0xffff  }
0x17a: {  	v12 =	vld.idx.msk [tilespmem:v39+s18+$0x0], $0xffff  }
0x17b: {  	v39 =	vadd.f32 v1, v24;
	v1 =	vld [tilespmem:$0x1FB70];
	_ =	sdelay $0x3  }
0x17c: {  	v0 =	vadd.f32 v14, v0  }
0x17d: {  	v14 =	vadd.f32 v22, v31;
	v31 =	vmul.f32 v19, v48;
	v19 =	vadd.f32 v1, v9;
	v1 =	vld [tilespmem:$0x1FB90];
	_ =	sdelay $0x4  }
0x17e: {  	v53 =	vadd.f32 v1, v27;
	v1 =	vld [tilespmem:$0x1FBA0];
	_ =	sdelay $0x3  }
0x17f: {  	v7 =	vadd.f32 v30, v7;
	v30 =	vor.u32 v40, v35  }
0x180: {  	v9 =	vmul.f32 v1, v62;
	v1 =	vld [tilespmem:$0x1FBB0];
	_ =	sdelay $0x3  }
0x181: {  	v20 =	vld.idx.msk [tilespmem:v30+s18+$0x0], $0xffff  }
0x182: {  	v30 =	vmul.f32 v1, v48;
	v1 =	vld [tilespmem:$0x1FBC0];
	_ =	sdelay $0x3  }
0x183: {  	v36 =	vor.u32 v58, v35  }
0x184: {  	v34 =	vmul.f32 v16, v62;
	v16 =	vadd.f32 v1, v19;
	v19 =	vld [tilespmem:$0x1FBD0];
	_ =	sdelay $0x3  }
0x185: {  	v54 =	vor.u32 v37, v35;
	v22 =	vld.idx.msk [tilespmem:v36+s18+$0x0], $0xffff  }
0x186: {  	v36 =	vmul.f32 v19, v48;
	v19 =	vld [tilespmem:$0x1FBE0]  }
0x187: {  	v32 =	vld.idx.msk [tilespmem:v32+s18+$0x0], $0xffff;
	v40 =	vor.u32 v47, v35  }
0x188: {  	v25 =	vld.idx.msk [tilespmem:v25+s18+$0x0], $0xffff;
	v37 =	vor.u32 v46, v35  }
0x189: {  	v33 =	vld.idx.msk [tilespmem:v33+s18+$0x0], $0xffff  }
0x18a: {  	v23 =	vld.idx.msk [tilespmem:v54+s18+$0x0], $0xffff  }
0x18b: {  	p0 =	slt.u32 s19, $0x3C;
	v52 =	vadd.f32 v19, v18;
	v19 =	vld [tilespmem:$0x1FBF0]  }
.Ltmp1:
0x18c: {  	v32 =	vmul.f32 v32, v28;
	v54 =	vld.idx.msk [tilespmem:v40+s18+$0x0], $0xffff;
	(pc) =	sbr.rel @p0 .LBB2_5-.Ltmp1, $4  }
0x18d: {  	v40 =	vmul.f32 v4, v62;
	v4 =	vmul.f32 v21, v62;
	v21 =	vld.idx.msk [tilespmem:v37+s18+$0x0], $0xffff  }
0x18e: {  	v13 =	vmul.f32 v13, v62;
	v17 =	vmul.f32 v33, v28;
	v24 =	vor.u32 v42, v35;
	v42 =	vld [tilespmem:$0x1FB80]  }
0x18f: {  	v46 =	vmov v32;
	v41 =	vmul.f32 v41, v48;
	v35 =	vmul.f32 v25, v62;
	v1 =	vld.idx.msk [tilespmem:v63+s18+$0x0], $0xffff  }
0x190: {  	s19 =	sadd.s32 $0x4, s19;
	v43 =	vmovc v51;
	v62 =	vmul.f32 v29, v45;
	v29 =	vmov v38;
	v18 =	vld.idx.msk [tilespmem:v26+s18+$0x0], $0xffff;
	v33 =	vmul.f32 v19, v48  }
0x191: {  	_ =	sdelay $0x3  }
0x192: {  	v19 =	vld.idx.msk [tilespmem:v24+s18+$0x0], $0xffff;
	v25 =	vmul.f32 v55, v48;
	v22 =	vmul.f32 v22, v45  }
0x193: {  	v23 =	vmul.f32 v23, v45;
	v8 =	vld.idx.msk [tilespmem:v8+s18+$0x0], $0xffff;
	v12 =	vmul.f32 v12, v45  }
0x194: {  	v24 =	vld.idx.msk [tilespmem:v59+s18+$0x0], $0xffff;
	v5 =	vmul.f32 v5, v48;
	v2 =	vmul.f32 v2, v48;
	v14 =	vadd.f32 v62, v14  }
0x195: {  	v21 =	vmul.f32 v21, v45;
	v26 =	vmul.f32 v42, v48;
	v0 =	vadd.f32 v22, v0  }
0x196: {  	v10 =	vld.idx.msk [tilespmem:v10+s18+$0x0], $0xffff;
	v12 =	vadd.f32 v12, v56;
	v16 =	vadd.f32 v23, v16;
	v1 =	vmul.f32 v1, v28  }
0x197: {  	v27 =	vld.idx.msk [tilespmem:v50+s18+$0x0], $0xffff;
	v7 =	vadd.f32 v21, v7;
	v18 =	vmul.f32 v18, v28;
	v19 =	vmul.f32 v19, v45  }
0x198: {  	v11 =	vld.idx.msk [tilespmem:v11+s18+$0x0], $0xffff;
	v0 =	vadd.f32 v13, v0;
	v4 =	vadd.f32 v4, v12;
	v8 =	vmul.f32 v8, v28  }
0x199: {  	v22 =	vld.idx.msk [tilespmem:v60+s18+$0x0], $0xffff;
	v7 =	vadd.f32 v49, v7;
	v15 =	vadd.f32 v19, v15;
	v19 =	vmul.f32 v24, v45  }
0x19a: {  	v0 =	vadd.f32 v8, v0;
	v8 =	vadd.f32 v9, v16;
	v9 =	vmul.f32 v20, v45  }
0x19b: {  	v10 =	vmul.f32 v10, v28;
	v13 =	vadd.f32 v57, v15;
	v6 =	vadd.f32 v19, v6;
	v15 =	vld.idx.msk [tilespmem:v61+s18+$0x0], $0xffff  }
0x19c: {  	v7 =	vadd.f32 v18, v7;
	v19 =	vmul.f32 v27, v28;
	v9 =	vadd.f32 v9, v53  }
0x19d: {  	v21 =	vld [tilespmem:$0x1FFE0];
	v11 =	vmul.f32 v11, v28;
	v0 =	vadd.f32 v41, v0;
	v3 =	vadd.f32 v3, v6  }
0x19e: {  	v8 =	vadd.f32 v17, v8;
	v6 =	vmul.f32 v22, v48;
	v12 =	vadd.f32 v19, v13  }
0x19f: {  	v13 =	vadd.f32 v44, v14;
	v3 =	vadd.f32 v10, v3;
	v10 =	vmul.f32 v43, v28  }
0x1a0: {  	v9 =	vadd.f32 v35, v9;
	v6 =	vadd.f32 v6, v7;
	v7 =	vmul.f32 v15, v45  }
0x1a1: {  	v8 =	vadd.f32 v33, v8;
	v4 =	vadd.f32 v10, v4;
	v10 =	vmul.f32 v54, v45  }
0x1a2: {  	s23 =	simm.s32 $0x3;
	[tilespmem:s0+$0x1A600] =	vst v0;
	v0 =	vadd.s32 $0x5180, v21;
	v12 =	vadd.f32 v26, v12;
	v7 =	vadd.f32 v7, v39  }
0x1a3: {  	v22 =	vld [tilespmem:$0x1FDA0];
	v13 =	vadd.f32 v46, v13;
	[tilespmem:s0+$0x1A200] =	vst v8;
	v8 =	vmov s23;
	v10 =	vadd.f32 v10, v52  }
0x1a4: {  	v8 =	vand.u32 $0x3F, v8;
	v4 =	vadd.f32 v36, v4;
	v7 =	vadd.f32 v40, v7  }
0x1a5: {  	s25 =	simm.s32 $0x1;
	v3 =	vadd.f32 v25, v3;
	v8 =	vbroadcast v8, $0x0;
	v10 =	vadd.f32 v34, v10  }
0x1a6: {  	[tilespmem:s0+$0x1AE00] =	vst v4;
	v4 =	vmov s25;
	v1 =	vadd.f32 v1, v7;
	v7 =	vadd.f32 v29, v9  }
0x1a7: {  	s24 =	simm.s32 $0x2;
	v9 =	vadd.f32 v11, v10;
	v10 =	vadd.f32 v31, v13;
	v11 =	vadd.s32 $0x5040, v21  }
0x1a8: {  	s1 =	sor.u32 $0x10, s1;
	v31 =	vadd.s32 v0, v22;
	v0 =	vmov s24;
	v1 =	vadd.f32 v5, v1  }
0x1a9: {  	[tilespmem:s0+$0x1AA00] =	vst v6;
	v5 =	vadd.f32 v30, v7;
	v7 =	vmov s1;
	v30 =	vadd.s32 v11, v22  }
0x1aa: {  	[tilespmem:s0+$0x1A400] =	vst v3;
	v0 =	vand.u32 $0x3E, v0;
	v2 =	vadd.f32 v2, v9;
	v3 =	vshll.u32 v7, $0x6  }
0x1ab: {  	v7 =	vadd.s32 $0x5240, v21;
	v0 =	vbroadcast v0, $0x0;
	[tilespmem:s0+$0x1AC00] =	vst v1;
	v1 =	vor.u32 v31, v8  }
0x1ac: {  	v33 =	vadd.s32 v7, v22;
	[tilespmem:s0+$0x1B000] =	vst v2;
	v2 =	vand.u32 $0x3D, v4;
	v4 =	vor.u32 v30, v8  }
0x1ad: {  	[tilespmem:s0+$0x1B400] =	vst v12;
	v9 =	vadd.s32 $0x5100, v21;
	v6 =	vor.u32 v33, v0  }
0x1ae: {  	[tilespmem:s0+$0x1A800] =	vst v5;
	v5 =	vadd.s32 $0x50C0, v21;
	v60 =	vadd.s32 v9, v22;
	v13 =	vor.u32 v33, v8  }
0x1af: {  	[tilespmem:s0+$0x1B200] =	vst v10;
	v7 =	vld [tilespmem:$0x1FEB0];
	v9 =	vadd.s32 $0x5000, v21;
	v32 =	vadd.s32 v5, v22;
	v19 =	vor.u32 v31, v0  }
0x1b0: {  	v62 =	vadd.s32 v9, v22;
	v9 =	vadd.s32 $0x51C0, v21;
	v5 =	vor.u32 v32, v8;
	v10 =	vld.idx.msk [tilespmem:v1+s18+$0x0], $0xffff  }
0x1b1: {  	v41 =	vadd.s32 v9, v22;
	v63 =	vor.u32 v62, v0;
	v4 =	vld.idx.msk [tilespmem:v4+s18+$0x0], $0xffff  }
0x1b2: {  	v2 =	vbroadcast v2, $0x0;
	v17 =	vor.u32 v41, v0;
	v12 =	vld.idx.msk [tilespmem:v6+s18+$0x0], $0xffff  }
0x1b3: {  	v37 =	vor.u32 v41, v8;
	v28 =	vld.idx.msk [tilespmem:v13+s18+$0x0], $0xffff  }
0x1b4: {  	v11 =	vor.u32 v62, v2;
	v47 =	vld.idx.msk [tilespmem:v19+s18+$0x0], $0xffff  }
0x1b5: {  	v9 =	vor.u32 v33, v2;
	v5 =	vld.idx.msk [tilespmem:v5+s18+$0x0], $0xffff  }
0x1b6: {  	v29 =	vor.u32 v7, v3;
	v3 =	vadd.s32 $0x5140, v21;
	v7 =	vor.u32 v60, v8;
	v39 =	vld.idx.msk [tilespmem:v63+s18+$0x0], $0xffff  }
0x1b7: {  	v61 =	vadd.s32 v3, v22;
	v3 =	vor.u32 v29, v2;
	v17 =	vld.idx.msk [tilespmem:v17+s18+$0x0], $0xffff  }
0x1b8: {  	v40 =	vld.idx.msk [tilespmem:v37+s18+$0x0], $0xffff  }
0x1b9: {  	v1 =	vor.u32 v61, v2;
	v20 =	vld.idx.msk [tilespmem:v11+s18+$0x0], $0xffff  }
0x1ba: {  	v34 =	vor.u32 v29, v8;
	v9 =	vld.idx.msk [tilespmem:v9+s18+$0x0], $0xffff  }
0x1bb: {  	v15 =	vor.u32 v29, v0;
	v7 =	vld.idx.msk [tilespmem:v7+s18+$0x0], $0xffff  }
0x1bc: {  	v24 =	vld.idx.msk [tilespmem:v3+s15+$0x0], $0xffff  }
0x1bd: {  	s26 =	simm.s32 $0x0;
	v6 =	vor.u32 v41, v2;
	v3 =	vld.idx.msk [tilespmem:v3+s16+$0x0], $0xffff  }
0x1be: {  	v26 =	vmov s26;
	v13 =	vor.u32 v61, v0;
	v14 =	vld.idx.msk [tilespmem:v1+s18+$0x0], $0xffff;
	v1 =	vadd.s32 $0x5080, v21  }
0x1bf: {  	v26 =	vand.u32 $0x3C, v26;
	v11 =	vor.u32 v30, v0;
	v43 =	vld.idx.msk [tilespmem:v34+s15+$0x0], $0xffff;
	v42 =	vadd.s32 v1, v22  }
0x1c0: {  	v26 =	vbroadcast v26, $0x0;
	[tilespmem:$0x1FAA0] =	vst v31;
	v16 =	vld.idx.msk [tilespmem:v15+s15+$0x0], $0xffff;
	v1 =	vor.u32 v42, v0  }
0x1c1: {  	[tilespmem:$0x1FAB0] =	vst v30;
	v23 =	vld.idx.msk [tilespmem:v15+s16+$0x0], $0xffff;
	v15 =	vor.u32 v32, v0  }
0x1c2: {  	v55 =	vor.u32 v30, v26;
	[tilespmem:$0x1FA70] =	vst v32;
	v46 =	vor.u32 v60, v2;
	v6 =	vld.idx.msk [tilespmem:v6+s18+$0x0], $0xffff  }
0x1c3: {  	[tilespmem:$0x1F9E0] =	vst v29;
	v13 =	vld.idx.msk [tilespmem:v13+s18+$0x0], $0xffff;
	v54 =	vmul.f32 v3, v24;
	v3 =	vor.u32 v62, v26  }
0x1c4: {  	[tilespmem:$0x1FA00] =	vst v61;
	v11 =	vld.idx.msk [tilespmem:v11+s18+$0x0], $0xffff;
	v48 =	vmul.f32 v10, v43;
	v10 =	vor.u32 v61, v26  }
0x1c5: {  	[tilespmem:$0x1FA50] =	vst v42;
	v9 =	vmul.f32 v9, v24;
	v18 =	vld.idx.msk [tilespmem:v1+s18+$0x0], $0xffff;
	v1 =	vadd.s32 $0x5200, v21;
	v21 =	vor.u32 v42, v8  }
0x1c6: {  	v38 =	vld.idx.msk [tilespmem:v15+s18+$0x0], $0xffff;
	v15 =	vor.u32 v42, v26;
	v44 =	vadd.s32 v1, v22;
	v22 =	vor.u32 v62, v8  }
0x1c7: {  	v36 =	vmul.f32 v6, v24;
	v6 =	vmul.f32 v7, v43;
	[tilespmem:$0x1F9D0] =	vst v9;
	v9 =	vor.u32 v29, v26  }
0x1c8: {  	v56 =	vmul.f32 v12, v16;
	v52 =	vmul.f32 v4, v43;
	v25 =	vor.u32 v44, v0;
	v3 =	vld.idx.msk [tilespmem:v3+s18+$0x0], $0xffff  }
0x1c9: {  	v4 =	vmul.f32 v39, v16;
	v27 =	vor.u32 v44, v8;
	v8 =	vor.u32 v61, v8;
	v10 =	vld.idx.msk [tilespmem:v10+s18+$0x0], $0xffff  }
0x1ca: {  	v58 =	vmul.f32 v47, v16;
	v45 =	vmul.f32 v14, v24;
	v0 =	vor.u32 v60, v0;
	v14 =	vld.idx.msk [tilespmem:v21+s18+$0x0], $0xffff  }
0x1cb: {  	v7 =	vor.u32 v32, v2;
	v51 =	vmul.f32 v13, v16;
	v29 =	vmul.f32 v17, v16;
	v19 =	vld.idx.msk [tilespmem:v22+s18+$0x0], $0xffff  }
0x1cc: {  	[tilespmem:$0x1FA20] =	vst v6;
	v17 =	vmul.f32 v40, v43;
	v61 =	vor.u32 v60, v26;
	v57 =	vld.idx.msk [tilespmem:v9+s15+$0x0], $0xffff  }
0x1cd: {  	v49 =	vimm.f32 $0.0e+00;
	[tilespmem:$0x1FA90] =	vst v4;
	v53 =	vmul.f32 v11, v16;
	v21 =	vld.idx.msk [tilespmem:v25+s18+$0x0], $0xffff;
	v25 =	vor.u32 v32, v26  }
0x1ce: {  	v11 =	vor.u32 v30, v2;
	v50 =	vor.u32 v44, v2;
	v63 =	vor.u32 v44, v26;
	v37 =	vld.idx.msk [tilespmem:v8+s18+$0x0], $0xffff  }
0x1cf: {  	v22 =	vor.u32 v42, v2;
	v8 =	vor.u32 v31, v26;
	v42 =	vld.idx.msk [tilespmem:v0+s18+$0x0], $0xffff;
	v6 =	vmul.f32 v14, v43  }
0x1d0: {  	v59 =	vld.idx.msk [tilespmem:v27+s18+$0x0], $0xffff;
	v32 =	vmul.f32 v19, v43;
	v19 =	vor.u32 v31, v2;
	v31 =	vmul.f32 v23, v16  }
0x1d1: {  	v4 =	vimm.f32 $0.0e+00;
	v23 =	vld.idx.msk [tilespmem:v61+s18+$0x0], $0xffff;
	[tilespmem:$0x1FA30] =	vst v6;
	v6 =	vmul.f32 v18, v16;
	v18 =	vor.u32 v41, v26  }
0x1d2: {  	[tilespmem:$0x1FA10] =	vst v60;
	v30 =	vmul.f32 v28, v43;
	v1 =	vimm.f32 $0.0e+00;
	v3 =	vmul.f32 v3, v57;
	v0 =	vld.idx.msk [tilespmem:v25+s18+$0x0], $0xffff  }
0x1d3: {  	[tilespmem:$0x1F9F0] =	vst v62;
	v62 =	vimm.f32 $0.0e+00;
	v60 =	vmul.f32 v5, v43;
	v5 =	vmul.f32 v38, v16;
	v25 =	vld.idx.msk [tilespmem:v63+s18+$0x0], $0xffff  }
0x1d4: {  	v14 =	vor.u32 v33, v26;
	v27 =	vadd.f32 v3, v1;
	v2 =	vimm.f32 $0.0e+00;
	v26 =	vld.idx.msk [tilespmem:v50+s18+$0x0], $0xffff  }
0x1d5: {  	[tilespmem:$0x1FA80] =	vst v33;
	v3 =	vimm.f32 $0.0e+00;
	v12 =	vmul.f32 v21, v16;
	v21 =	vmul.f32 v10, v57;
	v10 =	vld.idx.msk [tilespmem:v55+s18+$0x0], $0xffff  }
0x1d6: {  	[tilespmem:$0x1FA40] =	vst v41;
	v61 =	vimm.f32 $0.0e+00;
	v35 =	vmul.f32 v37, v43;
	v16 =	vmul.f32 v42, v16;
	v13 =	vld.idx.msk [tilespmem:v18+s18+$0x0], $0xffff  }
0x1d7: {  	s20 =	simm.s32 $0x4;
	[tilespmem:$0x1FA60] =	vst v44;
	v41 =	vimm.f32 $0.0e+00;
	v63 =	vimm.f32 $0.0e+00;
	v18 =	vld.idx.msk [tilespmem:v9+s16+$0x0], $0xffff;
	v9 =	vimm.f32 $0.0e+00  }
.LBB2_7:
0x1d8: {  	v7 =	vld.idx.msk [tilespmem:v7+s18+$0x0], $0xffff  }
0x1d9: {  	v47 =	vld [tilespmem:$0x1FAA0]  }
0x1da: {  	v19 =	vld.idx.msk [tilespmem:v19+s18+$0x0], $0xffff  }
0x1db: {  	v55 =	vld [tilespmem:$0x1FA40]  }
0x1dc: {  	v44 =	vld [tilespmem:$0x1FA70]  }
0x1dd: {  	v14 =	vld.idx.msk [tilespmem:v14+s18+$0x0], $0xffff  }
0x1de: {  	v50 =	vld [tilespmem:$0x1FA80]  }
0x1df: {  	[tilespmem:$0x1F950] =	vst v51;
	v51 =	vld [tilespmem:$0x1FAB0]  }
0x1e0: {  	[tilespmem:$0x1F900] =	vst v49;
	v49 =	vld [tilespmem:$0x1FA10];
	v1 =	vadd.f32 v21, v1  }
0x1e1: {  	v8 =	vld.idx.msk [tilespmem:v8+s18+$0x0], $0xffff  }
0x1e2: {  	v21 =	vmul.f32 v18, v57;
	v18 =	vld.idx.msk [tilespmem:v22+s18+$0x0], $0xffff;
	[tilespmem:$0x1F910] =	vst v1;
	v1 =	vmul.f32 v13, v57  }
0x1e3: {  	s22 =	sadd.s32 $0x3, s20;
	v22 =	vld.idx.msk [tilespmem:v15+s18+$0x0], $0xffff;
	v25 =	vmul.f32 v25, v57  }
0x1e4: {  	v0 =	vmul.f32 v0, v57;
	[tilespmem:$0x1F8F0] =	vst v1;
	v1 =	vmul.f32 v20, v24;
	v20 =	vld.idx.msk [tilespmem:v11+s18+$0x0], $0xffff;
	v11 =	vmovc v17;
	v17 =	vmov s22  }
0x1e5: {  	[tilespmem:$0x1F8E0] =	vst v54;
	v42 =	vld [tilespmem:$0x1F9E0];
	v26 =	vmul.f32 v26, v24;
	v23 =	vmul.f32 v23, v57;
	v17 =	vand.u32 $0x3F, v17  }
0x1e6: {  	[tilespmem:$0x1F960] =	vst v29;
	s21 =	sadd.s32 $0x2, s20;
	v33 =	vld.idx.msk [tilespmem:v34+s16+$0x0], $0xffff;
	v7 =	vmul.f32 v7, v24;
	v0 =	vadd.f32 v0, v62;
	v29 =	vbroadcast v17, $0x0  }
0x1e7: {  	v54 =	vld [tilespmem:$0x1FA00];
	v8 =	vmul.f32 v8, v57;
	[tilespmem:$0x1F990] =	vst v11;
	v11 =	vmov s21;
	v9 =	vadd.f32 v25, v9  }
0x1e8: {  	[tilespmem:$0x1F920] =	vst v45;
	v45 =	vld [tilespmem:$0x1F9F0];
	v22 =	vmul.f32 v22, v57;
	v0 =	vadd.f32 v7, v0;
	v17 =	vor.u32 v47, v29  }
0x1e9: {  	[tilespmem:$0x1F940] =	vst v31;
	v25 =	vld.idx.msk [tilespmem:v46+s18+$0x0], $0xffff;
	v11 =	vand.u32 $0x3E, v11;
	v1 =	vadd.f32 v1, v27;
	v46 =	vor.u32 v51, v29  }
0x1ea: {  	s19 =	smov.u32 s20;
	v15 =	vmovc v56;
	v56 =	vld [tilespmem:$0x1FA60];
	v4 =	vadd.f32 v8, v4;
	v31 =	vor.u32 v49, v29;
	v0 =	vadd.f32 v5, v0  }
0x1eb: {  	[tilespmem:$0x1F8D0] =	vst v48;
	s26 =	sadd.s32 $0x1, s19;
	v8 =	vld [tilespmem:$0x1FA30];
	v28 =	vbroadcast v11, $0x0;
	v3 =	vadd.f32 v22, v3;
	v9 =	vadd.f32 v26, v9  }
0x1ec: {  	[tilespmem:$0x1F8B0] =	vst v1;
	v1 =	vmov s26;
	v38 =	vor.u32 v50, v29;
	v62 =	vadd.f32 v60, v0;
	v0 =	vld [tilespmem:$0x1FA20]  }
0x1ed: {  	[tilespmem:$0x1F930] =	vst v36;
	v1 =	vand.u32 $0x3D, v1;
	v48 =	vor.u32 v50, v28;
	v37 =	vmul.f32 v20, v24;
	v13 =	vld.idx.msk [tilespmem:v17+s18+$0x0], $0xffff  }
0x1ee: {  	[tilespmem:$0x1F970] =	vst v35;
	v20 =	vmul.f32 v18, v24;
	v26 =	vor.u32 v42, v28;
	v11 =	vbroadcast v1, $0x0;
	v18 =	vld.idx.msk [tilespmem:v46+s18+$0x0], $0xffff  }
0x1ef: {  	v2 =	vadd.f32 v23, v2;
	v35 =	vor.u32 v54, v28;
	v25 =	vmul.f32 v25, v24;
	v31 =	vld.idx.msk [tilespmem:v31+s18+$0x0], $0xffff  }
0x1f0: {  	[tilespmem:$0x1F980] =	vst v32;
	v10 =	vmul.f32 v10, v57;
	v3 =	vadd.f32 v20, v3;
	v32 =	vor.u32 v42, v11;
	v46 =	vld [tilespmem:$0x1FA50]  }
0x1f1: {  	v36 =	vor.u32 v45, v11;
	v2 =	vadd.f32 v25, v2;
	v17 =	vor.u32 v49, v11;
	v5 =	vld.idx.msk [tilespmem:v38+s18+$0x0], $0xffff  }
0x1f2: {  	v10 =	vadd.f32 v10, v61;
	v23 =	vor.u32 v50, v11;
	[tilespmem:$0x1F9B0] =	vst v17;
	v17 =	vld.idx.msk [tilespmem:v48+s18+$0x0], $0xffff  }
0x1f3: {  	v3 =	vadd.f32 v6, v3;
	v2 =	vadd.f32 v16, v2;
	v16 =	vld.idx.msk [tilespmem:v26+s15+$0x0], $0xffff  }
0x1f4: {  	v19 =	vmul.f32 v19, v24;
	v7 =	vadd.f32 v12, v9;
	v35 =	vld.idx.msk [tilespmem:v35+s18+$0x0], $0xffff  }
0x1f5: {  	v12 =	vor.u32 v49, v28;
	v3 =	vadd.f32 v8, v3;
	v8 =	vadd.f32 v37, v10;
	v24 =	vld.idx.msk [tilespmem:v32+s15+$0x0], $0xffff  }
0x1f6: {  	v9 =	vld.idx.msk [tilespmem:v36+s18+$0x0], $0xffff  }
0x1f7: {  	v40 =	vor.u32 v54, v11;
	v6 =	vld.idx.msk [tilespmem:v23+s18+$0x0], $0xffff;
	v8 =	vadd.f32 v53, v8  }
0x1f8: {  	v22 =	vor.u32 v55, v11;
	v48 =	vld [tilespmem:$0x1F8E0]  }
0x1f9: {  	v59 =	vmul.f32 v59, v43;
	[tilespmem:$0x1F8C0] =	vst v30;
	v27 =	vor.u32 v56, v29;
	v61 =	vadd.f32 v52, v8;
	v8 =	vld [tilespmem:$0x1F9D0]  }
0x1fa: {  	v37 =	vld.idx.msk [tilespmem:v12+s18+$0x0], $0xffff;
	[tilespmem:$0x1F9C0] =	vst v5;
	v5 =	vmul.f32 v14, v57  }
0x1fb: {  	[tilespmem:$0x1F9A0] =	vst v9;
	v9 =	vadd.f32 v59, v7;
	v7 =	vld.idx.msk [tilespmem:v32+s16+$0x0], $0xffff  }
0x1fc: {  	v30 =	vor.u32 v55, v28;
	v39 =	vld.idx.msk [tilespmem:v40+s18+$0x0], $0xffff;
	v5 =	vadd.f32 v5, v41;
	v6 =	vmul.f32 v6, v24  }
0x1fd: {  	v25 =	vld.idx.msk [tilespmem:v22+s18+$0x0], $0xffff  }
0x1fe: {  	v34 =	vor.u32 v42, v29;
	v59 =	vld.idx.msk [tilespmem:v27+s18+$0x0], $0xffff;
	v5 =	vadd.f32 v8, v5;
	v8 =	vmov v6  }
0x1ff: {  	v4 =	vadd.f32 v19, v4;
	v22 =	vmov s19;
	v40 =	vor.u32 v46, v28;
	[tilespmem:$0x1F9D0] =	vst v8;
	v8 =	vld [tilespmem:$0x1F8B0]  }
0x200: {  	v19 =	vand.u32 $0x3C, v22;
	v27 =	vmul.f32 v33, v43;
	v33 =	vmul.f32 v7, v24;
	v7 =	vld [tilespmem:$0x1FA90]  }
0x201: {  	v14 =	vor.u32 v47, v28;
	v60 =	vbroadcast v19, $0x0;
	v19 =	vld.idx.msk [tilespmem:v30+s18+$0x0], $0xffff  }
0x202: {  	v10 =	vor.u32 v44, v28;
	v2 =	vadd.f32 v0, v2;
	v38 =	vmul.f32 v39, v24;
	v39 =	vld.idx.msk [tilespmem:v26+s16+$0x0], $0xffff  }
0x203: {  	v0 =	vor.u32 v45, v28;
	v23 =	vor.u32 v51, v28;
	v26 =	vor.u32 v56, v28;
	v28 =	vld.idx.msk [tilespmem:v34+s15+$0x0], $0xffff  }
0x204: {  	v1 =	vor.u32 v44, v29;
	v12 =	vld.idx.msk [tilespmem:v40+s18+$0x0], $0xffff  }
0x205: {  	v40 =	vor.u32 v46, v29;
	v52 =	vadd.f32 v7, v8;
	v7 =	vld [tilespmem:$0x1F8C0]  }
0x206: {  	v6 =	vadd.f32 v21, v63;
	v21 =	vor.u32 v42, v60;
	v42 =	vld.idx.msk [tilespmem:v14+s18+$0x0], $0xffff  }
0x207: {  	v22 =	vor.u32 v46, v11;
	v32 =	vor.u32 v55, v29;
	v14 =	vor.u32 v50, v60;
	v50 =	vld [tilespmem:$0x1F900]  }
0x208: {  	v5 =	vadd.f32 v15, v5;
	v15 =	vor.u32 v46, v60;
	v46 =	vmul.f32 v19, v16;
	v19 =	vld [tilespmem:$0x1F8F0]  }
0x209: {  	v1 =	vld.idx.msk [tilespmem:v1+s18+$0x0], $0xffff  }
0x20a: {  	v36 =	vor.u32 v54, v29;
	v43 =	vor.u32 v45, v60;
	v41 =	vadd.f32 v7, v5;
	v5 =	vld.idx.msk [tilespmem:v40+s18+$0x0], $0xffff  }
0x20b: {  	v29 =	vor.u32 v45, v29;
	v45 =	vor.u32 v44, v60;
	v40 =	vmul.f32 v13, v28;
	v13 =	vld [tilespmem:$0x1F8D0]  }
0x20c: {  	v8 =	vor.u32 v47, v60;
	v7 =	vor.u32 v44, v11;
	v44 =	vmul.f32 v25, v24;
	v25 =	vld.idx.msk [tilespmem:v32+s18+$0x0], $0xffff  }
0x20d: {  	v32 =	vadd.f32 v19, v50;
	v19 =	vor.u32 v47, v11;
	v47 =	vld.idx.msk [tilespmem:v0+s18+$0x0], $0xffff;
	v0 =	vmul.f32 v31, v28  }
0x20e: {  	v31 =	vld [tilespmem:$0x1F920]  }
0x20f: {  	[tilespmem:$0x1FA20] =	vst v0;
	v0 =	vld [tilespmem:$0x1F910]  }
0x210: {  	v53 =	vld [tilespmem:$0x1F930]  }
0x211: {  	v4 =	vadd.f32 v58, v4;
	v10 =	vld.idx.msk [tilespmem:v10+s18+$0x0], $0xffff  }
0x212: {  	v30 =	vor.u32 v51, v60;
	v58 =	vor.u32 v49, v60;
	v49 =	vor.u32 v55, v60;
	v23 =	vld.idx.msk [tilespmem:v23+s18+$0x0], $0xffff  }
0x213: {  	v36 =	vld.idx.msk [tilespmem:v36+s18+$0x0], $0xffff;
	v4 =	vadd.f32 v13, v4;
	v13 =	vor.u32 v54, v60;
	v5 =	vmul.f32 v5, v28  }
0x214: {  	v0 =	vadd.f32 v31, v0;
	v31 =	vor.u32 v56, v60;
	v60 =	vmul.f32 v1, v28;
	v1 =	vld [tilespmem:$0x1F950]  }
0x215: {  	v26 =	vld.idx.msk [tilespmem:v26+s18+$0x0], $0xffff  }
0x216: {  	[tilespmem:$0x1FA30] =	vst v5;
	v5 =	vmul.f32 v10, v16;
	v10 =	vld [tilespmem:$0x1F980]  }
0x217: {  	v54 =	vld [tilespmem:$0x1F940]  }
0x218: {  	v6 =	vadd.f32 v48, v6;
	v48 =	vld.idx.msk [tilespmem:v43+s18+$0x0], $0xffff  }
0x219: {  	v0 =	vadd.f32 v1, v0;
	v1 =	vld [tilespmem:$0x1F960]  }
0x21a: {  	v20 =	vor.u32 v56, v11;
	v29 =	vld.idx.msk [tilespmem:v29+s18+$0x0], $0xffff  }
0x21b: {  	v11 =	vor.u32 v51, v11;
	v10 =	vadd.f32 v10, v52;
	v52 =	vmul.f32 v18, v28;
	v18 =	vld [tilespmem:$0x1F990]  }
0x21c: {  	v57 =	vld.idx.msk [tilespmem:v21+s15+$0x0], $0xffff;
	v51 =	vmul.f32 v35, v16;
	v32 =	vadd.f32 v53, v32;
	v55 =	vadd.f32 v54, v6  }
0x21d: {  	v35 =	vmul.f32 v36, v28;
	v53 =	vmul.f32 v23, v16;
	v23 =	vld.idx.msk [tilespmem:v58+s18+$0x0], $0xffff  }
0x21e: {  	v56 =	vmul.f32 v17, v16;
	v63 =	vadd.f32 v27, v55;
	v27 =	vld.idx.msk [tilespmem:v13+s18+$0x0], $0xffff;
	v32 =	vadd.f32 v1, v32  }
0x21f: {  	v6 =	vmul.f32 v12, v16;
	v12 =	vmul.f32 v26, v16;
	v26 =	vld.idx.msk [tilespmem:v20+s18+$0x0], $0xffff  }
0x220: {  	v17 =	vmul.f32 v25, v28;
	v13 =	vld.idx.msk [tilespmem:v49+s18+$0x0], $0xffff;
	v49 =	vadd.f32 v18, v32;
	v32 =	vmul.f32 v29, v28  }
0x221: {  	v43 =	vmov v28;
	v18 =	vld.idx.msk [tilespmem:v21+s16+$0x0], $0xffff;
	v21 =	vmul.f32 v47, v16;
	v28 =	vmul.f32 v48, v57  }
0x222: {  	v1 =	vld [tilespmem:$0x1F970]  }
0x223: {  	p0 =	slt.u32 s20, $0x3C;
	[tilespmem:$0x1FA90] =	vst v21;
	v21 =	vmul.f32 v27, v57;
	v27 =	vadd.f32 v28, v10;
	v28 =	vld [tilespmem:$0x1F9C0]  }
.Ltmp2:
0x224: {  	v20 =	vld [tilespmem:$0x1F9A0];
	(pc) =	sbr.rel @p0 .LBB2_7-.Ltmp2, $4  }
0x225: {  	v25 =	vld.idx.msk [tilespmem:v31+s18+$0x0], $0xffff  }
0x226: {  	v58 =	vmul.f32 v42, v16;
	v29 =	vmov v46;
	v46 =	vld [tilespmem:$0x1F9B0]  }
0x227: {  	s1 =	sadd.s32 $0x4, s20;
	v36 =	vmovc v44;
	v54 =	vmov v33;
	v31 =	vmul.f32 v39, v16;
	v16 =	vmul.f32 v37, v16;
	v10 =	vld.idx.msk [tilespmem:v30+s18+$0x0], $0xffff  }
0x228: {  	s20 =	smov.u32 s1;
	v48 =	vmovc v40;
	v1 =	vadd.f32 v1, v0;
	v0 =	vld.idx.msk [tilespmem:v45+s18+$0x0], $0xffff;
	v45 =	vmov v38;
	v30 =	vmul.f32 v28, v43  }
0x229: {  	_ =	sdelay $0x3  }
0x22a: {  	v15 =	vld.idx.msk [tilespmem:v15+s18+$0x0], $0xffff;
	_ =	sdelay $0x1  }
0x22b: {  	v22 =	vld.idx.msk [tilespmem:v22+s18+$0x0], $0xffff;
	_ =	sdelay $0x2  }
0x22c: {  	v7 =	vld.idx.msk [tilespmem:v7+s18+$0x0], $0xffff;
	v15 =	vmul.f32 v15, v57  }
0x22d: {  	v11 =	vld.idx.msk [tilespmem:v11+s18+$0x0], $0xffff;
	v1 =	vadd.f32 v21, v1;
	v21 =	vmul.f32 v25, v57  }
0x22e: {  	v28 =	vld.idx.msk [tilespmem:v46+s18+$0x0], $0xffff;
	v22 =	vmul.f32 v22, v24;
	v3 =	vadd.f32 v15, v3  }
0x22f: {  	v8 =	vld.idx.msk [tilespmem:v8+s18+$0x0], $0xffff;
	v25 =	vmul.f32 v26, v24;
	v9 =	vadd.f32 v21, v9;
	v0 =	vmul.f32 v0, v57  }
0x230: {  	v21 =	vmul.f32 v23, v57;
	v10 =	vmul.f32 v10, v57;
	v3 =	vadd.f32 v22, v3  }
0x231: {  	v7 =	vmul.f32 v7, v24;
	v9 =	vadd.f32 v25, v9;
	v0 =	vadd.f32 v0, v62  }
0x232: {  	v3 =	vadd.f32 v6, v3;
	v6 =	vadd.f32 v10, v61;
	v10 =	vmul.f32 v11, v24  }
0x233: {  	v2 =	vadd.f32 v21, v2;
	v15 =	vmul.f32 v28, v24;
	v9 =	vadd.f32 v12, v9;
	v12 =	vld.idx.msk [tilespmem:v19+s18+$0x0], $0xffff  }
0x234: {  	v8 =	vmul.f32 v8, v57;
	v0 =	vadd.f32 v7, v0;
	v6 =	vadd.f32 v10, v6;
	v10 =	vld [tilespmem:$0x1FA20]  }
0x235: {  	v1 =	vadd.f32 v45, v1;
	v7 =	vld.idx.msk [tilespmem:v14+s18+$0x0], $0xffff;
	v14 =	vmul.f32 v59, v43;
	v2 =	vadd.f32 v15, v2  }
0x236: {  	v20 =	vmul.f32 v20, v24;
	v4 =	vadd.f32 v8, v4;
	v0 =	vadd.f32 v5, v0  }
0x237: {  	v5 =	vmul.f32 v18, v57;
	v8 =	vadd.f32 v14, v9;
	v9 =	vld.idx.msk [tilespmem:v34+s16+$0x0], $0xffff;
	v2 =	vadd.f32 v16, v2  }
0x238: {  	v20 =	vadd.f32 v20, v27;
	v1 =	vadd.f32 v51, v1;
	v11 =	vld [tilespmem:$0x1FA30]  }
0x239: {  	v5 =	vadd.f32 v5, v63;
	v2 =	vadd.f32 v10, v2;
	v10 =	vmul.f32 v12, v24  }
0x23a: {  	v1 =	vadd.f32 v35, v1;
	v15 =	vld [tilespmem:$0x1FFE0];
	v0 =	vadd.f32 v60, v0  }
0x23b: {  	s24 =	simm.s32 $0x1;
	v7 =	vmul.f32 v7, v57;
	v5 =	vadd.f32 v54, v5;
	v4 =	vadd.f32 v10, v4;
	v10 =	vld [tilespmem:$0x1F9D0]  }
0x23c: {  	v19 =	vld [tilespmem:$0x1FDA0];
	[tilespmem:s0+$0x19410] =	vst v0;
	v0 =	vmov s24;
	v6 =	vadd.f32 v53, v6;
	v9 =	vmul.f32 v9, v43  }
0x23d: {  	v3 =	vadd.f32 v11, v3;
	v11 =	vmul.f32 v13, v57;
	v5 =	vadd.f32 v31, v5  }
0x23e: {  	v7 =	vadd.f32 v7, v41;
	v0 =	vand.u32 $0x3D, v0;
	v6 =	vadd.f32 v52, v6  }
0x23f: {  	s1 =	simm.s32 $0x3;
	v0 =	vbroadcast v0, $0x0;
	v11 =	vadd.f32 v11, v49;
	v5 =	vadd.f32 v9, v5;
	[tilespmem:s0+$0x19210] =	vst v3  }
0x240: {  	v3 =	vadd.s32 $0x5280, v15;
	[tilespmem:s0+$0x19010] =	vst v6;
	v6 =	vmov s1;
	v7 =	vadd.f32 v10, v7;
	v10 =	vld [tilespmem:$0x1FA90]  }
0x241: {  	v27 =	vadd.s32 v3, v19;
	v9 =	vadd.f32 v36, v11;
	v6 =	vand.u32 $0x3F, v6  }
0x242: {  	[tilespmem:s0+$0x19610] =	vst v2;
	v2 =	vadd.s32 $0x54C0, v15;
	v3 =	vbroadcast v6, $0x0;
	v4 =	vadd.f32 v58, v4  }
0x243: {  	[tilespmem:s0+$0x18C10] =	vst v5;
	v6 =	vadd.s32 $0x5480, v15;
	v5 =	vadd.f32 v56, v7;
	v7 =	vadd.f32 v29, v9  }
0x244: {  	[tilespmem:s0+$0x19810] =	vst v1;
	v28 =	vadd.s32 v2, v19;
	v2 =	vadd.s32 $0x5400, v15;
	v4 =	vadd.f32 v48, v4  }
0x245: {  	[tilespmem:s0+$0x19E10] =	vst v8;
	v1 =	vor.u32 v27, v3;
	v7 =	vadd.f32 v17, v7;
	v10 =	vadd.f32 v10, v20  }
0x246: {  	v26 =	vld [tilespmem:$0x1F9E0];
	v31 =	vadd.s32 v6, v19;
	[tilespmem:s0+$0x19A10] =	vst v4;
	v4 =	vor.u32 v28, v3;
	v5 =	vadd.f32 v30, v5  }
0x247: {  	v61 =	vadd.s32 v2, v19;
	v2 =	vor.u32 v31, v0;
	[tilespmem:s0+$0x19C10] =	vst v7;
	v10 =	vadd.f32 v32, v10  }
0x248: {  	v6 =	vor.u32 v61, v3;
	[tilespmem:s0+$0x1A010] =	vst v5  }
0x249: {  	v8 =	vor.u32 v27, v0;
	[tilespmem:s0+$0x18E10] =	vst v10  }
0x24a: {  	v23 =	vor.u32 v31, v3;
	v1 =	vld.idx.msk [tilespmem:v1+s18+$0x0], $0xffff  }
0x24b: {  	s25 =	simm.s32 $0x2;
	v25 =	vor.u32 v26, v3;
	v5 =	vadd.s32 $0x5340, v15;
	v30 =	vld.idx.msk [tilespmem:v4+s18+$0x0], $0xffff  }
0x24c: {  	v7 =	vor.u32 v28, v0;
	v33 =	vadd.s32 v5, v19;
	v5 =	vmov s25;
	v2 =	vld.idx.msk [tilespmem:v2+s18+$0x0], $0xffff  }
0x24d: {  	v9 =	vor.u32 v33, v3;
	v5 =	vand.u32 $0x3E, v5;
	v6 =	vld.idx.msk [tilespmem:v6+s18+$0x0], $0xffff  }
0x24e: {  	v16 =	vbroadcast v5, $0x0;
	v5 =	vor.u32 v61, v0;
	v17 =	vld.idx.msk [tilespmem:v8+s18+$0x0], $0xffff  }
0x24f: {  	v4 =	vor.u32 v26, v0;
	v23 =	vld.idx.msk [tilespmem:v23+s18+$0x0], $0xffff  }
0x250: {  	v45 =	vld.idx.msk [tilespmem:v25+s15+$0x0], $0xffff;
	v10 =	vor.u32 v31, v16  }
0x251: {  	v7 =	vld.idx.msk [tilespmem:v7+s18+$0x0], $0xffff;
	v12 =	vor.u32 v33, v16  }
0x252: {  	v11 =	vadd.s32 $0x5440, v15;
	v8 =	vor.u32 v26, v16;
	v18 =	vld.idx.msk [tilespmem:v9+s18+$0x0], $0xffff  }
0x253: {  	v34 =	vadd.s32 v11, v19;
	v11 =	vor.u32 v27, v16;
	v5 =	vld.idx.msk [tilespmem:v5+s18+$0x0], $0xffff  }
0x254: {  	v9 =	vor.u32 v34, v0;
	v20 =	vld.idx.msk [tilespmem:v4+s15+$0x0], $0xffff;
	v4 =	vadd.s32 $0x5380, v15  }
0x255: {  	v13 =	vadd.s32 $0x5300, v15;
	v62 =	vadd.s32 v4, v19;
	v4 =	vor.u32 v61, v16;
	v14 =	vld.idx.msk [tilespmem:v10+s18+$0x0], $0xffff  }
0x256: {  	v37 =	vadd.s32 v13, v19;
	v10 =	vadd.s32 $0x52C0, v15;
	v12 =	vld.idx.msk [tilespmem:v12+s18+$0x0], $0xffff;
	v13 =	vor.u32 v62, v0  }
0x257: {  	v15 =	vadd.s32 $0x53C0, v15;
	v29 =	vld.idx.msk [tilespmem:v8+s15+$0x0], $0xffff;
	v38 =	vadd.s32 v10, v19;
	v10 =	vor.u32 v37, v0  }
0x258: {  	v11 =	vld.idx.msk [tilespmem:v11+s18+$0x0], $0xffff;
	v39 =	vadd.s32 v15, v19;
	v8 =	vor.u32 v38, v0  }
0x259: {  	v9 =	vld.idx.msk [tilespmem:v9+s18+$0x0], $0xffff;
	v15 =	vor.u32 v39, v3  }
0x25a: {  	v19 =	vor.u32 v34, v3;
	v57 =	vld.idx.msk [tilespmem:v4+s18+$0x0], $0xffff  }
0x25b: {  	s26 =	simm.s32 $0x0;
	v22 =	vor.u32 v37, v3;
	v21 =	vld.idx.msk [tilespmem:v13+s18+$0x0], $0xffff  }
0x25c: {  	[tilespmem:$0x1F800] =	vst v27;
	v63 =	vor.u32 v39, v0;
	v4 =	vmov s26;
	v24 =	vld.idx.msk [tilespmem:v10+s18+$0x0], $0xffff  }
0x25d: {  	[tilespmem:$0x1F870] =	vst v34;
	v44 =	vor.u32 v28, v16;
	v0 =	vor.u32 v33, v0;
	v4 =	vand.u32 $0x3C, v4;
	v8 =	vld.idx.msk [tilespmem:v8+s18+$0x0], $0xffff  }
0x25e: {  	[tilespmem:$0x1F810] =	vst v31;
	v35 =	vmul.f32 v23, v45;
	v51 =	vor.u32 v62, v16;
	v53 =	vld.idx.msk [tilespmem:v15+s18+$0x0], $0xffff;
	v43 =	vbroadcast v4, $0x0  }
0x25f: {  	v60 =	vor.u32 v62, v3;
	v50 =	vor.u32 v39, v16;
	v15 =	vor.u32 v38, v3;
	v4 =	vld.idx.msk [tilespmem:v19+s18+$0x0], $0xffff  }
0x260: {  	v56 =	vmul.f32 v7, v20;
	v2 =	vmul.f32 v2, v20;
	v19 =	vld.idx.msk [tilespmem:v22+s18+$0x0], $0xffff;
	v22 =	vor.u32 v26, v43  }
0x261: {  	[tilespmem:$0x1F840] =	vst v33;
	v5 =	vmul.f32 v5, v20;
	v13 =	vimm.f32 $0.0e+00;
	v36 =	vld.idx.msk [tilespmem:v63+s18+$0x0], $0xffff;
	v40 =	vor.u32 v31, v43  }
0x262: {  	v10 =	vor.u32 v38, v16;
	[tilespmem:$0x1F850] =	vst v2;
	v2 =	vimm.f32 $0.0e+00;
	v54 =	vld.idx.msk [tilespmem:v0+s18+$0x0], $0xffff;
	v42 =	vor.u32 v27, v43  }
0x263: {  	v0 =	vmul.f32 v11, v29;
	v46 =	vor.u32 v61, v43;
	v27 =	vmul.f32 v18, v45;
	v18 =	vld.idx.msk [tilespmem:v51+s18+$0x0], $0xffff  }
0x264: {  	v26 =	vmul.f32 v14, v29;
	v59 =	vor.u32 v38, v43;
	v48 =	vor.u32 v34, v43;
	v14 =	vld.idx.msk [tilespmem:v15+s18+$0x0], $0xffff  }
0x265: {  	v25 =	vor.u32 v37, v43;
	v31 =	vmul.f32 v12, v29;
	v55 =	vor.u32 v33, v43;
	v47 =	vld.idx.msk [tilespmem:v22+s15+$0x0], $0xffff  }
0x266: {  	v12 =	vor.u32 v34, v16;
	v33 =	vmul.f32 v9, v20;
	v49 =	vmul.f32 v21, v20;
	v21 =	vld.idx.msk [tilespmem:v40+s18+$0x0], $0xffff  }
0x267: {  	v9 =	vmul.f32 v17, v20;
	v7 =	vor.u32 v39, v43;
	v15 =	vmul.f32 v24, v20;
	v24 =	vld.idx.msk [tilespmem:v42+s18+$0x0], $0xffff  }
0x268: {  	[tilespmem:$0x1F830] =	vst v61;
	v34 =	vmul.f32 v6, v45;
	v61 =	vimm.f32 $0.0e+00;
	v22 =	vor.u32 v62, v43;
	v11 =	vld.idx.msk [tilespmem:v46+s18+$0x0], $0xffff  }
0x269: {  	[tilespmem:$0x1F880] =	vst v37;
	v6 =	vimm.f32 $0.0e+00;
	v17 =	vimm.f32 $0.0e+00;
	v52 =	vmul.f32 v8, v20;
	v3 =	vld.idx.msk [tilespmem:v48+s18+$0x0], $0xffff  }
0x26a: {  	[tilespmem:$0x1F8A0] =	vst v28;
	v51 =	vimm.f32 $0.0e+00;
	v36 =	vmul.f32 v36, v20;
	v40 =	vmul.f32 v19, v45;
	v19 =	vld.idx.msk [tilespmem:v25+s18+$0x0], $0xffff  }
0x26b: {  	[tilespmem:$0x1F860] =	vst v62;
	v8 =	vor.u32 v37, v16;
	v16 =	vimm.f32 $0.0e+00;
	v48 =	vmul.f32 v54, v20;
	v20 =	vld.idx.msk [tilespmem:v55+s18+$0x0], $0xffff  }
0x26c: {  	[tilespmem:$0x1F820] =	vst v38;
	v25 =	vor.u32 v28, v43;
	v28 =	vmul.f32 v1, v45;
	v55 =	vimm.f32 $0.0e+00;
	v1 =	vld.idx.msk [tilespmem:v50+s18+$0x0], $0xffff  }
0x26d: {  	s1 =	simm.s32 $0x4;
	[tilespmem:$0x1F890] =	vst v39;
	v54 =	vimm.f32 $0.0e+00;
	v50 =	vimm.f32 $0.0e+00;
	v23 =	vmul.f32 v21, v47;
	v22 =	vld.idx.msk [tilespmem:v22+s18+$0x0], $0xffff  }
.LBB2_9:
0x26e: {  	[tilespmem:$0x1F710] =	vst v26  }
0x26f: {  	[tilespmem:$0x1F700] =	vst v36;
	s20 =	sadd.s32 $0x3, s1;
	v26 =	vmul.f32 v14, v45;
	v14 =	vmov v0;
	v36 =	vld [tilespmem:$0x1F800]  }
0x270: {  	[tilespmem:$0x1F780] =	vst v14;
	v0 =	vmov s20;
	v14 =	vmul.f32 v19, v47;
	v19 =	vmul.f32 v30, v45  }
0x271: {  	v0 =	vand.u32 $0x3F, v0  }
0x272: {  	[tilespmem:$0x1F6D0] =	vst v19;
	v19 =	vmul.f32 v20, v47;
	v20 =	vbroadcast v0, $0x0;
	_ =	sdelay $0x1  }
0x273: {  	v42 =	vld [tilespmem:$0x1F8A0];
	v0 =	vmul.f32 v1, v29;
	v1 =	vor.u32 v36, v20;
	_ =	sdelay $0x3  }
0x274: {  	s19 =	smov.u32 s1;
	v4 =	vmul.f32 v4, v45;
	v41 =	vld [tilespmem:$0x1F810]  }
0x275: {  	s25 =	sadd.s32 $0x1, s19;
	[tilespmem:$0x1F720] =	vst v0;
	v62 =	vor.u32 v42, v20;
	v0 =	vld.idx.msk [tilespmem:v1+s18+$0x0], $0xffff  }
0x276: {  	[tilespmem:$0x1F7E0] =	vst v4;
	v4 =	vmov s25  }
0x277: {  	v4 =	vand.u32 $0x3D, v4  }
0x278: {  	v4 =	vbroadcast v4, $0x0  }
0x279: {  	[tilespmem:$0x1F6F0] =	vst v40;
	v40 =	vld [tilespmem:$0x1F830]  }
0x27a: {  	v63 =	vor.u32 v41, v4;
	[tilespmem:$0x1F7F0] =	vst v0;
	v0 =	vld.idx.msk [tilespmem:v62+s18+$0x0], $0xffff;
	_ =	sdelay $0x3  }
0x27b: {  	[tilespmem:$0x1F790] =	vst v27  }
0x27c: {  	v27 =	vor.u32 v40, v20;
	[tilespmem:$0x1F770] =	vst v0;
	v0 =	vld.idx.msk [tilespmem:v63+s18+$0x0], $0xffff;
	_ =	sdelay $0x1  }
0x27d: {  	v25 =	vld.idx.msk [tilespmem:v25+s18+$0x0], $0xffff;
	_ =	sdelay $0x1  }
0x27e: {  	v12 =	vld.idx.msk [tilespmem:v12+s18+$0x0], $0xffff  }
0x27f: {  	[tilespmem:$0x1F730] =	vst v0;
	v0 =	vld.idx.msk [tilespmem:v27+s18+$0x0], $0xffff;
	_ =	sdelay $0x1  }
0x280: {  	v38 =	vld [tilespmem:$0x1F840];
	[tilespmem:$0x1F7C0] =	vst v28;
	v28 =	vmul.f32 v22, v47;
	v22 =	vmul.f32 v25, v47;
	v25 =	vor.u32 v36, v4;
	_ =	sdelay $0x1  }
0x281: {  	v21 =	vmul.f32 v53, v45  }
0x282: {  	[tilespmem:$0x1F7D0] =	vst v0;
	v0 =	vmul.f32 v12, v29  }
0x283: {  	[tilespmem:$0x1F760] =	vst v21  }
0x284: {  	v21 =	vor.u32 v38, v20;
	[tilespmem:$0x1F740] =	vst v0;
	v0 =	vld.idx.msk [tilespmem:v25+s18+$0x0], $0xffff;
	_ =	sdelay $0x3  }
0x285: {  	[tilespmem:$0x1F750] =	vst v35;
	v35 =	vld [tilespmem:$0x1F9E0]  }
0x286: {  	[tilespmem:$0x1F7A0] =	vst v0;
	v0 =	vld.idx.msk [tilespmem:v21+s18+$0x0], $0xffff;
	_ =	sdelay $0x1  }
0x287: {  	v8 =	vld.idx.msk [tilespmem:v8+s18+$0x0], $0xffff;
	v11 =	vmul.f32 v11, v47;
	_ =	sdelay $0x1  }
0x288: {  	v53 =	vld.idx.msk [tilespmem:v60+s18+$0x0], $0xffff;
	s26 =	sadd.s32 $0x2, s19;
	v11 =	vadd.f32 v11, v55;
	v55 =	vor.u32 v35, v4;
	[tilespmem:$0x1F6E0] =	vst v19  }
0x289: {  	v19 =	vadd.f32 v23, v13;
	v23 =	vmov s26;
	v1 =	vadd.f32 v14, v61;
	[tilespmem:$0x1F7B0] =	vst v0;
	v0 =	vld [tilespmem:$0x1F860]  }
0x28a: {  	v10 =	vld.idx.msk [tilespmem:v10+s18+$0x0], $0xffff;
	v39 =	vmul.f32 v18, v29;
	v14 =	vand.u32 $0x3E, v23  }
0x28b: {  	v43 =	vld [tilespmem:$0x1F870];
	v8 =	vmul.f32 v8, v29;
	v18 =	vbroadcast v14, $0x0;
	v14 =	vadd.f32 v15, v1  }
0x28c: {  	v37 =	vld.idx.msk [tilespmem:v44+s18+$0x0], $0xffff  }
0x28d: {  	v62 =	vld.idx.msk [tilespmem:v55+s15+$0x0], $0xffff;
	v55 =	vadd.f32 v8, v14;
	v8 =	vor.u32 v40, v18  }
0x28e: {  	v21 =	vmul.f32 v53, v45;
	v45 =	vor.u32 v0, v4  }
0x28f: {  	v59 =	vld.idx.msk [tilespmem:v59+s18+$0x0], $0xffff  }
0x290: {  	v44 =	vld [tilespmem:$0x1F890]  }
0x291: {  	v27 =	vld [tilespmem:$0x1F820];
	v12 =	vmul.f32 v37, v29;
	v37 =	vor.u32 v43, v4  }
0x292: {  	v24 =	vmul.f32 v24, v47;
	v15 =	vmul.f32 v10, v29;
	v10 =	vor.u32 v40, v4;
	v23 =	vld.idx.msk [tilespmem:v8+s18+$0x0], $0xffff  }
0x293: {  	v8 =	vld.idx.msk [tilespmem:v45+s18+$0x0], $0xffff  }
0x294: {  	v28 =	vadd.f32 v28, v54;
	v17 =	vadd.f32 v24, v17  }
0x295: {  	v7 =	vld.idx.msk [tilespmem:v7+s18+$0x0], $0xffff;
	v16 =	vadd.f32 v22, v16;
	v24 =	vor.u32 v44, v20;
	v25 =	vor.u32 v35, v18  }
0x296: {  	v61 =	vmul.f32 v57, v29;
	v58 =	vld.idx.msk [tilespmem:v37+s18+$0x0], $0xffff;
	v37 =	vmov s19;
	v53 =	vor.u32 v27, v4  }
0x297: {  	v22 =	vld.idx.msk [tilespmem:v10+s18+$0x0], $0xffff;
	v10 =	vadd.f32 v49, v28;
	v29 =	vmul.f32 v59, v47;
	v49 =	vand.u32 $0x3C, v37  }
0x298: {  	v9 =	vadd.f32 v9, v17;
	v17 =	vbroadcast v49, $0x0;
	v49 =	vmul.f32 v8, v62;
	v8 =	vld [tilespmem:$0x1F850]  }
0x299: {  	v3 =	vmul.f32 v3, v47  }
0x29a: {  	v7 =	vmul.f32 v7, v47;
	v57 =	vor.u32 v36, v18;
	v6 =	vadd.f32 v29, v6;
	v29 =	vld.idx.msk [tilespmem:v25+s15+$0x0], $0xffff  }
0x29b: {  	v25 =	vor.u32 v35, v20;
	v47 =	vor.u32 v35, v17;
	v35 =	vor.u32 v36, v17;
	v36 =	vld.idx.msk [tilespmem:v53+s18+$0x0], $0xffff  }
0x29c: {  	v53 =	vld.idx.msk [tilespmem:v24+s18+$0x0], $0xffff  }
0x29d: {  	v24 =	vadd.f32 v8, v19;
	v8 =	vld [tilespmem:$0x1F6D0]  }
0x29e: {  	v16 =	vadd.f32 v56, v16  }
0x29f: {  	v1 =	vld [tilespmem:$0x1F880];
	v32 =	vor.u32 v41, v18  }
0x2a0: {  	v5 =	vadd.f32 v5, v11;
	v11 =	vadd.f32 v12, v16  }
0x2a1: {  	v13 =	vmov v31;
	v31 =	vor.u32 v38, v18  }
0x2a2: {  	v16 =	vadd.f32 v8, v11;
	v8 =	vld [tilespmem:$0x1F6E0]  }
0x2a3: {  	[tilespmem:$0x1F6C0] =	vst v26;
	v26 =	vor.u32 v38, v4;
	v30 =	vor.u32 v42, v4  }
0x2a4: {  	v60 =	vor.u32 v43, v20;
	v54 =	vor.u32 v1, v4;
	v14 =	vld.idx.msk [tilespmem:v32+s18+$0x0], $0xffff;
	v32 =	vor.u32 v44, v4  }
0x2a5: {  	v56 =	vor.u32 v27, v20;
	v6 =	vadd.f32 v52, v6;
	v52 =	vld.idx.msk [tilespmem:v57+s18+$0x0], $0xffff;
	v57 =	vadd.f32 v39, v10  }
0x2a6: {  	v10 =	vor.u32 v27, v18;
	v59 =	vor.u32 v27, v17;
	v27 =	vor.u32 v1, v17;
	v4 =	vld.idx.msk [tilespmem:v31+s18+$0x0], $0xffff  }
0x2a7: {  	v45 =	vor.u32 v1, v20;
	v11 =	vadd.f32 v8, v51;
	v8 =	vor.u32 v1, v18;
	v1 =	vld [tilespmem:$0x1F6F0];
	_ =	sdelay $0x2  }
0x2a8: {  	v6 =	vadd.f32 v15, v6;
	v15 =	vld.idx.msk [tilespmem:v54+s18+$0x0], $0xffff;
	v54 =	vadd.f32 v21, v57;
	v21 =	vor.u32 v38, v17  }
0x2a9: {  	v28 =	vor.u32 v0, v18;
	v57 =	vor.u32 v0, v17;
	v38 =	vmul.f32 v4, v29;
	v4 =	vld.idx.msk [tilespmem:v60+s18+$0x0], $0xffff  }
0x2aa: {  	v60 =	vor.u32 v0, v20;
	v0 =	vadd.f32 v61, v5;
	v61 =	vadd.f32 v1, v55;
	v1 =	vld [tilespmem:$0x1F710]  }
0x2ab: {  	v30 =	vld.idx.msk [tilespmem:v30+s18+$0x0], $0xffff  }
0x2ac: {  	v31 =	vor.u32 v41, v20;
	v19 =	vor.u32 v41, v17;
	v41 =	vld.idx.msk [tilespmem:v45+s18+$0x0], $0xffff  }
0x2ad: {  	v55 =	vadd.f32 v34, v0;
	v0 =	vld [tilespmem:$0x1F700]  }
0x2ae: {  	v45 =	vld.idx.msk [tilespmem:v25+s15+$0x0], $0xffff  }
0x2af: {  	v25 =	vadd.f32 v1, v24;
	v1 =	vld [tilespmem:$0x1F720]  }
0x2b0: {  	v20 =	vadd.f32 v7, v50;
	_ =	sdelay $0x1  }
0x2b1: {  	v2 =	vadd.f32 v3, v2;
	v3 =	vadd.f32 v0, v20  }
0x2b2: {  	v37 =	vmul.f32 v14, v29;
	v14 =	vld.idx.msk [tilespmem:v56+s18+$0x0], $0xffff  }
0x2b3: {  	v56 =	vmul.f32 v30, v62;
	v30 =	vadd.f32 v1, v3;
	v1 =	vld [tilespmem:$0x1F730];
	_ =	sdelay $0x4  }
0x2b4: {  	v1 =	vmul.f32 v1, v62;
	_ =	sdelay $0x1  }
0x2b5: {  	[tilespmem:$0x1F850] =	vst v1;
	v1 =	vld [tilespmem:$0x1F740];
	_ =	sdelay $0x2  }
0x2b6: {  	v2 =	vadd.f32 v33, v2;
	_ =	sdelay $0x1  }
0x2b7: {  	v2 =	vadd.f32 v1, v2;
	v1 =	vld [tilespmem:$0x1F750];
	_ =	sdelay $0x2  }
0x2b8: {  	v12 =	vld [tilespmem:$0x1F6C0];
	v20 =	vadd.f32 v48, v11  }
0x2b9: {  	v5 =	vld.idx.msk [tilespmem:v31+s18+$0x0], $0xffff  }
0x2ba: {  	v31 =	vadd.f32 v13, v20;
	v13 =	vadd.f32 v1, v25;
	v1 =	vld [tilespmem:$0x1F760];
	_ =	sdelay $0x2  }
0x2bb: {  	v46 =	vor.u32 v42, v18  }
0x2bc: {  	v63 =	vor.u32 v44, v18;
	v6 =	vadd.f32 v12, v6;
	v12 =	vor.u32 v43, v18;
	v18 =	vld.idx.msk [tilespmem:v32+s18+$0x0], $0xffff  }
0x2bd: {  	v50 =	vadd.f32 v1, v30;
	v1 =	vld [tilespmem:$0x1F780];
	_ =	sdelay $0x3  }
0x2be: {  	v0 =	vmul.f32 v52, v29  }
0x2bf: {  	v52 =	vmul.f32 v36, v62;
	v36 =	vmul.f32 v18, v62;
	v18 =	vadd.f32 v1, v9;
	v1 =	vld [tilespmem:$0x1F790];
	_ =	sdelay $0x4  }
0x2c0: {  	v51 =	vadd.f32 v1, v31;
	v1 =	vld [tilespmem:$0x1F7A0];
	_ =	sdelay $0x4  }
0x2c1: {  	v9 =	vmul.f32 v1, v62;
	v1 =	vld [tilespmem:$0x1F7B0];
	_ =	sdelay $0x2  }
0x2c2: {  	v7 =	vor.u32 v44, v17;
	v44 =	vmov v46;
	v46 =	vld.idx.msk [tilespmem:v19+s18+$0x0], $0xffff  }
0x2c3: {  	v19 =	vld.idx.msk [tilespmem:v27+s18+$0x0], $0xffff  }
0x2c4: {  	v27 =	vmul.f32 v1, v45;
	v1 =	vld [tilespmem:$0x1F7C0];
	_ =	sdelay $0x1  }
0x2c5: {  	v39 =	vor.u32 v40, v17  }
0x2c6: {  	v26 =	vld.idx.msk [tilespmem:v26+s18+$0x0], $0xffff  }
0x2c7: {  	v47 =	vld.idx.msk [tilespmem:v47+s15+$0x0], $0xffff  }
0x2c8: {  	v40 =	vor.u32 v43, v17;
	v25 =	vor.u32 v42, v17;
	v17 =	vadd.f32 v1, v18;
	v18 =	vld [tilespmem:$0x1F7D0]  }
0x2c9: {  	v24 =	vld.idx.msk [tilespmem:v35+s18+$0x0], $0xffff  }
0x2ca: {  	v11 =	vld.idx.msk [tilespmem:v39+s18+$0x0], $0xffff  }
0x2cb: {  	v20 =	vld.idx.msk [tilespmem:v21+s18+$0x0], $0xffff  }
0x2cc: {  	v21 =	vld [tilespmem:$0x1F7F0]  }
0x2cd: {  	p0 =	slt.u32 s1, $0x3C;
	v34 =	vmul.f32 v18, v45;
	v18 =	vld [tilespmem:$0x1F7E0]  }
.Ltmp3:
0x2ce: {  	v35 =	vmul.f32 v5, v45;
	v5 =	vmul.f32 v22, v62;
	v22 =	vld.idx.msk [tilespmem:v57+s18+$0x0], $0xffff;
	(pc) =	sbr.rel @p0 .LBB2_9-.Ltmp3, $4  }
0x2cf: {  	v33 =	vmul.f32 v58, v62;
	v3 =	vld.idx.msk [tilespmem:v40+s18+$0x0], $0xffff  }
0x2d0: {  	v15 =	vmul.f32 v15, v62;
	v48 =	vmul.f32 v26, v62;
	v30 =	vld [tilespmem:$0x1F770]  }
0x2d1: {  	v57 =	vmov v23;
	v23 =	vmul.f32 v46, v47;
	v40 =	vmul.f32 v41, v45;
	v1 =	vld.idx.msk [tilespmem:v63+s18+$0x0], $0xffff  }
0x2d2: {  	s1 =	sadd.s32 $0x4, s1;
	v26 =	vmovc v37;
	v31 =	vmov v38;
	v2 =	vadd.f32 v18, v2;
	v18 =	vld.idx.msk [tilespmem:v28+s18+$0x0], $0xffff;
	v28 =	vmul.f32 v21, v45  }
0x2d3: {  	_ =	sdelay $0x1  }
0x2d4: {  	v19 =	vmul.f32 v19, v47;
	v20 =	vmul.f32 v20, v47  }
0x2d5: {  	v11 =	vmul.f32 v11, v47;
	v22 =	vmul.f32 v22, v47  }
0x2d6: {  	v21 =	vld.idx.msk [tilespmem:v25+s18+$0x0], $0xffff;
	v13 =	vadd.f32 v23, v13;
	v24 =	vmul.f32 v24, v47;
	v19 =	vadd.f32 v19, v61  }
0x2d7: {  	v37 =	vld.idx.msk [tilespmem:v59+s18+$0x0], $0xffff;
	v3 =	vmul.f32 v3, v47;
	v11 =	vadd.f32 v11, v55;
	v41 =	vadd.f32 v22, v54  }
0x2d8: {  	v8 =	vld.idx.msk [tilespmem:v8+s18+$0x0], $0xffff;
	v17 =	vadd.f32 v24, v17;
	v46 =	vadd.f32 v20, v51  }
0x2d9: {  	v7 =	vld.idx.msk [tilespmem:v7+s18+$0x0], $0xffff;
	v2 =	vadd.f32 v3, v2;
	v15 =	vadd.f32 v15, v19  }
0x2da: {  	v38 =	vld.idx.msk [tilespmem:v60+s18+$0x0], $0xffff;
	v18 =	vmul.f32 v18, v29;
	v19 =	vadd.f32 v49, v41;
	v9 =	vadd.f32 v9, v17  }
0x2db: {  	v5 =	vadd.f32 v5, v11;
	v49 =	vmul.f32 v53, v45;
	v53 =	vmul.f32 v57, v29  }
0x2dc: {  	v10 =	vld.idx.msk [tilespmem:v10+s18+$0x0], $0xffff;
	v48 =	vadd.f32 v48, v46;
	v21 =	vmul.f32 v21, v47;
	v39 =	vmul.f32 v37, v47  }
0x2dd: {  	v8 =	vmul.f32 v8, v29;
	v2 =	vadd.f32 v33, v2;
	v18 =	vadd.f32 v18, v19  }
0x2de: {  	v7 =	vmul.f32 v7, v47;
	v0 =	vadd.f32 v0, v9;
	v5 =	vadd.f32 v53, v5  }
0x2df: {  	v12 =	vld.idx.msk [tilespmem:v12+s18+$0x0], $0xffff;
	v42 =	vmul.f32 v38, v45;
	v16 =	vadd.f32 v21, v16;
	v6 =	vadd.f32 v39, v6  }
0x2e0: {  	v8 =	vadd.f32 v8, v15;
	v7 =	vadd.f32 v7, v50  }
0x2e1: {  	v10 =	vmul.f32 v10, v29;
	v50 =	vld.idx.msk [tilespmem:v44+s18+$0x0], $0xffff;
	v43 =	vadd.f32 v42, v18;
	v6 =	vadd.f32 v52, v6  }
0x2e2: {  	v14 =	vmul.f32 v14, v45;
	v0 =	vadd.f32 v28, v0;
	v16 =	vadd.f32 v56, v16;
	v56 =	vld [tilespmem:$0x1F850]  }
0x2e3: {  	v1 =	vmul.f32 v1, v29;
	v58 =	vadd.f32 v34, v5;
	v6 =	vadd.f32 v10, v6  }
0x2e4: {  	v54 =	vmul.f32 v12, v29;
	v51 =	vadd.f32 v36, v7;
	v52 =	vadd.f32 v31, v48;
	[tilespmem:s0+$0x1A210] =	vst v0  }
0x2e5: {  	v4 =	vmul.f32 v4, v45;
	v8 =	vadd.f32 v40, v8;
	[tilespmem:s0+$0x1AA10] =	vst v43;
	v6 =	vadd.f32 v14, v6  }
0x2e6: {  	v0 =	vadd.f32 v54, v2;
	[tilespmem:s0+$0x1AE10] =	vst v58;
	v1 =	vadd.f32 v1, v51;
	v57 =	vmul.f32 v50, v29  }
0x2e7: {  	v55 =	vadd.f32 v27, v52;
	[tilespmem:s0+$0x1A410] =	vst v6;
	v6 =	vadd.f32 v56, v13  }
0x2e8: {  	p0 =	sne.s32 s31, $0x10;
	v60 =	vmul.f32 v30, v45;
	[tilespmem:s0+$0x1A610] =	vst v8;
	v0 =	vadd.f32 v4, v0;
	v61 =	vadd.f32 v57, v16  }
.Ltmp4:
0x2e9: {  	v1 =	vadd.f32 v49, v1;
	[tilespmem:s0+$0x1A810] =	vst v55;
	v59 =	vadd.f32 v26, v6;
	(pc) =	sbr.rel @p0 .LBB2_2-.Ltmp4, $4  }
0x2ea: {  	[tilespmem:s0+$0x1B010] =	vst v0;
	v63 =	vadd.f32 v60, v61  }
0x2eb: {  	[tilespmem:s0+$0x1AC10] =	vst v1;
	v62 =	vadd.f32 v35, v59  }
0x2ec: {  	[tilespmem:s0+$0x1B410] =	vst v63  }
0x2ed: {  	[tilespmem:s0+$0x1B210] =	vst v62;
	s0 =	smov.u32 s31  }
0x2ee: {  	[hbm4b:s8+s2] =	stream.linear.scatter [tilespmem:s28], [sflag:$0x3], $0x200, $0x38;
	[tilespmem:$0x1B600] =	vst v63  }
0x2ef: {  	s30 =	sadd.s32 $0x1, s30;
	_ =	swait.ge [sflag:s11], $0x200  }
0x2f0: {  	p0 =	sne.s32 s30, s10;
	[sflag:s11] =	ssyncset.done $0x0  }
.Ltmp5:
0x2f1: {  	[sflag:s11] =	ssyncadd.s32 $0xFFFFFE00;
	(pc) =	sbr.rel @p0 .LBB2_1-.Ltmp5, $4  }
0x2f2: {  	[hbm4b:s9+s2] =	stream.linear.scatter [tilespmem:s29], [sflag:$0x3], $0x2800, $0x38;
	[tilespmem:$0x1B600] =	vst v63  }
0x2f3: {  	_ =	swait.ge [sflag:s11], $0x2800  }
0x2f4: {  	[sflag:s11] =	ssyncset.done $0x0  }
0x2f5: {  	[sflag:s11] =	ssyncadd.s32 $0xFFFFD800  }
0x2f6: {  	_ =	sfence.sel $0x180000  }
0x2f7: {  	[bflag:$0x0] =	sbarrier.arrive $0xFFFF  }
0x2f8: {  	_ =	strace $0x90000047  }
0x2f9: {  	s0 =	stileid.u32;
	[bflag:$0x2] =	sbarrier.arrive $0xFFFF  }
0x2fa: {  	p0 =	sne.s32 s0, $0x0;
	s0 =	rddreg [dreg:$0x1]  }
0x2fb: {  	s0 =	sadd.s32 @!p0 $0x100000, s0  }
0x2fc: {  	[sflag:s0] =	ssyncadd.tile.s32 @!p0 $0x1;
	_ =	shalt  }
.Lfunc_end2:
_tile_overlayer_lowered:
.L_overlay_start_2:
0x2fd: {  	(tag) =	ssettag $0x2  }
0x2fe: {  	s0 =	rddreg [dreg:$0x0];
	s2 =	stileid.u32  }
0x2ff: {  	s1 =	rddreg [dreg:$0x1];
	p0 =	sne.s32 s2, $0x0  }
0x300: {  	s3 =	rddreg [dreg:$0x2];
	[bflag:$0x3] =	sbarrier.arrive $0xFFFF;
	s2 =	simm.s32 @!p0 $0x1C03  }
0x301: {  	[timem:s3], [sflag:s2] =	dma.local @!p0 [hbm:s0], s1  }
0x302: {  	s0 =	simm.s32 @!p0 $0x3  }
0x303: {  	_ =	swait.ge @!p0 [sflag:s0], s1  }
0x304: {  	s1 =	ssub.s32 @!p0 $0x0, s1;
	[sflag:s0] =	ssyncset.done @!p0 $0x0  }
0x305: {  	[sflag:s0] =	ssyncadd.s32 @!p0 s1  }
0x306: {  	[bflag:$0x3] =	sbarrier.arrive $0xFFFF  }
0x307: {  	_ =	shalt  }

</sc_bundles>
